<compile_context>
chip_gen: v7x
topology: tpu7x:2x2x1
jax: 0.10.2.dev20260603
libtpu: 0.0.44.dev20260713+nightly
codegen_flags: <defaults>
</compile_context>

<pallas_src>
import functools

import jax
import jax.numpy as jnp
from jax import lax
from jax.experimental import pallas as pl
from jax.experimental.pallas import tpu as pltpu
from jax.experimental.pallas import tpu_sc as plsc

_NC = 2
_NS = 16
_CH = 128


_NW = _NC * _NS


def _chunk_layout(e):
    nchunks = e // _CH
    bmax = (-(-nchunks // _NW) + 7) & ~7
    return nchunks, bmax


def _striped(n):
    rpt = (n // _NS) & ~7
    last = n - (_NS - 1) * rpt

    def copy(mk_src, mk_dst, sid):
        @pl.when(sid < _NS - 1)
        def _():
            pltpu.sync_copy(mk_src(sid * rpt, rpt), mk_dst(sid * rpt, rpt))

        @pl.when(sid == _NS - 1)
        def _():
            pltpu.sync_copy(mk_src((_NS - 1) * rpt, last),
                            mk_dst((_NS - 1) * rpt, last))

    return copy


def _seg_sum(n, e, w, nb=2, phases=1):
    nchunks, bmax = _chunk_layout(e)
    striped = _striped(n)
    pb = bmax // phases
    assert pb % nb == 0 and pb * phases == bmax

    def body(src_hbm, dst_hbm, table_hbm, zeros_hbm, out_hbm,
             sidx_all, didx_all, *rest):
        rows = rest[:nb]
        sg = rest[nb:2 * nb]
        acc = rest[2 * nb]
        cid = lax.axis_index("c")
        sid = lax.axis_index("s")
        wid = cid * _NS + sid
        w0 = wid * bmax
        nch = jnp.minimum(bmax, nchunks - w0)

        striped(lambda o, s: zeros_hbm.at[pl.ds(o, s)],
                lambda o, s: acc.at[pl.ds(o, s)], sid)
        plsc.subcore_barrier()

        for ph in range(phases):
            nch_ph = jnp.clip(nch - ph * pb, 0, pb)
            pltpu.sync_copy(src_hbm.at[pl.ds(w0 + ph * pb, pb)], sidx_all)
            pltpu.sync_copy(dst_hbm.at[pl.ds(w0 + ph * pb, pb)], didx_all)

            for b in range(nb):
                @pl.when(b < nch_ph)
                def _(b=b):
                    pltpu.async_copy(table_hbm.at[sidx_all.at[b]],
                                     rows[b], sg[b])

            def step(i, carry):
                base = i * nb
                for b in range(nb):
                    k = base + b

                    @pl.when(k < nch_ph)
                    def _(b=b, k=k):
                        pltpu.make_async_copy(
                            table_hbm.at[sidx_all.at[k]],
                            rows[b], sg[b]).wait()
                        pltpu.sync_copy(rows[b], acc.at[didx_all.at[k]],
                                        add=True)
                    kn = base + nb + b

                    @pl.when(kn < nch_ph)
                    def _(b=b, kn=kn):
                        pltpu.async_copy(table_hbm.at[sidx_all.at[kn]],
                                         rows[b], sg[b])
                return carry

            lax.fori_loop(0, pb // nb, step, 0)

        plsc.subcore_barrier()
        striped(lambda o, s: acc.at[pl.ds(o, s)],
                lambda o, s: out_hbm.at[pl.ds(cid * n + o, s)], sid)

    return functools.partial(
        pl.kernel,
        out_type=jax.ShapeDtypeStruct((_NC * n, w), jnp.float32),
        mesh=plsc.VectorSubcoreMesh(core_axis_name="c", subcore_axis_name="s"),
        scratch_types=[
            pltpu.VMEM((pb, _CH), jnp.int32),
            pltpu.VMEM((pb, _CH), jnp.int32),
        ] + [pltpu.VMEM((_CH, w), jnp.float32)] * nb
          + [pltpu.SemaphoreType.DMA] * nb
          + [pltpu.VMEM_SHARED((n, w), jnp.float32)],
    )(body)


def _deg_count(n, e, grp=4):
    nchunks, bmax = _chunk_layout(e)
    striped = _striped(n)
    assert bmax % grp == 0

    def body(dst_hbm, ones_hbm, zeros_hbm, out_hbm, didx_all, rows, *rest):
        sems = rest[:grp]
        acc = rest[grp]
        cid = lax.axis_index("c")
        sid = lax.axis_index("s")
        wid = cid * _NS + sid
        w0 = wid * bmax
        nch = jnp.minimum(bmax, nchunks - w0)

        pltpu.sync_copy(dst_hbm.at[pl.ds(w0, bmax)], didx_all)
        pltpu.sync_copy(ones_hbm, rows)
        striped(lambda o, s: zeros_hbm.at[pl.ds(o, s)],
                lambda o, s: acc.at[pl.ds(o, s)], sid)
        plsc.subcore_barrier()

        def step(i, carry):
            base = i * grp
            sds = [None] * grp
            for b in range(grp):
                k = base + b

                @pl.when(k < nch)
                def _(b=b, k=k):
                    sds[b] = pltpu.make_async_copy(
                        rows, acc.at[didx_all.at[k]], sems[b])
                    sds[b].start(add=True)
            for b in range(grp):
                k = base + b

                @pl.when(k < nch)
                def _(b=b):
                    sds[b].wait()
            return carry

        lax.fori_loop(0, bmax // grp, step, 0)
        plsc.subcore_barrier()
        striped(lambda o, s: acc.at[pl.ds(o, s)],
                lambda o, s: out_hbm.at[pl.ds(cid * n + o, s)], sid)

    return functools.partial(
        pl.kernel,
        out_type=jax.ShapeDtypeStruct((_NC * n, 16), jnp.float32),
        mesh=plsc.VectorSubcoreMesh(core_axis_name="c", subcore_axis_name="s"),
        scratch_types=[
            pltpu.VMEM((bmax, _CH), jnp.int32),
            pltpu.VMEM((_CH, 16), jnp.float32),
        ] + [pltpu.SemaphoreType.DMA] * grp
          + [pltpu.VMEM_SHARED((n, 16), jnp.float32)],
    )(body)


def _dinv_of(da_ref, db_ref):
    deg = da_ref[:, 0:1] + db_ref[:, 0:1] + 1.0
    return lax.rsqrt(deg)


def _tc_matmul(n, bn):
    grid = n // bn

    def body(x_ref, w_ref, o_ref):
        o_ref[...] = jnp.dot(x_ref[...], w_ref[...],
                             preferred_element_type=jnp.float32)

    return pl.pallas_call(
        body,
        grid=(grid,),
        in_specs=[
            pl.BlockSpec((bn, 128), lambda i: (i, 0)),
            pl.BlockSpec((128, 128), lambda i: (0, 0)),
        ],
        out_specs=pl.BlockSpec((bn, 128), lambda i: (i, 0)),
        out_shape=jax.ShapeDtypeStruct((n, 128), jnp.float32),
    )


def _tc_scale(n, bn):
    grid = n // bn

    def body(hw_ref, da_ref, db_ref, o_ref):
        dinv = _dinv_of(da_ref, db_ref)
        o_ref[...] = hw_ref[...] * dinv

    return pl.pallas_call(
        body,
        grid=(grid,),
        in_specs=[
            pl.BlockSpec((bn, 128), lambda i: (i, 0)),
            pl.BlockSpec((bn, 16), lambda i: (i, 0)),
            pl.BlockSpec((bn, 16), lambda i: (i + grid, 0)),
        ],
        out_specs=pl.BlockSpec((bn, 128), lambda i: (i, 0)),
        out_shape=jax.ShapeDtypeStruct((n, 128), jnp.float32),
    )


def _tc_mid(n, bn):
    grid = n // bn

    def body(pa_ref, pb_ref, hs_ref, da_ref, db_ref, b_ref, w_ref, o_ref):
        dinv = _dinv_of(da_ref, db_ref)
        h = (pa_ref[...] + pb_ref[...] + hs_ref[...]) * dinv + b_ref[...]
        h = jnp.maximum(h, 0.0)
        o_ref[...] = jnp.dot(h, w_ref[...],
                             preferred_element_type=jnp.float32) * dinv

    return pl.pallas_call(
        body,
        grid=(grid,),
        in_specs=[
            pl.BlockSpec((bn, 128), lambda i: (i, 0)),
            pl.BlockSpec((bn, 128), lambda i: (i + grid, 0)),
            pl.BlockSpec((bn, 128), lambda i: (i, 0)),
            pl.BlockSpec((bn, 16), lambda i: (i, 0)),
            pl.BlockSpec((bn, 16), lambda i: (i + grid, 0)),
            pl.BlockSpec((1, 128), lambda i: (0, 0)),
            pl.BlockSpec((128, 128), lambda i: (0, 0)),
        ],
        out_specs=pl.BlockSpec((bn, 128), lambda i: (i, 0)),
        out_shape=jax.ShapeDtypeStruct((n, 128), jnp.float32),
    )


def _tc_mu(n, bn):
    grid = n // bn

    def body(pa_ref, pb_ref, hs_ref, da_ref, db_ref, bmu_ref, o_ref):
        dinv = _dinv_of(da_ref, db_ref)
        s = (pa_ref[...] + pb_ref[...] + hs_ref[...])[:, :64]
        o_ref[...] = s * dinv + bmu_ref[...]

    return pl.pallas_call(
        body,
        grid=(grid,),
        in_specs=[
            pl.BlockSpec((bn, 128), lambda i: (i, 0)),
            pl.BlockSpec((bn, 128), lambda i: (i + grid, 0)),
            pl.BlockSpec((bn, 128), lambda i: (i, 0)),
            pl.BlockSpec((bn, 16), lambda i: (i, 0)),
            pl.BlockSpec((bn, 16), lambda i: (i + grid, 0)),
            pl.BlockSpec((1, 64), lambda i: (0, 0)),
        ],
        out_specs=pl.BlockSpec((bn, 64), lambda i: (i, 0)),
        out_shape=jax.ShapeDtypeStruct((n, 64), jnp.float32),
    )


def _tc_decode_t(n, rows, br):
    grid = rows // br

    def body(w_ref, b_ref, mu_ref, o_ref):
        g = jnp.dot(w_ref[...], mu_ref[...],
                    preferred_element_type=jnp.float32)
        o_ref[...] = g + b_ref[...]

    return pl.pallas_call(
        body,
        grid=(grid,),
        in_specs=[
            pl.BlockSpec((br, 64), lambda i: (i, 0)),
            pl.BlockSpec((br, 1), lambda i: (i, 0)),
            pl.BlockSpec((64, n), lambda i: (0, 0)),
        ],
        out_specs=pl.BlockSpec((br, n), lambda i: (i, 0)),
        out_shape=jax.ShapeDtypeStruct((rows, n), jnp.float32),
    )


def kernel(x, edge_index, W1, b1, Wmu, bmu, Wsig, bsig, Wnc, bnc, Wnf, bnf):
    n = x.shape[0]
    e = edge_index.shape[1]
    hid = Wmu.shape[1]
    dnc = Wnc.shape[1]
    dnf = Wnf.shape[1]
    nmax = 40
    bn = 1000

    _, bmax = _chunk_layout(e)
    pad = bmax * _NW * _CH - e
    src2d = jnp.pad(edge_index[0], (0, pad)).reshape(-1, _CH)
    dst2d = jnp.pad(edge_index[1], (0, pad)).reshape(-1, _CH)

    ones16 = jnp.ones((_CH, 16), jnp.float32)
    z16 = jnp.zeros((n, 16), jnp.float32)
    z128 = jnp.zeros((n, 2 * hid), jnp.float32)

    dega = _deg_count(n, e)(dst2d, ones16, z16)
    hw = _tc_matmul(n, bn)(x, W1)
    hs1 = _tc_scale(n, bn)(hw, dega, dega)
    p1 = _seg_sum(n, e, 2 * hid, phases=2)(src2d, dst2d, hs1, z128)
    wmu_pad = jnp.concatenate(
        [Wmu, jnp.zeros((2 * hid, 2 * hid - hid), jnp.float32)], axis=1)
    hs2 = _tc_mid(n, bn)(p1, p1, hs1, dega, dega,
                         b1.reshape(1, -1), wmu_pad)
    p2 = _seg_sum(n, e, 2 * hid, phases=2)(src2d, dst2d, hs2, z128)
    mu = _tc_mu(n, bn)(p2, p2, hs2, dega, dega, bmu.reshape(1, -1))

    ncls = dnc // nmax
    wncp = Wnc.reshape(-1, nmax, ncls).transpose(2, 1, 0).reshape(dnc, -1)
    bncp = bnc.reshape(nmax, ncls).T.reshape(dnc, 1)
    mu_t = mu.T
    g = _tc_decode_t(n, dnc, 240)(wncp, bncp, mu_t)
    h = _tc_decode_t(n, dnf, 256)(Wnf.T, bnf.reshape(dnf, 1), mu_t)
    f_hat = g.reshape(ncls, nmax, n).transpose(2, 1, 0)
    feat_hat = h.reshape(nmax, dnf // nmax, n).transpose(2, 0, 1)
    return (f_hat, feat_hat)

# --- scband reference (transcript-rebuilt; emitter-appended) ---
"""Pipeline reference for scband-graph-vae-24352464570187 (READ-ONLY COPY).

The authoritative reference and input builder live on the scoring server;
editing this copy changes nothing except your own understanding.
"""

import jax, jax.numpy as jnp
import numpy as np

N = 10000
E = 320000
D_IN = 128
HID = 64
NMAX = 40
NCLASS = 30
MAX_LOGSTD = 10.0


def setup_inputs(seed: int = 0) -> dict:
    key = jax.random.key(seed)
    ks = jax.random.split(key, 12)
    x = jax.random.normal(ks[0], (N, D_IN), dtype=jnp.float32)
    edge_index = jax.random.randint(ks[1], (2, E), 0, N, dtype=jnp.int32)
    W1 = jax.random.normal(ks[2], (D_IN, 2 * HID), dtype=jnp.float32) / np.sqrt(D_IN)
    b1 = jnp.zeros((2 * HID,), dtype=jnp.float32)
    Wmu = jax.random.normal(ks[3], (2 * HID, HID), dtype=jnp.float32) / np.sqrt(2 * HID)
    bmu = jnp.zeros((HID,), dtype=jnp.float32)
    Wsig = jax.random.normal(ks[4], (2 * HID, HID), dtype=jnp.float32) / np.sqrt(2 * HID)
    bsig = jnp.zeros((HID,), dtype=jnp.float32)
    Wnc = jax.random.normal(ks[5], (HID, NCLASS * NMAX), dtype=jnp.float32) / np.sqrt(HID)
    bnc = jnp.zeros((NCLASS * NMAX,), dtype=jnp.float32)
    Wnf = jax.random.normal(ks[6], (HID, HID * NMAX), dtype=jnp.float32) / np.sqrt(HID)
    bnf = jnp.zeros((HID * NMAX,), dtype=jnp.float32)
    return {"x": x, "edge_index": edge_index, "W1": W1, "b1": b1,
            "Wmu": Wmu, "bmu": bmu, "Wsig": Wsig, "bsig": bsig,
            "Wnc": Wnc, "bnc": bnc, "Wnf": Wnf, "bnf": bnf}


def _gcn_conv(x, W, b, src, dst, norm, n):
    h = x @ W
    msg = h[src] * norm[:, None]
    out = jnp.zeros((n, W.shape[1]), dtype=x.dtype).at[dst].add(msg)
    return out + b


def reference(x, edge_index, W1, b1, Wmu, bmu, Wsig, bsig, Wnc, bnc, Wnf, bnf):
    n = x.shape[0]
    loop = jnp.arange(n, dtype=edge_index.dtype)
    src = jnp.concatenate([edge_index[0], loop])
    dst = jnp.concatenate([edge_index[1], loop])
    deg = jnp.zeros((n,), dtype=x.dtype).at[dst].add(1.0)
    dinv = jnp.where(deg > 0, 1.0 / jnp.sqrt(deg), 0.0)
    norm = dinv[src] * dinv[dst]
    h = jax.nn.relu(_gcn_conv(x, W1, b1, src, dst, norm, n))
    mu = _gcn_conv(h, Wmu, bmu, src, dst, norm, n)
    logstd = jnp.minimum(_gcn_conv(h, Wsig, bsig, src, dst, norm, n), MAX_LOGSTD)
    # eval-mode reparametrize: z = mu (logstd computed for faithfulness)
    z = mu + 0.0 * logstd * 0.0
    z = mu
    F_hat = (z @ Wnc + bnc).reshape(-1, NMAX, NCLASS)
    Feat_hat = (z @ Wnf + bnf).reshape(-1, NMAX, HID)
    return (F_hat, Feat_hat)

if __name__ == "__main__":
    import jax
    _d = setup_inputs()
    print(jax.jit(kernel)(*tuple(_d.values())))

</pallas_src>

<mosaic_0001>
#map = affine_map<(d0, d1) -> (0, 0)>
module attributes {stable_mosaic.version = 14 : i64} {
  func.func @body(%arg0: i32, %arg1: i32, %arg2: memref<2560x128xi32, #tpu.memory_space<hbm>>, %arg3: memref<128x16xf32, #tpu.memory_space<hbm>>, %arg4: memref<10000x16xf32, #tpu.memory_space<hbm>>, %arg5: memref<20000x16xf32, #tpu.memory_space<hbm>>, %arg6: memref<80x128xi32, #tpu.memory_space<vmem>>, %arg7: memref<128x16xf32, #tpu.memory_space<vmem>>, %arg8: memref<!tpu.dma_semaphore, #tpu.memory_space<semaphore_mem>>, %arg9: memref<!tpu.dma_semaphore, #tpu.memory_space<semaphore_mem>>, %arg10: memref<!tpu.dma_semaphore, #tpu.memory_space<semaphore_mem>>, %arg11: memref<!tpu.dma_semaphore, #tpu.memory_space<semaphore_mem>>, %arg12: memref<10000x16xf32, #tpu.memory_space<vmem_shared>>) attributes {dimension_semantics = [#tpu.dimension_semantics<core_parallel>, #tpu.dimension_semantics<subcore_parallel>], iteration_bounds = array<i64: 2, 16>, scalar_prefetch = 0 : i64, scratch_operands = 7 : i64, tpu.core_type = #tpu.core_type<sc_vector_subcore>, window_params = [{transform_indices = #map}, {transform_indices = #map}, {transform_indices = #map}, {transform_indices = #map}]} {
    %mul3A = arith.constant 16 : i32
    %mul3A_0 = arith.muli %arg0, %mul3A : i32
    %add3A = arith.addi %mul3A_0, %arg1 : i32
    %mul3A_1 = arith.constant 80 : i32
    %mul3A_2 = arith.muli %add3A, %mul3A_1 : i32
    %sub3A = arith.constant 2500 : i32
    %sub3A_3 = arith.subi %sub3A, %mul3A_2 : i32
    %min3A = arith.constant 80 : i32
    %min3A_4 = arith.minsi %min3A, %sub3A_3 : i32
    "tpu.region"() ({
      %run_scoped3A = tpu.sem_alloc : memref<!tpu.dma_semaphore, #tpu.memory_space<semaphore_mem>>
      %dma_start3A = arith.constant 0 : i32
      %dma_start3A_27 = tpu.memref_slice %arg2[%mul3A_2, %dma_start3A] : memref<2560x128xi32, #tpu.memory_space<hbm>> -> memref<80x128xi32, #tpu.memory_space<hbm>>
      %dma_start3A_28 = arith.constant 0 : i32
      %dma_start3A_29 = tpu.memref_slice %arg2[%mul3A_2, %dma_start3A_28] : memref<2560x128xi32, #tpu.memory_space<hbm>> -> memref<80x128xi32, #tpu.memory_space<hbm>>
      tpu.enqueue_dma source(%dma_start3A_29 : memref<80x128xi32, #tpu.memory_space<hbm>>) target(%arg6 : memref<80x128xi32, #tpu.memory_space<vmem>>) target_semaphore(%run_scoped3A : memref<!tpu.dma_semaphore, #tpu.memory_space<semaphore_mem>>)
      %dma_wait3A = arith.constant 0 : i32
      %dma_wait3A_30 = tpu.memref_slice %arg2[%mul3A_2, %dma_wait3A] : memref<2560x128xi32, #tpu.memory_space<hbm>> -> memref<80x128xi32, #tpu.memory_space<hbm>>
      %dma_wait3A_31 = arith.constant 0 : i32
      %dma_wait3A_32 = tpu.memref_slice %arg2[%mul3A_2, %dma_wait3A_31] : memref<2560x128xi32, #tpu.memory_space<hbm>> -> memref<80x128xi32, #tpu.memory_space<hbm>>
      tpu.wait_dma2 semaphore(%run_scoped3A : memref<!tpu.dma_semaphore, #tpu.memory_space<semaphore_mem>>) src(%dma_wait3A_32 : memref<80x128xi32, #tpu.memory_space<hbm>>) dst(%arg6 : memref<80x128xi32, #tpu.memory_space<vmem>>)
      tpu.yield
    }) : () -> ()
    "tpu.region"() ({
      %run_scoped3A = tpu.sem_alloc : memref<!tpu.dma_semaphore, #tpu.memory_space<semaphore_mem>>
      tpu.enqueue_dma source(%arg3 : memref<128x16xf32, #tpu.memory_space<hbm>>) target(%arg7 : memref<128x16xf32, #tpu.memory_space<vmem>>) target_semaphore(%run_scoped3A : memref<!tpu.dma_semaphore, #tpu.memory_space<semaphore_mem>>)
      tpu.wait_dma2 semaphore(%run_scoped3A : memref<!tpu.dma_semaphore, #tpu.memory_space<semaphore_mem>>) src(%arg3 : memref<128x16xf32, #tpu.memory_space<hbm>>) dst(%arg7 : memref<128x16xf32, #tpu.memory_space<vmem>>)
      tpu.yield
    }) : () -> ()
    %lt3A = arith.constant 15 : i32
    %lt3A_5 = arith.cmpi slt, %arg1, %lt3A : i32
    %convert_element_type3A = arith.extui %lt3A_5 : i1 to i32
    %cond3A = arith.constant 0 : i32
    %cond3A_6 = arith.cmpi ne, %convert_element_type3A, %cond3A : i32
    scf.if %cond3A_6 {
      %mul3A_27 = arith.constant 624 : i32
      %mul3A_28 = arith.muli %arg1, %mul3A_27 : i32
      %mul3A_29 = arith.constant 624 : i32
      %mul3A_30 = arith.muli %arg1, %mul3A_29 : i32
      "tpu.region"() ({
        %run_scoped3A = tpu.sem_alloc : memref<!tpu.dma_semaphore, #tpu.memory_space<semaphore_mem>>
        %dma_start3A = arith.constant 0 : i32
        %dma_start3A_31 = tpu.memref_slice %arg12[%mul3A_30, %dma_start3A] : memref<10000x16xf32, #tpu.memory_space<vmem_shared>> -> memref<624x16xf32, #tpu.memory_space<vmem_shared>>
        %dma_start3A_32 = arith.constant 0 : i32
        %dma_start3A_33 = tpu.memref_slice %arg4[%mul3A_28, %dma_start3A_32] : memref<10000x16xf32, #tpu.memory_space<hbm>> -> memref<624x16xf32, #tpu.memory_space<hbm>>
        tpu.enqueue_dma source(%dma_start3A_33 : memref<624x16xf32, #tpu.memory_space<hbm>>) target(%dma_start3A_31 : memref<624x16xf32, #tpu.memory_space<vmem_shared>>) target_semaphore(%run_scoped3A : memref<!tpu.dma_semaphore, #tpu.memory_space<semaphore_mem>>)
        %dma_wait3A = arith.constant 0 : i32
        %dma_wait3A_34 = tpu.memref_slice %arg12[%mul3A_30, %dma_wait3A] : memref<10000x16xf32, #tpu.memory_space<vmem_shared>> -> memref<624x16xf32, #tpu.memory_space<vmem_shared>>
        %dma_wait3A_35 = arith.constant 0 : i32
        %dma_wait3A_36 = tpu.memref_slice %arg4[%mul3A_28, %dma_wait3A_35] : memref<10000x16xf32, #tpu.memory_space<hbm>> -> memref<624x16xf32, #tpu.memory_space<hbm>>
        tpu.wait_dma2 semaphore(%run_scoped3A : memref<!tpu.dma_semaphore, #tpu.memory_space<semaphore_mem>>) src(%dma_wait3A_36 : memref<624x16xf32, #tpu.memory_space<hbm>>) dst(%dma_wait3A_34 : memref<624x16xf32, #tpu.memory_space<vmem_shared>>)
        tpu.yield
      }) : () -> ()
    } else {
    }
    %eq3A = arith.constant 15 : i32
    %eq3A_7 = arith.cmpi eq, %arg1, %eq3A : i32
    %convert_element_type3A_8 = arith.extui %eq3A_7 : i1 to i32
    %cond3A_9 = arith.constant 0 : i32
    %cond3A_10 = arith.cmpi ne, %convert_element_type3A_8, %cond3A_9 : i32
    scf.if %cond3A_10 {
      "tpu.region"() ({
        %run_scoped3A = tpu.sem_alloc : memref<!tpu.dma_semaphore, #tpu.memory_space<semaphore_mem>>
        %dma_start3A = arith.constant 9360 : i32
        %dma_start3A_27 = arith.constant 0 : i32
        %dma_start3A_28 = tpu.memref_slice %arg12[%dma_start3A, %dma_start3A_27] : memref<10000x16xf32, #tpu.memory_space<vmem_shared>> -> memref<640x16xf32, #tpu.memory_space<vmem_shared>>
        %dma_start3A_29 = arith.constant 9360 : i32
        %dma_start3A_30 = arith.constant 0 : i32
        %dma_start3A_31 = tpu.memref_slice %arg4[%dma_start3A_29, %dma_start3A_30] : memref<10000x16xf32, #tpu.memory_space<hbm>> -> memref<640x16xf32, #tpu.memory_space<hbm>>
        tpu.enqueue_dma source(%dma_start3A_31 : memref<640x16xf32, #tpu.memory_space<hbm>>) target(%dma_start3A_28 : memref<640x16xf32, #tpu.memory_space<vmem_shared>>) target_semaphore(%run_scoped3A : memref<!tpu.dma_semaphore, #tpu.memory_space<semaphore_mem>>)
        %dma_wait3A = arith.constant 9360 : i32
        %dma_wait3A_32 = arith.constant 0 : i32
        %dma_wait3A_33 = tpu.memref_slice %arg12[%dma_wait3A, %dma_wait3A_32] : memref<10000x16xf32, #tpu.memory_space<vmem_shared>> -> memref<640x16xf32, #tpu.memory_space<vmem_shared>>
        %dma_wait3A_34 = arith.constant 9360 : i32
        %dma_wait3A_35 = arith.constant 0 : i32
        %dma_wait3A_36 = tpu.memref_slice %arg4[%dma_wait3A_34, %dma_wait3A_35] : memref<10000x16xf32, #tpu.memory_space<hbm>> -> memref<640x16xf32, #tpu.memory_space<hbm>>
        tpu.wait_dma2 semaphore(%run_scoped3A : memref<!tpu.dma_semaphore, #tpu.memory_space<semaphore_mem>>) src(%dma_wait3A_36 : memref<640x16xf32, #tpu.memory_space<hbm>>) dst(%dma_wait3A_33 : memref<640x16xf32, #tpu.memory_space<vmem_shared>>)
        tpu.yield
      }) : () -> ()
    } else {
    }
    %barrier3A = arith.constant 0 : index
    tpu.barrier barrier_id(%barrier3A)
    %scan3A = arith.constant 0 : i32
    %scan3A_11 = arith.constant 0 : i32
    %scan3A_12 = arith.constant 20 : i32
    %scan3A_13 = arith.addi %scan3A_11, %scan3A_12 : i32
    %scan3A_14 = arith.constant 1 : i32
    scf.for %scan3A_27 = %scan3A_11 to %scan3A_13 step %scan3A_14  : i32 {
      %mul3A_28 = arith.constant 4 : i32
      %mul3A_29 = arith.muli %scan3A_27, %mul3A_28 : i32
      %add3A_30 = arith.constant 0 : i32
      %add3A_31 = arith.addi %mul3A_29, %add3A_30 : i32
      %lt3A_32 = arith.cmpi slt, %add3A_31, %min3A_4 : i32
      %convert_element_type3A_33 = arith.extui %lt3A_32 : i1 to i32
      %cond3A_34 = arith.constant 0 : i32
      %cond3A_35 = arith.cmpi ne, %convert_element_type3A_33, %cond3A_34 : i32
      scf.if %cond3A_35 {
        %dma_start3A = arith.constant 0 : i32
        %dma_start3A_78 = tpu.memref_slice %arg6[%add3A_31, %dma_start3A] : memref<80x128xi32, #tpu.memory_space<vmem>> -> memref<1x128xi32, #tpu.memory_space<vmem>>
        %dma_start3A_79 = tpu.memref_squeeze %dma_start3A_78 : memref<1x128xi32, #tpu.memory_space<vmem>> -> memref<128xi32, #tpu.memory_space<vmem>>
        %dma_start3A_80 = arith.constant 0 : i32
        %dma_start3A_81 = arith.constant 0 : i32
        %dma_start3A_82 = tpu.memref_slice %arg12[%dma_start3A_80, %dma_start3A_81] : memref<10000x16xf32, #tpu.memory_space<vmem_shared>> -> memref<10000x16xf32, #tpu.memory_space<vmem_shared>>
        tpu.enqueue_indirect_dma source(%arg7 : memref<128x16xf32, #tpu.memory_space<vmem>>) target(%dma_start3A_82 : memref<10000x16xf32, #tpu.memory_space<vmem_shared>>) offsets(%dma_start3A_79 : memref<128xi32, #tpu.memory_space<vmem>>) semaphore(%arg8 : memref<!tpu.dma_semaphore, #tpu.memory_space<semaphore_mem>>) {add = true}
      } else {
      }
      %add3A_36 = arith.constant 1 : i32
      %add3A_37 = arith.addi %mul3A_29, %add3A_36 : i32
      %lt3A_38 = arith.cmpi slt, %add3A_37, %min3A_4 : i32
      %convert_element_type3A_39 = arith.extui %lt3A_38 : i1 to i32
      %cond3A_40 = arith.constant 0 : i32
      %cond3A_41 = arith.cmpi ne, %convert_element_type3A_39, %cond3A_40 : i32
      scf.if %cond3A_41 {
        %dma_start3A = arith.constant 0 : i32
        %dma_start3A_78 = tpu.memref_slice %arg6[%add3A_37, %dma_start3A] : memref<80x128xi32, #tpu.memory_space<vmem>> -> memref<1x128xi32, #tpu.memory_space<vmem>>
        %dma_start3A_79 = tpu.memref_squeeze %dma_start3A_78 : memref<1x128xi32, #tpu.memory_space<vmem>> -> memref<128xi32, #tpu.memory_space<vmem>>
        %dma_start3A_80 = arith.constant 0 : i32
        %dma_start3A_81 = arith.constant 0 : i32
        %dma_start3A_82 = tpu.memref_slice %arg12[%dma_start3A_80, %dma_start3A_81] : memref<10000x16xf32, #tpu.memory_space<vmem_shared>> -> memref<10000x16xf32, #tpu.memory_space<vmem_shared>>
        tpu.enqueue_indirect_dma source(%arg7 : memref<128x16xf32, #tpu.memory_space<vmem>>) target(%dma_start3A_82 : memref<10000x16xf32, #tpu.memory_space<vmem_shared>>) offsets(%dma_start3A_79 : memref<128xi32, #tpu.memory_space<vmem>>) semaphore(%arg9 : memref<!tpu.dma_semaphore, #tpu.memory_space<semaphore_mem>>) {add = true}
      } else {
      }
      %add3A_42 = arith.constant 2 : i32
      %add3A_43 = arith.addi %mul3A_29, %add3A_42 : i32
      %lt3A_44 = arith.cmpi slt, %add3A_43, %min3A_4 : i32
      %convert_element_type3A_45 = arith.extui %lt3A_44 : i1 to i32
      %cond3A_46 = arith.constant 0 : i32
      %cond3A_47 = arith.cmpi ne, %convert_element_type3A_45, %cond3A_46 : i32
      scf.if %cond3A_47 {
        %dma_start3A = arith.constant 0 : i32
        %dma_start3A_78 = tpu.memref_slice %arg6[%add3A_43, %dma_start3A] : memref<80x128xi32, #tpu.memory_space<vmem>> -> memref<1x128xi32, #tpu.memory_space<vmem>>
        %dma_start3A_79 = tpu.memref_squeeze %dma_start3A_78 : memref<1x128xi32, #tpu.memory_space<vmem>> -> memref<128xi32, #tpu.memory_space<vmem>>
        %dma_start3A_80 = arith.constant 0 : i32
        %dma_start3A_81 = arith.constant 0 : i32
        %dma_start3A_82 = tpu.memref_slice %arg12[%dma_start3A_80, %dma_start3A_81] : memref<10000x16xf32, #tpu.memory_space<vmem_shared>> -> memref<10000x16xf32, #tpu.memory_space<vmem_shared>>
        tpu.enqueue_indirect_dma source(%arg7 : memref<128x16xf32, #tpu.memory_space<vmem>>) target(%dma_start3A_82 : memref<10000x16xf32, #tpu.memory_space<vmem_shared>>) offsets(%dma_start3A_79 : memref<128xi32, #tpu.memory_space<vmem>>) semaphore(%arg10 : memref<!tpu.dma_semaphore, #tpu.memory_space<semaphore_mem>>) {add = true}
      } else {
      }
      %add3A_48 = arith.constant 3 : i32
      %add3A_49 = arith.addi %mul3A_29, %add3A_48 : i32
      %lt3A_50 = arith.cmpi slt, %add3A_49, %min3A_4 : i32
      %convert_element_type3A_51 = arith.extui %lt3A_50 : i1 to i32
      %cond3A_52 = arith.constant 0 : i32
      %cond3A_53 = arith.cmpi ne, %convert_element_type3A_51, %cond3A_52 : i32
      scf.if %cond3A_53 {
        %dma_start3A = arith.constant 0 : i32
        %dma_start3A_78 = tpu.memref_slice %arg6[%add3A_49, %dma_start3A] : memref<80x128xi32, #tpu.memory_space<vmem>> -> memref<1x128xi32, #tpu.memory_space<vmem>>
        %dma_start3A_79 = tpu.memref_squeeze %dma_start3A_78 : memref<1x128xi32, #tpu.memory_space<vmem>> -> memref<128xi32, #tpu.memory_space<vmem>>
        %dma_start3A_80 = arith.constant 0 : i32
        %dma_start3A_81 = arith.constant 0 : i32
        %dma_start3A_82 = tpu.memref_slice %arg12[%dma_start3A_80, %dma_start3A_81] : memref<10000x16xf32, #tpu.memory_space<vmem_shared>> -> memref<10000x16xf32, #tpu.memory_space<vmem_shared>>
        tpu.enqueue_indirect_dma source(%arg7 : memref<128x16xf32, #tpu.memory_space<vmem>>) target(%dma_start3A_82 : memref<10000x16xf32, #tpu.memory_space<vmem_shared>>) offsets(%dma_start3A_79 : memref<128xi32, #tpu.memory_space<vmem>>) semaphore(%arg11 : memref<!tpu.dma_semaphore, #tpu.memory_space<semaphore_mem>>) {add = true}
      } else {
      }
      %add3A_54 = arith.constant 0 : i32
      %add3A_55 = arith.addi %mul3A_29, %add3A_54 : i32
      %lt3A_56 = arith.cmpi slt, %add3A_55, %min3A_4 : i32
      %convert_element_type3A_57 = arith.extui %lt3A_56 : i1 to i32
      %cond3A_58 = arith.constant 0 : i32
      %cond3A_59 = arith.cmpi ne, %convert_element_type3A_57, %cond3A_58 : i32
      scf.if %cond3A_59 {
        %dma_wait3A = arith.constant 0 : i32
        %dma_wait3A_78 = tpu.memref_slice %arg6[%add3A_31, %dma_wait3A] : memref<80x128xi32, #tpu.memory_space<vmem>> -> memref<1x128xi32, #tpu.memory_space<vmem>>
        %dma_wait3A_79 = tpu.memref_squeeze %dma_wait3A_78 : memref<1x128xi32, #tpu.memory_space<vmem>> -> memref<128xi32, #tpu.memory_space<vmem>>
        %dma_wait3A_80 = arith.constant 0 : i32
        %dma_wait3A_81 = arith.constant 0 : i32
        %dma_wait3A_82 = tpu.memref_slice %arg12[%dma_wait3A_80, %dma_wait3A_81] : memref<10000x16xf32, #tpu.memory_space<vmem_shared>> -> memref<10000x16xf32, #tpu.memory_space<vmem_shared>>
        tpu.wait_indirect_dma semaphore(%arg8 : memref<!tpu.dma_semaphore, #tpu.memory_space<semaphore_mem>>) src(%arg7 : memref<128x16xf32, #tpu.memory_space<vmem>>) dst(%dma_wait3A_82 : memref<10000x16xf32, #tpu.memory_space<vmem_shared>>)
      } else {
      }
      %add3A_60 = arith.constant 1 : i32
      %add3A_61 = arith.addi %mul3A_29, %add3A_60 : i32
      %lt3A_62 = arith.cmpi slt, %add3A_61, %min3A_4 : i32
      %convert_element_type3A_63 = arith.extui %lt3A_62 : i1 to i32
      %cond3A_64 = arith.constant 0 : i32
      %cond3A_65 = arith.cmpi ne, %convert_element_type3A_63, %cond3A_64 : i32
      scf.if %cond3A_65 {
        %dma_wait3A = arith.constant 0 : i32
        %dma_wait3A_78 = tpu.memref_slice %arg6[%add3A_37, %dma_wait3A] : memref<80x128xi32, #tpu.memory_space<vmem>> -> memref<1x128xi32, #tpu.memory_space<vmem>>
        %dma_wait3A_79 = tpu.memref_squeeze %dma_wait3A_78 : memref<1x128xi32, #tpu.memory_space<vmem>> -> memref<128xi32, #tpu.memory_space<vmem>>
        %dma_wait3A_80 = arith.constant 0 : i32
        %dma_wait3A_81 = arith.constant 0 : i32
        %dma_wait3A_82 = tpu.memref_slice %arg12[%dma_wait3A_80, %dma_wait3A_81] : memref<10000x16xf32, #tpu.memory_space<vmem_shared>> -> memref<10000x16xf32, #tpu.memory_space<vmem_shared>>
        tpu.wait_indirect_dma semaphore(%arg9 : memref<!tpu.dma_semaphore, #tpu.memory_space<semaphore_mem>>) src(%arg7 : memref<128x16xf32, #tpu.memory_space<vmem>>) dst(%dma_wait3A_82 : memref<10000x16xf32, #tpu.memory_space<vmem_shared>>)
      } else {
      }
      %add3A_66 = arith.constant 2 : i32
      %add3A_67 = arith.addi %mul3A_29, %add3A_66 : i32
      %lt3A_68 = arith.cmpi slt, %add3A_67, %min3A_4 : i32
      %convert_element_type3A_69 = arith.extui %lt3A_68 : i1 to i32
      %cond3A_70 = arith.constant 0 : i32
      %cond3A_71 = arith.cmpi ne, %convert_element_type3A_69, %cond3A_70 : i32
      scf.if %cond3A_71 {
        %dma_wait3A = arith.constant 0 : i32
        %dma_wait3A_78 = tpu.memref_slice %arg6[%add3A_43, %dma_wait3A] : memref<80x128xi32, #tpu.memory_space<vmem>> -> memref<1x128xi32, #tpu.memory_space<vmem>>
        %dma_wait3A_79 = tpu.memref_squeeze %dma_wait3A_78 : memref<1x128xi32, #tpu.memory_space<vmem>> -> memref<128xi32, #tpu.memory_space<vmem>>
        %dma_wait3A_80 = arith.constant 0 : i32
        %dma_wait3A_81 = arith.constant 0 : i32
        %dma_wait3A_82 = tpu.memref_slice %arg12[%dma_wait3A_80, %dma_wait3A_81] : memref<10000x16xf32, #tpu.memory_space<vmem_shared>> -> memref<10000x16xf32, #tpu.memory_space<vmem_shared>>
        tpu.wait_indirect_dma semaphore(%arg10 : memref<!tpu.dma_semaphore, #tpu.memory_space<semaphore_mem>>) src(%arg7 : memref<128x16xf32, #tpu.memory_space<vmem>>) dst(%dma_wait3A_82 : memref<10000x16xf32, #tpu.memory_space<vmem_shared>>)
      } else {
      }
      %add3A_72 = arith.constant 3 : i32
      %add3A_73 = arith.addi %mul3A_29, %add3A_72 : i32
      %lt3A_74 = arith.cmpi slt, %add3A_73, %min3A_4 : i32
      %convert_element_type3A_75 = arith.extui %lt3A_74 : i1 to i32
      %cond3A_76 = arith.constant 0 : i32
      %cond3A_77 = arith.cmpi ne, %convert_element_type3A_75, %cond3A_76 : i32
      scf.if %cond3A_77 {
        %dma_wait3A = arith.constant 0 : i32
        %dma_wait3A_78 = tpu.memref_slice %arg6[%add3A_49, %dma_wait3A] : memref<80x128xi32, #tpu.memory_space<vmem>> -> memref<1x128xi32, #tpu.memory_space<vmem>>
        %dma_wait3A_79 = tpu.memref_squeeze %dma_wait3A_78 : memref<1x128xi32, #tpu.memory_space<vmem>> -> memref<128xi32, #tpu.memory_space<vmem>>
        %dma_wait3A_80 = arith.constant 0 : i32
        %dma_wait3A_81 = arith.constant 0 : i32
        %dma_wait3A_82 = tpu.memref_slice %arg12[%dma_wait3A_80, %dma_wait3A_81] : memref<10000x16xf32, #tpu.memory_space<vmem_shared>> -> memref<10000x16xf32, #tpu.memory_space<vmem_shared>>
        tpu.wait_indirect_dma semaphore(%arg11 : memref<!tpu.dma_semaphore, #tpu.memory_space<semaphore_mem>>) src(%arg7 : memref<128x16xf32, #tpu.memory_space<vmem>>) dst(%dma_wait3A_82 : memref<10000x16xf32, #tpu.memory_space<vmem_shared>>)
      } else {
      }
    }
    %scan3A_15 = arith.constant 20 : i32
    %barrier3A_16 = arith.constant 0 : index
    tpu.barrier barrier_id(%barrier3A_16)
    %lt3A_17 = arith.constant 15 : i32
    %lt3A_18 = arith.cmpi slt, %arg1, %lt3A_17 : i32
    %convert_element_type3A_19 = arith.extui %lt3A_18 : i1 to i32
    %cond3A_20 = arith.constant 0 : i32
    %cond3A_21 = arith.cmpi ne, %convert_element_type3A_19, %cond3A_20 : i32
    scf.if %cond3A_21 {
      %mul3A_27 = arith.constant 624 : i32
      %mul3A_28 = arith.muli %arg1, %mul3A_27 : i32
      %mul3A_29 = arith.constant 624 : i32
      %mul3A_30 = arith.muli %arg1, %mul3A_29 : i32
      %mul3A_31 = arith.constant 10000 : i32
      %mul3A_32 = arith.muli %arg0, %mul3A_31 : i32
      %add3A_33 = arith.addi %mul3A_32, %mul3A_30 : i32
      "tpu.region"() ({
        %run_scoped3A = tpu.sem_alloc : memref<!tpu.dma_semaphore, #tpu.memory_space<semaphore_mem>>
        %dma_start3A = arith.constant 0 : i32
        %dma_start3A_34 = tpu.memref_slice %arg5[%add3A_33, %dma_start3A] : memref<20000x16xf32, #tpu.memory_space<hbm>> -> memref<624x16xf32, #tpu.memory_space<hbm>>
        %dma_start3A_35 = arith.constant 0 : i32
        %dma_start3A_36 = tpu.memref_slice %arg12[%mul3A_28, %dma_start3A_35] : memref<10000x16xf32, #tpu.memory_space<vmem_shared>> -> memref<624x16xf32, #tpu.memory_space<vmem_shared>>
        tpu.enqueue_dma source(%dma_start3A_36 : memref<624x16xf32, #tpu.memory_space<vmem_shared>>) target(%dma_start3A_34 : memref<624x16xf32, #tpu.memory_space<hbm>>) target_semaphore(%run_scoped3A : memref<!tpu.dma_semaphore, #tpu.memory_space<semaphore_mem>>)
        %dma_wait3A = arith.constant 0 : i32
        %dma_wait3A_37 = tpu.memref_slice %arg5[%add3A_33, %dma_wait3A] : memref<20000x16xf32, #tpu.memory_space<hbm>> -> memref<624x16xf32, #tpu.memory_space<hbm>>
        %dma_wait3A_38 = arith.constant 0 : i32
        %dma_wait3A_39 = tpu.memref_slice %arg12[%mul3A_28, %dma_wait3A_38] : memref<10000x16xf32, #tpu.memory_space<vmem_shared>> -> memref<624x16xf32, #tpu.memory_space<vmem_shared>>
        tpu.wait_dma2 semaphore(%run_scoped3A : memref<!tpu.dma_semaphore, #tpu.memory_space<semaphore_mem>>) src(%dma_wait3A_39 : memref<624x16xf32, #tpu.memory_space<vmem_shared>>) dst(%dma_wait3A_37 : memref<624x16xf32, #tpu.memory_space<hbm>>)
        tpu.yield
      }) : () -> ()
    } else {
    }
    %eq3A_22 = arith.constant 15 : i32
    %eq3A_23 = arith.cmpi eq, %arg1, %eq3A_22 : i32
    %convert_element_type3A_24 = arith.extui %eq3A_23 : i1 to i32
    %cond3A_25 = arith.constant 0 : i32
    %cond3A_26 = arith.cmpi ne, %convert_element_type3A_24, %cond3A_25 : i32
    scf.if %cond3A_26 {
      %mul3A_27 = arith.constant 10000 : i32
      %mul3A_28 = arith.muli %arg0, %mul3A_27 : i32
      %add3A_29 = arith.constant 9360 : i32
      %add3A_30 = arith.addi %mul3A_28, %add3A_29 : i32
      "tpu.region"() ({
        %run_scoped3A = tpu.sem_alloc : memref<!tpu.dma_semaphore, #tpu.memory_space<semaphore_mem>>
        %dma_start3A = arith.constant 0 : i32
        %dma_start3A_31 = tpu.memref_slice %arg5[%add3A_30, %dma_start3A] : memref<20000x16xf32, #tpu.memory_space<hbm>> -> memref<640x16xf32, #tpu.memory_space<hbm>>
        %dma_start3A_32 = arith.constant 9360 : i32
        %dma_start3A_33 = arith.constant 0 : i32
        %dma_start3A_34 = tpu.memref_slice %arg12[%dma_start3A_32, %dma_start3A_33] : memref<10000x16xf32, #tpu.memory_space<vmem_shared>> -> memref<640x16xf32, #tpu.memory_space<vmem_shared>>
        tpu.enqueue_dma source(%dma_start3A_34 : memref<640x16xf32, #tpu.memory_space<vmem_shared>>) target(%dma_start3A_31 : memref<640x16xf32, #tpu.memory_space<hbm>>) target_semaphore(%run_scoped3A : memref<!tpu.dma_semaphore, #tpu.memory_space<semaphore_mem>>)
        %dma_wait3A = arith.constant 0 : i32
        %dma_wait3A_35 = tpu.memref_slice %arg5[%add3A_30, %dma_wait3A] : memref<20000x16xf32, #tpu.memory_space<hbm>> -> memref<640x16xf32, #tpu.memory_space<hbm>>
        %dma_wait3A_36 = arith.constant 9360 : i32
        %dma_wait3A_37 = arith.constant 0 : i32
        %dma_wait3A_38 = tpu.memref_slice %arg12[%dma_wait3A_36, %dma_wait3A_37] : memref<10000x16xf32, #tpu.memory_space<vmem_shared>> -> memref<640x16xf32, #tpu.memory_space<vmem_shared>>
        tpu.wait_dma2 semaphore(%run_scoped3A : memref<!tpu.dma_semaphore, #tpu.memory_space<semaphore_mem>>) src(%dma_wait3A_38 : memref<640x16xf32, #tpu.memory_space<vmem_shared>>) dst(%dma_wait3A_35 : memref<640x16xf32, #tpu.memory_space<hbm>>)
        tpu.yield
      }) : () -> ()
    } else {
    }
    return
  }
}

#map = affine_map<(d0, d1) -> (0, 0)>
module attributes {stable_mosaic.version = 14 : i64} {
  func.func @body(%arg0: i32, %arg1: i32, %arg2: memref<2560x128xi32, #tpu.memory_space<hbm>>, %arg3: memref<2560x128xi32, #tpu.memory_space<hbm>>, %arg4: memref<10000x128xf32, #tpu.memory_space<hbm>>, %arg5: memref<10000x128xf32, #tpu.memory_space<hbm>>, %arg6: memref<20000x128xf32, #tpu.memory_space<hbm>>, %arg7: memref<40x128xi32, #tpu.memory_space<vmem>>, %arg8: memref<40x128xi32, #tpu.memory_space<vmem>>, %arg9: memref<128x128xf32, #tpu.memory_space<vmem>>, %arg10: memref<128x128xf32, #tpu.memory_space<vmem>>, %arg11: memref<!tpu.dma_semaphore, #tpu.memory_space<semaphore_mem>>, %arg12: memref<!tpu.dma_semaphore, #tpu.memory_space<semaphore_mem>>, %arg13: memref<10000x128xf32, #tpu.memory_space<vmem_shared>>) attributes {dimension_semantics = [#tpu.dimension_semantics<core_parallel>, #tpu.dimension_semantics<subcore_parallel>], iteration_bounds = array<i64: 2, 16>, scalar_prefetch = 0 : i64, scratch_operands = 7 : i64, tpu.core_type = #tpu.core_type<sc_vector_subcore>, window_params = [{transform_indices = #map}, {transform_indices = #map}, {transform_indices = #map}, {transform_indices = #map}, {transform_indices = #map}]} {
    %mul3A = arith.constant 16 : i32
    %mul3A_0 = arith.muli %arg0, %mul3A : i32
    %add3A = arith.addi %mul3A_0, %arg1 : i32
    %mul3A_1 = arith.constant 80 : i32
    %mul3A_2 = arith.muli %add3A, %mul3A_1 : i32
    %sub3A = arith.constant 2500 : i32
    %sub3A_3 = arith.subi %sub3A, %mul3A_2 : i32
    %min3A = arith.constant 80 : i32
    %min3A_4 = arith.minsi %min3A, %sub3A_3 : i32
    %lt3A = arith.constant 15 : i32
    %lt3A_5 = arith.cmpi slt, %arg1, %lt3A : i32
    %convert_element_type3A = arith.extui %lt3A_5 : i1 to i32
    %cond3A = arith.constant 0 : i32
    %cond3A_6 = arith.cmpi ne, %convert_element_type3A, %cond3A : i32
    scf.if %cond3A_6 {
      %mul3A_70 = arith.constant 624 : i32
      %mul3A_71 = arith.muli %arg1, %mul3A_70 : i32
      %mul3A_72 = arith.constant 624 : i32
      %mul3A_73 = arith.muli %arg1, %mul3A_72 : i32
      "tpu.region"() ({
        %run_scoped3A = tpu.sem_alloc : memref<!tpu.dma_semaphore, #tpu.memory_space<semaphore_mem>>
        %dma_start3A = arith.constant 0 : i32
        %dma_start3A_74 = tpu.memref_slice %arg13[%mul3A_73, %dma_start3A] : memref<10000x128xf32, #tpu.memory_space<vmem_shared>> -> memref<624x128xf32, #tpu.memory_space<vmem_shared>>
        %dma_start3A_75 = arith.constant 0 : i32
        %dma_start3A_76 = tpu.memref_slice %arg5[%mul3A_71, %dma_start3A_75] : memref<10000x128xf32, #tpu.memory_space<hbm>> -> memref<624x128xf32, #tpu.memory_space<hbm>>
        tpu.enqueue_dma source(%dma_start3A_76 : memref<624x128xf32, #tpu.memory_space<hbm>>) target(%dma_start3A_74 : memref<624x128xf32, #tpu.memory_space<vmem_shared>>) target_semaphore(%run_scoped3A : memref<!tpu.dma_semaphore, #tpu.memory_space<semaphore_mem>>)
        %dma_wait3A = arith.constant 0 : i32
        %dma_wait3A_77 = tpu.memref_slice %arg13[%mul3A_73, %dma_wait3A] : memref<10000x128xf32, #tpu.memory_space<vmem_shared>> -> memref<624x128xf32, #tpu.memory_space<vmem_shared>>
        %dma_wait3A_78 = arith.constant 0 : i32
        %dma_wait3A_79 = tpu.memref_slice %arg5[%mul3A_71, %dma_wait3A_78] : memref<10000x128xf32, #tpu.memory_space<hbm>> -> memref<624x128xf32, #tpu.memory_space<hbm>>
        tpu.wait_dma2 semaphore(%run_scoped3A : memref<!tpu.dma_semaphore, #tpu.memory_space<semaphore_mem>>) src(%dma_wait3A_79 : memref<624x128xf32, #tpu.memory_space<hbm>>) dst(%dma_wait3A_77 : memref<624x128xf32, #tpu.memory_space<vmem_shared>>)
        tpu.yield
      }) : () -> ()
    } else {
    }
    %eq3A = arith.constant 15 : i32
    %eq3A_7 = arith.cmpi eq, %arg1, %eq3A : i32
    %convert_element_type3A_8 = arith.extui %eq3A_7 : i1 to i32
    %cond3A_9 = arith.constant 0 : i32
    %cond3A_10 = arith.cmpi ne, %convert_element_type3A_8, %cond3A_9 : i32
    scf.if %cond3A_10 {
      "tpu.region"() ({
        %run_scoped3A = tpu.sem_alloc : memref<!tpu.dma_semaphore, #tpu.memory_space<semaphore_mem>>
        %dma_start3A = arith.constant 9360 : i32
        %dma_start3A_70 = arith.constant 0 : i32
        %dma_start3A_71 = tpu.memref_slice %arg13[%dma_start3A, %dma_start3A_70] : memref<10000x128xf32, #tpu.memory_space<vmem_shared>> -> memref<640x128xf32, #tpu.memory_space<vmem_shared>>
        %dma_start3A_72 = arith.constant 9360 : i32
        %dma_start3A_73 = arith.constant 0 : i32
        %dma_start3A_74 = tpu.memref_slice %arg5[%dma_start3A_72, %dma_start3A_73] : memref<10000x128xf32, #tpu.memory_space<hbm>> -> memref<640x128xf32, #tpu.memory_space<hbm>>
        tpu.enqueue_dma source(%dma_start3A_74 : memref<640x128xf32, #tpu.memory_space<hbm>>) target(%dma_start3A_71 : memref<640x128xf32, #tpu.memory_space<vmem_shared>>) target_semaphore(%run_scoped3A : memref<!tpu.dma_semaphore, #tpu.memory_space<semaphore_mem>>)
        %dma_wait3A = arith.constant 9360 : i32
        %dma_wait3A_75 = arith.constant 0 : i32
        %dma_wait3A_76 = tpu.memref_slice %arg13[%dma_wait3A, %dma_wait3A_75] : memref<10000x128xf32, #tpu.memory_space<vmem_shared>> -> memref<640x128xf32, #tpu.memory_space<vmem_shared>>
        %dma_wait3A_77 = arith.constant 9360 : i32
        %dma_wait3A_78 = arith.constant 0 : i32
        %dma_wait3A_79 = tpu.memref_slice %arg5[%dma_wait3A_77, %dma_wait3A_78] : memref<10000x128xf32, #tpu.memory_space<hbm>> -> memref<640x128xf32, #tpu.memory_space<hbm>>
        tpu.wait_dma2 semaphore(%run_scoped3A : memref<!tpu.dma_semaphore, #tpu.memory_space<semaphore_mem>>) src(%dma_wait3A_79 : memref<640x128xf32, #tpu.memory_space<hbm>>) dst(%dma_wait3A_76 : memref<640x128xf32, #tpu.memory_space<vmem_shared>>)
        tpu.yield
      }) : () -> ()
    } else {
    }
    %barrier3A = arith.constant 0 : index
    tpu.barrier barrier_id(%barrier3A)
    %sub3A_11 = arith.constant 0 : i32
    %sub3A_12 = arith.subi %min3A_4, %sub3A_11 : i32
    %jit3A = arith.constant 0 : i32
    %jit3A_13 = arith.constant 40 : i32
    %max3A = arith.maxsi %jit3A, %sub3A_12 : i32
    %min3A_14 = arith.minsi %jit3A_13, %max3A : i32
    %add3A_15 = arith.constant 0 : i32
    %add3A_16 = arith.addi %mul3A_2, %add3A_15 : i32
    "tpu.region"() ({
      %run_scoped3A = tpu.sem_alloc : memref<!tpu.dma_semaphore, #tpu.memory_space<semaphore_mem>>
      %dma_start3A = arith.constant 0 : i32
      %dma_start3A_70 = tpu.memref_slice %arg2[%add3A_16, %dma_start3A] : memref<2560x128xi32, #tpu.memory_space<hbm>> -> memref<40x128xi32, #tpu.memory_space<hbm>>
      %dma_start3A_71 = arith.constant 0 : i32
      %dma_start3A_72 = tpu.memref_slice %arg2[%add3A_16, %dma_start3A_71] : memref<2560x128xi32, #tpu.memory_space<hbm>> -> memref<40x128xi32, #tpu.memory_space<hbm>>
      tpu.enqueue_dma source(%dma_start3A_72 : memref<40x128xi32, #tpu.memory_space<hbm>>) target(%arg7 : memref<40x128xi32, #tpu.memory_space<vmem>>) target_semaphore(%run_scoped3A : memref<!tpu.dma_semaphore, #tpu.memory_space<semaphore_mem>>)
      %dma_wait3A = arith.constant 0 : i32
      %dma_wait3A_73 = tpu.memref_slice %arg2[%add3A_16, %dma_wait3A] : memref<2560x128xi32, #tpu.memory_space<hbm>> -> memref<40x128xi32, #tpu.memory_space<hbm>>
      %dma_wait3A_74 = arith.constant 0 : i32
      %dma_wait3A_75 = tpu.memref_slice %arg2[%add3A_16, %dma_wait3A_74] : memref<2560x128xi32, #tpu.memory_space<hbm>> -> memref<40x128xi32, #tpu.memory_space<hbm>>
      tpu.wait_dma2 semaphore(%run_scoped3A : memref<!tpu.dma_semaphore, #tpu.memory_space<semaphore_mem>>) src(%dma_wait3A_75 : memref<40x128xi32, #tpu.memory_space<hbm>>) dst(%arg7 : memref<40x128xi32, #tpu.memory_space<vmem>>)
      tpu.yield
    }) : () -> ()
    %add3A_17 = arith.constant 0 : i32
    %add3A_18 = arith.addi %mul3A_2, %add3A_17 : i32
    "tpu.region"() ({
      %run_scoped3A = tpu.sem_alloc : memref<!tpu.dma_semaphore, #tpu.memory_space<semaphore_mem>>
      %dma_start3A = arith.constant 0 : i32
      %dma_start3A_70 = tpu.memref_slice %arg3[%add3A_18, %dma_start3A] : memref<2560x128xi32, #tpu.memory_space<hbm>> -> memref<40x128xi32, #tpu.memory_space<hbm>>
      %dma_start3A_71 = arith.constant 0 : i32
      %dma_start3A_72 = tpu.memref_slice %arg3[%add3A_18, %dma_start3A_71] : memref<2560x128xi32, #tpu.memory_space<hbm>> -> memref<40x128xi32, #tpu.memory_space<hbm>>
      tpu.enqueue_dma source(%dma_start3A_72 : memref<40x128xi32, #tpu.memory_space<hbm>>) target(%arg8 : memref<40x128xi32, #tpu.memory_space<vmem>>) target_semaphore(%run_scoped3A : memref<!tpu.dma_semaphore, #tpu.memory_space<semaphore_mem>>)
      %dma_wait3A = arith.constant 0 : i32
      %dma_wait3A_73 = tpu.memref_slice %arg3[%add3A_18, %dma_wait3A] : memref<2560x128xi32, #tpu.memory_space<hbm>> -> memref<40x128xi32, #tpu.memory_space<hbm>>
      %dma_wait3A_74 = arith.constant 0 : i32
      %dma_wait3A_75 = tpu.memref_slice %arg3[%add3A_18, %dma_wait3A_74] : memref<2560x128xi32, #tpu.memory_space<hbm>> -> memref<40x128xi32, #tpu.memory_space<hbm>>
      tpu.wait_dma2 semaphore(%run_scoped3A : memref<!tpu.dma_semaphore, #tpu.memory_space<semaphore_mem>>) src(%dma_wait3A_75 : memref<40x128xi32, #tpu.memory_space<hbm>>) dst(%arg8 : memref<40x128xi32, #tpu.memory_space<vmem>>)
      tpu.yield
    }) : () -> ()
    %gt3A = arith.constant 0 : i32
    %gt3A_19 = arith.cmpi sgt, %min3A_14, %gt3A : i32
    %convert_element_type3A_20 = arith.extui %gt3A_19 : i1 to i32
    %cond3A_21 = arith.constant 0 : i32
    %cond3A_22 = arith.cmpi ne, %convert_element_type3A_20, %cond3A_21 : i32
    scf.if %cond3A_22 {
      %dma_start3A = arith.constant 0 : i32
      %dma_start3A_70 = arith.constant 0 : i32
      %dma_start3A_71 = tpu.memref_slice %arg7[%dma_start3A, %dma_start3A_70] : memref<40x128xi32, #tpu.memory_space<vmem>> -> memref<1x128xi32, #tpu.memory_space<vmem>>
      %dma_start3A_72 = tpu.memref_squeeze %dma_start3A_71 : memref<1x128xi32, #tpu.memory_space<vmem>> -> memref<128xi32, #tpu.memory_space<vmem>>
      %dma_start3A_73 = arith.constant 0 : i32
      %dma_start3A_74 = arith.constant 0 : i32
      %dma_start3A_75 = tpu.memref_slice %arg4[%dma_start3A_73, %dma_start3A_74] : memref<10000x128xf32, #tpu.memory_space<hbm>> -> memref<10000x128xf32, #tpu.memory_space<hbm>>
      tpu.enqueue_indirect_dma source(%dma_start3A_75 : memref<10000x128xf32, #tpu.memory_space<hbm>>) target(%arg9 : memref<128x128xf32, #tpu.memory_space<vmem>>) offsets(%dma_start3A_72 : memref<128xi32, #tpu.memory_space<vmem>>) semaphore(%arg11 : memref<!tpu.dma_semaphore, #tpu.memory_space<semaphore_mem>>)
    } else {
    }
    %gt3A_23 = arith.constant 1 : i32
    %gt3A_24 = arith.cmpi sgt, %min3A_14, %gt3A_23 : i32
    %convert_element_type3A_25 = arith.extui %gt3A_24 : i1 to i32
    %cond3A_26 = arith.constant 0 : i32
    %cond3A_27 = arith.cmpi ne, %convert_element_type3A_25, %cond3A_26 : i32
    scf.if %cond3A_27 {
      %dma_start3A = arith.constant 1 : i32
      %dma_start3A_70 = arith.constant 0 : i32
      %dma_start3A_71 = tpu.memref_slice %arg7[%dma_start3A, %dma_start3A_70] : memref<40x128xi32, #tpu.memory_space<vmem>> -> memref<1x128xi32, #tpu.memory_space<vmem>>
      %dma_start3A_72 = tpu.memref_squeeze %dma_start3A_71 : memref<1x128xi32, #tpu.memory_space<vmem>> -> memref<128xi32, #tpu.memory_space<vmem>>
      %dma_start3A_73 = arith.constant 0 : i32
      %dma_start3A_74 = arith.constant 0 : i32
      %dma_start3A_75 = tpu.memref_slice %arg4[%dma_start3A_73, %dma_start3A_74] : memref<10000x128xf32, #tpu.memory_space<hbm>> -> memref<10000x128xf32, #tpu.memory_space<hbm>>
      tpu.enqueue_indirect_dma source(%dma_start3A_75 : memref<10000x128xf32, #tpu.memory_space<hbm>>) target(%arg10 : memref<128x128xf32, #tpu.memory_space<vmem>>) offsets(%dma_start3A_72 : memref<128xi32, #tpu.memory_space<vmem>>) semaphore(%arg12 : memref<!tpu.dma_semaphore, #tpu.memory_space<semaphore_mem>>)
    } else {
    }
    %scan3A = arith.constant 0 : i32
    %scan3A_28 = arith.constant 0 : i32
    %scan3A_29 = arith.constant 20 : i32
    %scan3A_30 = arith.addi %scan3A_28, %scan3A_29 : i32
    %scan3A_31 = arith.constant 1 : i32
    scf.for %scan3A_70 = %scan3A_28 to %scan3A_30 step %scan3A_31  : i32 {
      %mul3A_71 = arith.constant 2 : i32
      %mul3A_72 = arith.muli %scan3A_70, %mul3A_71 : i32
      %add3A_73 = arith.constant 0 : i32
      %add3A_74 = arith.addi %mul3A_72, %add3A_73 : i32
      %lt3A_75 = arith.cmpi slt, %add3A_74, %min3A_14 : i32
      %convert_element_type3A_76 = arith.extui %lt3A_75 : i1 to i32
      %cond3A_77 = arith.constant 0 : i32
      %cond3A_78 = arith.cmpi ne, %convert_element_type3A_76, %cond3A_77 : i32
      scf.if %cond3A_78 {
        %dma_wait3A = arith.constant 0 : i32
        %dma_wait3A_101 = tpu.memref_slice %arg7[%add3A_74, %dma_wait3A] : memref<40x128xi32, #tpu.memory_space<vmem>> -> memref<1x128xi32, #tpu.memory_space<vmem>>
        %dma_wait3A_102 = tpu.memref_squeeze %dma_wait3A_101 : memref<1x128xi32, #tpu.memory_space<vmem>> -> memref<128xi32, #tpu.memory_space<vmem>>
        %dma_wait3A_103 = arith.constant 0 : i32
        %dma_wait3A_104 = arith.constant 0 : i32
        %dma_wait3A_105 = tpu.memref_slice %arg4[%dma_wait3A_103, %dma_wait3A_104] : memref<10000x128xf32, #tpu.memory_space<hbm>> -> memref<10000x128xf32, #tpu.memory_space<hbm>>
        tpu.wait_indirect_dma semaphore(%arg11 : memref<!tpu.dma_semaphore, #tpu.memory_space<semaphore_mem>>) src(%dma_wait3A_105 : memref<10000x128xf32, #tpu.memory_space<hbm>>) dst(%arg9 : memref<128x128xf32, #tpu.memory_space<vmem>>)
        "tpu.region"() ({
          %run_scoped3A = tpu.sem_alloc : memref<!tpu.dma_semaphore, #tpu.memory_space<semaphore_mem>>
          %dma_start3A = arith.constant 0 : i32
          %dma_start3A_106 = tpu.memref_slice %arg8[%add3A_74, %dma_start3A] : memref<40x128xi32, #tpu.memory_space<vmem>> -> memref<1x128xi32, #tpu.memory_space<vmem>>
          %dma_start3A_107 = tpu.memref_squeeze %dma_start3A_106 : memref<1x128xi32, #tpu.memory_space<vmem>> -> memref<128xi32, #tpu.memory_space<vmem>>
          %dma_start3A_108 = arith.constant 0 : i32
          %dma_start3A_109 = arith.constant 0 : i32
          %dma_start3A_110 = tpu.memref_slice %arg13[%dma_start3A_108, %dma_start3A_109] : memref<10000x128xf32, #tpu.memory_space<vmem_shared>> -> memref<10000x128xf32, #tpu.memory_space<vmem_shared>>
          tpu.enqueue_indirect_dma source(%arg9 : memref<128x128xf32, #tpu.memory_space<vmem>>) target(%dma_start3A_110 : memref<10000x128xf32, #tpu.memory_space<vmem_shared>>) offsets(%dma_start3A_107 : memref<128xi32, #tpu.memory_space<vmem>>) semaphore(%run_scoped3A : memref<!tpu.dma_semaphore, #tpu.memory_space<semaphore_mem>>) {add = true}
          %dma_wait3A_111 = arith.constant 0 : i32
          %dma_wait3A_112 = tpu.memref_slice %arg8[%add3A_74, %dma_wait3A_111] : memref<40x128xi32, #tpu.memory_space<vmem>> -> memref<1x128xi32, #tpu.memory_space<vmem>>
          %dma_wait3A_113 = tpu.memref_squeeze %dma_wait3A_112 : memref<1x128xi32, #tpu.memory_space<vmem>> -> memref<128xi32, #tpu.memory_space<vmem>>
          %dma_wait3A_114 = arith.constant 0 : i32
          %dma_wait3A_115 = arith.constant 0 : i32
          %dma_wait3A_116 = tpu.memref_slice %arg13[%dma_wait3A_114, %dma_wait3A_115] : memref<10000x128xf32, #tpu.memory_space<vmem_shared>> -> memref<10000x128xf32, #tpu.memory_space<vmem_shared>>
          tpu.wait_indirect_dma semaphore(%run_scoped3A : memref<!tpu.dma_semaphore, #tpu.memory_space<semaphore_mem>>) src(%arg9 : memref<128x128xf32, #tpu.memory_space<vmem>>) dst(%dma_wait3A_116 : memref<10000x128xf32, #tpu.memory_space<vmem_shared>>)
          tpu.yield
        }) : () -> ()
      } else {
      }
      %add3A_79 = arith.constant 2 : i32
      %add3A_80 = arith.addi %mul3A_72, %add3A_79 : i32
      %add3A_81 = arith.constant 0 : i32
      %add3A_82 = arith.addi %add3A_80, %add3A_81 : i32
      %lt3A_83 = arith.cmpi slt, %add3A_82, %min3A_14 : i32
      %convert_element_type3A_84 = arith.extui %lt3A_83 : i1 to i32
      %cond3A_85 = arith.constant 0 : i32
      %cond3A_86 = arith.cmpi ne, %convert_element_type3A_84, %cond3A_85 : i32
      scf.if %cond3A_86 {
        %dma_start3A = arith.constant 0 : i32
        %dma_start3A_101 = tpu.memref_slice %arg7[%add3A_82, %dma_start3A] : memref<40x128xi32, #tpu.memory_space<vmem>> -> memref<1x128xi32, #tpu.memory_space<vmem>>
        %dma_start3A_102 = tpu.memref_squeeze %dma_start3A_101 : memref<1x128xi32, #tpu.memory_space<vmem>> -> memref<128xi32, #tpu.memory_space<vmem>>
        %dma_start3A_103 = arith.constant 0 : i32
        %dma_start3A_104 = arith.constant 0 : i32
        %dma_start3A_105 = tpu.memref_slice %arg4[%dma_start3A_103, %dma_start3A_104] : memref<10000x128xf32, #tpu.memory_space<hbm>> -> memref<10000x128xf32, #tpu.memory_space<hbm>>
        tpu.enqueue_indirect_dma source(%dma_start3A_105 : memref<10000x128xf32, #tpu.memory_space<hbm>>) target(%arg9 : memref<128x128xf32, #tpu.memory_space<vmem>>) offsets(%dma_start3A_102 : memref<128xi32, #tpu.memory_space<vmem>>) semaphore(%arg11 : memref<!tpu.dma_semaphore, #tpu.memory_space<semaphore_mem>>)
      } else {
      }
      %add3A_87 = arith.constant 1 : i32
      %add3A_88 = arith.addi %mul3A_72, %add3A_87 : i32
      %lt3A_89 = arith.cmpi slt, %add3A_88, %min3A_14 : i32
      %convert_element_type3A_90 = arith.extui %lt3A_89 : i1 to i32
      %cond3A_91 = arith.constant 0 : i32
      %cond3A_92 = arith.cmpi ne, %convert_element_type3A_90, %cond3A_91 : i32
      scf.if %cond3A_92 {
        %dma_wait3A = arith.constant 0 : i32
        %dma_wait3A_101 = tpu.memref_slice %arg7[%add3A_88, %dma_wait3A] : memref<40x128xi32, #tpu.memory_space<vmem>> -> memref<1x128xi32, #tpu.memory_space<vmem>>
        %dma_wait3A_102 = tpu.memref_squeeze %dma_wait3A_101 : memref<1x128xi32, #tpu.memory_space<vmem>> -> memref<128xi32, #tpu.memory_space<vmem>>
        %dma_wait3A_103 = arith.constant 0 : i32
        %dma_wait3A_104 = arith.constant 0 : i32
        %dma_wait3A_105 = tpu.memref_slice %arg4[%dma_wait3A_103, %dma_wait3A_104] : memref<10000x128xf32, #tpu.memory_space<hbm>> -> memref<10000x128xf32, #tpu.memory_space<hbm>>
        tpu.wait_indirect_dma semaphore(%arg12 : memref<!tpu.dma_semaphore, #tpu.memory_space<semaphore_mem>>) src(%dma_wait3A_105 : memref<10000x128xf32, #tpu.memory_space<hbm>>) dst(%arg10 : memref<128x128xf32, #tpu.memory_space<vmem>>)
        "tpu.region"() ({
          %run_scoped3A = tpu.sem_alloc : memref<!tpu.dma_semaphore, #tpu.memory_space<semaphore_mem>>
          %dma_start3A = arith.constant 0 : i32
          %dma_start3A_106 = tpu.memref_slice %arg8[%add3A_88, %dma_start3A] : memref<40x128xi32, #tpu.memory_space<vmem>> -> memref<1x128xi32, #tpu.memory_space<vmem>>
          %dma_start3A_107 = tpu.memref_squeeze %dma_start3A_106 : memref<1x128xi32, #tpu.memory_space<vmem>> -> memref<128xi32, #tpu.memory_space<vmem>>
          %dma_start3A_108 = arith.constant 0 : i32
          %dma_start3A_109 = arith.constant 0 : i32
          %dma_start3A_110 = tpu.memref_slice %arg13[%dma_start3A_108, %dma_start3A_109] : memref<10000x128xf32, #tpu.memory_space<vmem_shared>> -> memref<10000x128xf32, #tpu.memory_space<vmem_shared>>
          tpu.enqueue_indirect_dma source(%arg10 : memref<128x128xf32, #tpu.memory_space<vmem>>) target(%dma_start3A_110 : memref<10000x128xf32, #tpu.memory_space<vmem_shared>>) offsets(%dma_start3A_107 : memref<128xi32, #tpu.memory_space<vmem>>) semaphore(%run_scoped3A : memref<!tpu.dma_semaphore, #tpu.memory_space<semaphore_mem>>) {add = true}
          %dma_wait3A_111 = arith.constant 0 : i32
          %dma_wait3A_112 = tpu.memref_slice %arg8[%add3A_88, %dma_wait3A_111] : memref<40x128xi32, #tpu.memory_space<vmem>> -> memref<1x128xi32, #tpu.memory_space<vmem>>
          %dma_wait3A_113 = tpu.memref_squeeze %dma_wait3A_112 : memref<1x128xi32, #tpu.memory_space<vmem>> -> memref<128xi32, #tpu.memory_space<vmem>>
          %dma_wait3A_114 = arith.constant 0 : i32
          %dma_wait3A_115 = arith.constant 0 : i32
          %dma_wait3A_116 = tpu.memref_slice %arg13[%dma_wait3A_114, %dma_wait3A_115] : memref<10000x128xf32, #tpu.memory_space<vmem_shared>> -> memref<10000x128xf32, #tpu.memory_space<vmem_shared>>
          tpu.wait_indirect_dma semaphore(%run_scoped3A : memref<!tpu.dma_semaphore, #tpu.memory_space<semaphore_mem>>) src(%arg10 : memref<128x128xf32, #tpu.memory_space<vmem>>) dst(%dma_wait3A_116 : memref<10000x128xf32, #tpu.memory_space<vmem_shared>>)
          tpu.yield
        }) : () -> ()
      } else {
      }
      %add3A_93 = arith.constant 2 : i32
      %add3A_94 = arith.addi %mul3A_72, %add3A_93 : i32
      %add3A_95 = arith.constant 1 : i32
      %add3A_96 = arith.addi %add3A_94, %add3A_95 : i32
      %lt3A_97 = arith.cmpi slt, %add3A_96, %min3A_14 : i32
      %convert_element_type3A_98 = arith.extui %lt3A_97 : i1 to i32
      %cond3A_99 = arith.constant 0 : i32
      %cond3A_100 = arith.cmpi ne, %convert_element_type3A_98, %cond3A_99 : i32
      scf.if %cond3A_100 {
        %dma_start3A = arith.constant 0 : i32
        %dma_start3A_101 = tpu.memref_slice %arg7[%add3A_96, %dma_start3A] : memref<40x128xi32, #tpu.memory_space<vmem>> -> memref<1x128xi32, #tpu.memory_space<vmem>>
        %dma_start3A_102 = tpu.memref_squeeze %dma_start3A_101 : memref<1x128xi32, #tpu.memory_space<vmem>> -> memref<128xi32, #tpu.memory_space<vmem>>
        %dma_start3A_103 = arith.constant 0 : i32
        %dma_start3A_104 = arith.constant 0 : i32
        %dma_start3A_105 = tpu.memref_slice %arg4[%dma_start3A_103, %dma_start3A_104] : memref<10000x128xf32, #tpu.memory_space<hbm>> -> memref<10000x128xf32, #tpu.memory_space<hbm>>
        tpu.enqueue_indirect_dma source(%dma_start3A_105 : memref<10000x128xf32, #tpu.memory_space<hbm>>) target(%arg10 : memref<128x128xf32, #tpu.memory_space<vmem>>) offsets(%dma_start3A_102 : memref<128xi32, #tpu.memory_space<vmem>>) semaphore(%arg12 : memref<!tpu.dma_semaphore, #tpu.memory_space<semaphore_mem>>)
      } else {
      }
    }
    %scan3A_32 = arith.constant 20 : i32
    %sub3A_33 = arith.constant 40 : i32
    %sub3A_34 = arith.subi %min3A_4, %sub3A_33 : i32
    %jit3A_35 = arith.constant 0 : i32
    %jit3A_36 = arith.constant 40 : i32
    %max3A_37 = arith.maxsi %jit3A_35, %sub3A_34 : i32
    %min3A_38 = arith.minsi %jit3A_36, %max3A_37 : i32
    %add3A_39 = arith.constant 40 : i32
    %add3A_40 = arith.addi %mul3A_2, %add3A_39 : i32
    "tpu.region"() ({
      %run_scoped3A = tpu.sem_alloc : memref<!tpu.dma_semaphore, #tpu.memory_space<semaphore_mem>>
      %dma_start3A = arith.constant 0 : i32
      %dma_start3A_70 = tpu.memref_slice %arg2[%add3A_40, %dma_start3A] : memref<2560x128xi32, #tpu.memory_space<hbm>> -> memref<40x128xi32, #tpu.memory_space<hbm>>
      %dma_start3A_71 = arith.constant 0 : i32
      %dma_start3A_72 = tpu.memref_slice %arg2[%add3A_40, %dma_start3A_71] : memref<2560x128xi32, #tpu.memory_space<hbm>> -> memref<40x128xi32, #tpu.memory_space<hbm>>
      tpu.enqueue_dma source(%dma_start3A_72 : memref<40x128xi32, #tpu.memory_space<hbm>>) target(%arg7 : memref<40x128xi32, #tpu.memory_space<vmem>>) target_semaphore(%run_scoped3A : memref<!tpu.dma_semaphore, #tpu.memory_space<semaphore_mem>>)
      %dma_wait3A = arith.constant 0 : i32
      %dma_wait3A_73 = tpu.memref_slice %arg2[%add3A_40, %dma_wait3A] : memref<2560x128xi32, #tpu.memory_space<hbm>> -> memref<40x128xi32, #tpu.memory_space<hbm>>
      %dma_wait3A_74 = arith.constant 0 : i32
      %dma_wait3A_75 = tpu.memref_slice %arg2[%add3A_40, %dma_wait3A_74] : memref<2560x128xi32, #tpu.memory_space<hbm>> -> memref<40x128xi32, #tpu.memory_space<hbm>>
      tpu.wait_dma2 semaphore(%run_scoped3A : memref<!tpu.dma_semaphore, #tpu.memory_space<semaphore_mem>>) src(%dma_wait3A_75 : memref<40x128xi32, #tpu.memory_space<hbm>>) dst(%arg7 : memref<40x128xi32, #tpu.memory_space<vmem>>)
      tpu.yield
    }) : () -> ()
    %add3A_41 = arith.constant 40 : i32
    %add3A_42 = arith.addi %mul3A_2, %add3A_41 : i32
    "tpu.region"() ({
      %run_scoped3A = tpu.sem_alloc : memref<!tpu.dma_semaphore, #tpu.memory_space<semaphore_mem>>
      %dma_start3A = arith.constant 0 : i32
      %dma_start3A_70 = tpu.memref_slice %arg3[%add3A_42, %dma_start3A] : memref<2560x128xi32, #tpu.memory_space<hbm>> -> memref<40x128xi32, #tpu.memory_space<hbm>>
      %dma_start3A_71 = arith.constant 0 : i32
      %dma_start3A_72 = tpu.memref_slice %arg3[%add3A_42, %dma_start3A_71] : memref<2560x128xi32, #tpu.memory_space<hbm>> -> memref<40x128xi32, #tpu.memory_space<hbm>>
      tpu.enqueue_dma source(%dma_start3A_72 : memref<40x128xi32, #tpu.memory_space<hbm>>) target(%arg8 : memref<40x128xi32, #tpu.memory_space<vmem>>) target_semaphore(%run_scoped3A : memref<!tpu.dma_semaphore, #tpu.memory_space<semaphore_mem>>)
      %dma_wait3A = arith.constant 0 : i32
      %dma_wait3A_73 = tpu.memref_slice %arg3[%add3A_42, %dma_wait3A] : memref<2560x128xi32, #tpu.memory_space<hbm>> -> memref<40x128xi32, #tpu.memory_space<hbm>>
      %dma_wait3A_74 = arith.constant 0 : i32
      %dma_wait3A_75 = tpu.memref_slice %arg3[%add3A_42, %dma_wait3A_74] : memref<2560x128xi32, #tpu.memory_space<hbm>> -> memref<40x128xi32, #tpu.memory_space<hbm>>
      tpu.wait_dma2 semaphore(%run_scoped3A : memref<!tpu.dma_semaphore, #tpu.memory_space<semaphore_mem>>) src(%dma_wait3A_75 : memref<40x128xi32, #tpu.memory_space<hbm>>) dst(%arg8 : memref<40x128xi32, #tpu.memory_space<vmem>>)
      tpu.yield
    }) : () -> ()
    %gt3A_43 = arith.constant 0 : i32
    %gt3A_44 = arith.cmpi sgt, %min3A_38, %gt3A_43 : i32
    %convert_element_type3A_45 = arith.extui %gt3A_44 : i1 to i32
    %cond3A_46 = arith.constant 0 : i32
    %cond3A_47 = arith.cmpi ne, %convert_element_type3A_45, %cond3A_46 : i32
    scf.if %cond3A_47 {
      %dma_start3A = arith.constant 0 : i32
      %dma_start3A_70 = arith.constant 0 : i32
      %dma_start3A_71 = tpu.memref_slice %arg7[%dma_start3A, %dma_start3A_70] : memref<40x128xi32, #tpu.memory_space<vmem>> -> memref<1x128xi32, #tpu.memory_space<vmem>>
      %dma_start3A_72 = tpu.memref_squeeze %dma_start3A_71 : memref<1x128xi32, #tpu.memory_space<vmem>> -> memref<128xi32, #tpu.memory_space<vmem>>
      %dma_start3A_73 = arith.constant 0 : i32
      %dma_start3A_74 = arith.constant 0 : i32
      %dma_start3A_75 = tpu.memref_slice %arg4[%dma_start3A_73, %dma_start3A_74] : memref<10000x128xf32, #tpu.memory_space<hbm>> -> memref<10000x128xf32, #tpu.memory_space<hbm>>
      tpu.enqueue_indirect_dma source(%dma_start3A_75 : memref<10000x128xf32, #tpu.memory_space<hbm>>) target(%arg9 : memref<128x128xf32, #tpu.memory_space<vmem>>) offsets(%dma_start3A_72 : memref<128xi32, #tpu.memory_space<vmem>>) semaphore(%arg11 : memref<!tpu.dma_semaphore, #tpu.memory_space<semaphore_mem>>)
    } else {
    }
    %gt3A_48 = arith.constant 1 : i32
    %gt3A_49 = arith.cmpi sgt, %min3A_38, %gt3A_48 : i32
    %convert_element_type3A_50 = arith.extui %gt3A_49 : i1 to i32
    %cond3A_51 = arith.constant 0 : i32
    %cond3A_52 = arith.cmpi ne, %convert_element_type3A_50, %cond3A_51 : i32
    scf.if %cond3A_52 {
      %dma_start3A = arith.constant 1 : i32
      %dma_start3A_70 = arith.constant 0 : i32
      %dma_start3A_71 = tpu.memref_slice %arg7[%dma_start3A, %dma_start3A_70] : memref<40x128xi32, #tpu.memory_space<vmem>> -> memref<1x128xi32, #tpu.memory_space<vmem>>
      %dma_start3A_72 = tpu.memref_squeeze %dma_start3A_71 : memref<1x128xi32, #tpu.memory_space<vmem>> -> memref<128xi32, #tpu.memory_space<vmem>>
      %dma_start3A_73 = arith.constant 0 : i32
      %dma_start3A_74 = arith.constant 0 : i32
      %dma_start3A_75 = tpu.memref_slice %arg4[%dma_start3A_73, %dma_start3A_74] : memref<10000x128xf32, #tpu.memory_space<hbm>> -> memref<10000x128xf32, #tpu.memory_space<hbm>>
      tpu.enqueue_indirect_dma source(%dma_start3A_75 : memref<10000x128xf32, #tpu.memory_space<hbm>>) target(%arg10 : memref<128x128xf32, #tpu.memory_space<vmem>>) offsets(%dma_start3A_72 : memref<128xi32, #tpu.memory_space<vmem>>) semaphore(%arg12 : memref<!tpu.dma_semaphore, #tpu.memory_space<semaphore_mem>>)
    } else {
    }
    %scan3A_53 = arith.constant 0 : i32
    %scan3A_54 = arith.constant 0 : i32
    %scan3A_55 = arith.constant 20 : i32
    %scan3A_56 = arith.addi %scan3A_54, %scan3A_55 : i32
    %scan3A_57 = arith.constant 1 : i32
    scf.for %scan3A_70 = %scan3A_54 to %scan3A_56 step %scan3A_57  : i32 {
      %mul3A_71 = arith.constant 2 : i32
      %mul3A_72 = arith.muli %scan3A_70, %mul3A_71 : i32
      %add3A_73 = arith.constant 0 : i32
      %add3A_74 = arith.addi %mul3A_72, %add3A_73 : i32
      %lt3A_75 = arith.cmpi slt, %add3A_74, %min3A_38 : i32
      %convert_element_type3A_76 = arith.extui %lt3A_75 : i1 to i32
      %cond3A_77 = arith.constant 0 : i32
      %cond3A_78 = arith.cmpi ne, %convert_element_type3A_76, %cond3A_77 : i32
      scf.if %cond3A_78 {
        %dma_wait3A = arith.constant 0 : i32
        %dma_wait3A_101 = tpu.memref_slice %arg7[%add3A_74, %dma_wait3A] : memref<40x128xi32, #tpu.memory_space<vmem>> -> memref<1x128xi32, #tpu.memory_space<vmem>>
        %dma_wait3A_102 = tpu.memref_squeeze %dma_wait3A_101 : memref<1x128xi32, #tpu.memory_space<vmem>> -> memref<128xi32, #tpu.memory_space<vmem>>
        %dma_wait3A_103 = arith.constant 0 : i32
        %dma_wait3A_104 = arith.constant 0 : i32
        %dma_wait3A_105 = tpu.memref_slice %arg4[%dma_wait3A_103, %dma_wait3A_104] : memref<10000x128xf32, #tpu.memory_space<hbm>> -> memref<10000x128xf32, #tpu.memory_space<hbm>>
        tpu.wait_indirect_dma semaphore(%arg11 : memref<!tpu.dma_semaphore, #tpu.memory_space<semaphore_mem>>) src(%dma_wait3A_105 : memref<10000x128xf32, #tpu.memory_space<hbm>>) dst(%arg9 : memref<128x128xf32, #tpu.memory_space<vmem>>)
        "tpu.region"() ({
          %run_scoped3A = tpu.sem_alloc : memref<!tpu.dma_semaphore, #tpu.memory_space<semaphore_mem>>
          %dma_start3A = arith.constant 0 : i32
          %dma_start3A_106 = tpu.memref_slice %arg8[%add3A_74, %dma_start3A] : memref<40x128xi32, #tpu.memory_space<vmem>> -> memref<1x128xi32, #tpu.memory_space<vmem>>
          %dma_start3A_107 = tpu.memref_squeeze %dma_start3A_106 : memref<1x128xi32, #tpu.memory_space<vmem>> -> memref<128xi32, #tpu.memory_space<vmem>>
          %dma_start3A_108 = arith.constant 0 : i32
          %dma_start3A_109 = arith.constant 0 : i32
          %dma_start3A_110 = tpu.memref_slice %arg13[%dma_start3A_108, %dma_start3A_109] : memref<10000x128xf32, #tpu.memory_space<vmem_shared>> -> memref<10000x128xf32, #tpu.memory_space<vmem_shared>>
          tpu.enqueue_indirect_dma source(%arg9 : memref<128x128xf32, #tpu.memory_space<vmem>>) target(%dma_start3A_110 : memref<10000x128xf32, #tpu.memory_space<vmem_shared>>) offsets(%dma_start3A_107 : memref<128xi32, #tpu.memory_space<vmem>>) semaphore(%run_scoped3A : memref<!tpu.dma_semaphore, #tpu.memory_space<semaphore_mem>>) {add = true}
          %dma_wait3A_111 = arith.constant 0 : i32
          %dma_wait3A_112 = tpu.memref_slice %arg8[%add3A_74, %dma_wait3A_111] : memref<40x128xi32, #tpu.memory_space<vmem>> -> memref<1x128xi32, #tpu.memory_space<vmem>>
          %dma_wait3A_113 = tpu.memref_squeeze %dma_wait3A_112 : memref<1x128xi32, #tpu.memory_space<vmem>> -> memref<128xi32, #tpu.memory_space<vmem>>
          %dma_wait3A_114 = arith.constant 0 : i32
          %dma_wait3A_115 = arith.constant 0 : i32
          %dma_wait3A_116 = tpu.memref_slice %arg13[%dma_wait3A_114, %dma_wait3A_115] : memref<10000x128xf32, #tpu.memory_space<vmem_shared>> -> memref<10000x128xf32, #tpu.memory_space<vmem_shared>>
          tpu.wait_indirect_dma semaphore(%run_scoped3A : memref<!tpu.dma_semaphore, #tpu.memory_space<semaphore_mem>>) src(%arg9 : memref<128x128xf32, #tpu.memory_space<vmem>>) dst(%dma_wait3A_116 : memref<10000x128xf32, #tpu.memory_space<vmem_shared>>)
          tpu.yield
        }) : () -> ()
      } else {
      }
      %add3A_79 = arith.constant 2 : i32
      %add3A_80 = arith.addi %mul3A_72, %add3A_79 : i32
      %add3A_81 = arith.constant 0 : i32
      %add3A_82 = arith.addi %add3A_80, %add3A_81 : i32
      %lt3A_83 = arith.cmpi slt, %add3A_82, %min3A_38 : i32
      %convert_element_type3A_84 = arith.extui %lt3A_83 : i1 to i32
      %cond3A_85 = arith.constant 0 : i32
      %cond3A_86 = arith.cmpi ne, %convert_element_type3A_84, %cond3A_85 : i32
      scf.if %cond3A_86 {
        %dma_start3A = arith.constant 0 : i32
        %dma_start3A_101 = tpu.memref_slice %arg7[%add3A_82, %dma_start3A] : memref<40x128xi32, #tpu.memory_space<vmem>> -> memref<1x128xi32, #tpu.memory_space<vmem>>
        %dma_start3A_102 = tpu.memref_squeeze %dma_start3A_101 : memref<1x128xi32, #tpu.memory_space<vmem>> -> memref<128xi32, #tpu.memory_space<vmem>>
        %dma_start3A_103 = arith.constant 0 : i32
        %dma_start3A_104 = arith.constant 0 : i32
        %dma_start3A_105 = tpu.memref_slice %arg4[%dma_start3A_103, %dma_start3A_104] : memref<10000x128xf32, #tpu.memory_space<hbm>> -> memref<10000x128xf32, #tpu.memory_space<hbm>>
        tpu.enqueue_indirect_dma source(%dma_start3A_105 : memref<10000x128xf32, #tpu.memory_space<hbm>>) target(%arg9 : memref<128x128xf32, #tpu.memory_space<vmem>>) offsets(%dma_start3A_102 : memref<128xi32, #tpu.memory_space<vmem>>) semaphore(%arg11 : memref<!tpu.dma_semaphore, #tpu.memory_space<semaphore_mem>>)
      } else {
      }
      %add3A_87 = arith.constant 1 : i32
      %add3A_88 = arith.addi %mul3A_72, %add3A_87 : i32
      %lt3A_89 = arith.cmpi slt, %add3A_88, %min3A_38 : i32
      %convert_element_type3A_90 = arith.extui %lt3A_89 : i1 to i32
      %cond3A_91 = arith.constant 0 : i32
      %cond3A_92 = arith.cmpi ne, %convert_element_type3A_90, %cond3A_91 : i32
      scf.if %cond3A_92 {
        %dma_wait3A = arith.constant 0 : i32
        %dma_wait3A_101 = tpu.memref_slice %arg7[%add3A_88, %dma_wait3A] : memref<40x128xi32, #tpu.memory_space<vmem>> -> memref<1x128xi32, #tpu.memory_space<vmem>>
        %dma_wait3A_102 = tpu.memref_squeeze %dma_wait3A_101 : memref<1x128xi32, #tpu.memory_space<vmem>> -> memref<128xi32, #tpu.memory_space<vmem>>
        %dma_wait3A_103 = arith.constant 0 : i32
        %dma_wait3A_104 = arith.constant 0 : i32
        %dma_wait3A_105 = tpu.memref_slice %arg4[%dma_wait3A_103, %dma_wait3A_104] : memref<10000x128xf32, #tpu.memory_space<hbm>> -> memref<10000x128xf32, #tpu.memory_space<hbm>>
        tpu.wait_indirect_dma semaphore(%arg12 : memref<!tpu.dma_semaphore, #tpu.memory_space<semaphore_mem>>) src(%dma_wait3A_105 : memref<10000x128xf32, #tpu.memory_space<hbm>>) dst(%arg10 : memref<128x128xf32, #tpu.memory_space<vmem>>)
        "tpu.region"() ({
          %run_scoped3A = tpu.sem_alloc : memref<!tpu.dma_semaphore, #tpu.memory_space<semaphore_mem>>
          %dma_start3A = arith.constant 0 : i32
          %dma_start3A_106 = tpu.memref_slice %arg8[%add3A_88, %dma_start3A] : memref<40x128xi32, #tpu.memory_space<vmem>> -> memref<1x128xi32, #tpu.memory_space<vmem>>
          %dma_start3A_107 = tpu.memref_squeeze %dma_start3A_106 : memref<1x128xi32, #tpu.memory_space<vmem>> -> memref<128xi32, #tpu.memory_space<vmem>>
          %dma_start3A_108 = arith.constant 0 : i32
          %dma_start3A_109 = arith.constant 0 : i32
          %dma_start3A_110 = tpu.memref_slice %arg13[%dma_start3A_108, %dma_start3A_109] : memref<10000x128xf32, #tpu.memory_space<vmem_shared>> -> memref<10000x128xf32, #tpu.memory_space<vmem_shared>>
          tpu.enqueue_indirect_dma source(%arg10 : memref<128x128xf32, #tpu.memory_space<vmem>>) target(%dma_start3A_110 : memref<10000x128xf32, #tpu.memory_space<vmem_shared>>) offsets(%dma_start3A_107 : memref<128xi32, #tpu.memory_space<vmem>>) semaphore(%run_scoped3A : memref<!tpu.dma_semaphore, #tpu.memory_space<semaphore_mem>>) {add = true}
          %dma_wait3A_111 = arith.constant 0 : i32
          %dma_wait3A_112 = tpu.memref_slice %arg8[%add3A_88, %dma_wait3A_111] : memref<40x128xi32, #tpu.memory_space<vmem>> -> memref<1x128xi32, #tpu.memory_space<vmem>>
          %dma_wait3A_113 = tpu.memref_squeeze %dma_wait3A_112 : memref<1x128xi32, #tpu.memory_space<vmem>> -> memref<128xi32, #tpu.memory_space<vmem>>
          %dma_wait3A_114 = arith.constant 0 : i32
          %dma_wait3A_115 = arith.constant 0 : i32
          %dma_wait3A_116 = tpu.memref_slice %arg13[%dma_wait3A_114, %dma_wait3A_115] : memref<10000x128xf32, #tpu.memory_space<vmem_shared>> -> memref<10000x128xf32, #tpu.memory_space<vmem_shared>>
          tpu.wait_indirect_dma semaphore(%run_scoped3A : memref<!tpu.dma_semaphore, #tpu.memory_space<semaphore_mem>>) src(%arg10 : memref<128x128xf32, #tpu.memory_space<vmem>>) dst(%dma_wait3A_116 : memref<10000x128xf32, #tpu.memory_space<vmem_shared>>)
          tpu.yield
        }) : () -> ()
      } else {
      }
      %add3A_93 = arith.constant 2 : i32
      %add3A_94 = arith.addi %mul3A_72, %add3A_93 : i32
      %add3A_95 = arith.constant 1 : i32
      %add3A_96 = arith.addi %add3A_94, %add3A_95 : i32
      %lt3A_97 = arith.cmpi slt, %add3A_96, %min3A_38 : i32
      %convert_element_type3A_98 = arith.extui %lt3A_97 : i1 to i32
      %cond3A_99 = arith.constant 0 : i32
      %cond3A_100 = arith.cmpi ne, %convert_element_type3A_98, %cond3A_99 : i32
      scf.if %cond3A_100 {
        %dma_start3A = arith.constant 0 : i32
        %dma_start3A_101 = tpu.memref_slice %arg7[%add3A_96, %dma_start3A] : memref<40x128xi32, #tpu.memory_space<vmem>> -> memref<1x128xi32, #tpu.memory_space<vmem>>
        %dma_start3A_102 = tpu.memref_squeeze %dma_start3A_101 : memref<1x128xi32, #tpu.memory_space<vmem>> -> memref<128xi32, #tpu.memory_space<vmem>>
        %dma_start3A_103 = arith.constant 0 : i32
        %dma_start3A_104 = arith.constant 0 : i32
        %dma_start3A_105 = tpu.memref_slice %arg4[%dma_start3A_103, %dma_start3A_104] : memref<10000x128xf32, #tpu.memory_space<hbm>> -> memref<10000x128xf32, #tpu.memory_space<hbm>>
        tpu.enqueue_indirect_dma source(%dma_start3A_105 : memref<10000x128xf32, #tpu.memory_space<hbm>>) target(%arg10 : memref<128x128xf32, #tpu.memory_space<vmem>>) offsets(%dma_start3A_102 : memref<128xi32, #tpu.memory_space<vmem>>) semaphore(%arg12 : memref<!tpu.dma_semaphore, #tpu.memory_space<semaphore_mem>>)
      } else {
      }
    }
    %scan3A_58 = arith.constant 20 : i32
    %barrier3A_59 = arith.constant 0 : index
    tpu.barrier barrier_id(%barrier3A_59)
    %lt3A_60 = arith.constant 15 : i32
    %lt3A_61 = arith.cmpi slt, %arg1, %lt3A_60 : i32
    %convert_element_type3A_62 = arith.extui %lt3A_61 : i1 to i32
    %cond3A_63 = arith.constant 0 : i32
    %cond3A_64 = arith.cmpi ne, %convert_element_type3A_62, %cond3A_63 : i32
    scf.if %cond3A_64 {
      %mul3A_70 = arith.constant 624 : i32
      %mul3A_71 = arith.muli %arg1, %mul3A_70 : i32
      %mul3A_72 = arith.constant 624 : i32
      %mul3A_73 = arith.muli %arg1, %mul3A_72 : i32
      %mul3A_74 = arith.constant 10000 : i32
      %mul3A_75 = arith.muli %arg0, %mul3A_74 : i32
      %add3A_76 = arith.addi %mul3A_75, %mul3A_73 : i32
      "tpu.region"() ({
        %run_scoped3A = tpu.sem_alloc : memref<!tpu.dma_semaphore, #tpu.memory_space<semaphore_mem>>
        %dma_start3A = arith.constant 0 : i32
        %dma_start3A_77 = tpu.memref_slice %arg6[%add3A_76, %dma_start3A] : memref<20000x128xf32, #tpu.memory_space<hbm>> -> memref<624x128xf32, #tpu.memory_space<hbm>>
        %dma_start3A_78 = arith.constant 0 : i32
        %dma_start3A_79 = tpu.memref_slice %arg13[%mul3A_71, %dma_start3A_78] : memref<10000x128xf32, #tpu.memory_space<vmem_shared>> -> memref<624x128xf32, #tpu.memory_space<vmem_shared>>
        tpu.enqueue_dma source(%dma_start3A_79 : memref<624x128xf32, #tpu.memory_space<vmem_shared>>) target(%dma_start3A_77 : memref<624x128xf32, #tpu.memory_space<hbm>>) target_semaphore(%run_scoped3A : memref<!tpu.dma_semaphore, #tpu.memory_space<semaphore_mem>>)
        %dma_wait3A = arith.constant 0 : i32
        %dma_wait3A_80 = tpu.memref_slice %arg6[%add3A_76, %dma_wait3A] : memref<20000x128xf32, #tpu.memory_space<hbm>> -> memref<624x128xf32, #tpu.memory_space<hbm>>
        %dma_wait3A_81 = arith.constant 0 : i32
        %dma_wait3A_82 = tpu.memref_slice %arg13[%mul3A_71, %dma_wait3A_81] : memref<10000x128xf32, #tpu.memory_space<vmem_shared>> -> memref<624x128xf32, #tpu.memory_space<vmem_shared>>
        tpu.wait_dma2 semaphore(%run_scoped3A : memref<!tpu.dma_semaphore, #tpu.memory_space<semaphore_mem>>) src(%dma_wait3A_82 : memref<624x128xf32, #tpu.memory_space<vmem_shared>>) dst(%dma_wait3A_80 : memref<624x128xf32, #tpu.memory_space<hbm>>)
        tpu.yield
      }) : () -> ()
    } else {
    }
    %eq3A_65 = arith.constant 15 : i32
    %eq3A_66 = arith.cmpi eq, %arg1, %eq3A_65 : i32
    %convert_element_type3A_67 = arith.extui %eq3A_66 : i1 to i32
    %cond3A_68 = arith.constant 0 : i32
    %cond3A_69 = arith.cmpi ne, %convert_element_type3A_67, %cond3A_68 : i32
    scf.if %cond3A_69 {
      %mul3A_70 = arith.constant 10000 : i32
      %mul3A_71 = arith.muli %arg0, %mul3A_70 : i32
      %add3A_72 = arith.constant 9360 : i32
      %add3A_73 = arith.addi %mul3A_71, %add3A_72 : i32
      "tpu.region"() ({
        %run_scoped3A = tpu.sem_alloc : memref<!tpu.dma_semaphore, #tpu.memory_space<semaphore_mem>>
        %dma_start3A = arith.constant 0 : i32
        %dma_start3A_74 = tpu.memref_slice %arg6[%add3A_73, %dma_start3A] : memref<20000x128xf32, #tpu.memory_space<hbm>> -> memref<640x128xf32, #tpu.memory_space<hbm>>
        %dma_start3A_75 = arith.constant 9360 : i32
        %dma_start3A_76 = arith.constant 0 : i32
        %dma_start3A_77 = tpu.memref_slice %arg13[%dma_start3A_75, %dma_start3A_76] : memref<10000x128xf32, #tpu.memory_space<vmem_shared>> -> memref<640x128xf32, #tpu.memory_space<vmem_shared>>
        tpu.enqueue_dma source(%dma_start3A_77 : memref<640x128xf32, #tpu.memory_space<vmem_shared>>) target(%dma_start3A_74 : memref<640x128xf32, #tpu.memory_space<hbm>>) target_semaphore(%run_scoped3A : memref<!tpu.dma_semaphore, #tpu.memory_space<semaphore_mem>>)
        %dma_wait3A = arith.constant 0 : i32
        %dma_wait3A_78 = tpu.memref_slice %arg6[%add3A_73, %dma_wait3A] : memref<20000x128xf32, #tpu.memory_space<hbm>> -> memref<640x128xf32, #tpu.memory_space<hbm>>
        %dma_wait3A_79 = arith.constant 9360 : i32
        %dma_wait3A_80 = arith.constant 0 : i32
        %dma_wait3A_81 = tpu.memref_slice %arg13[%dma_wait3A_79, %dma_wait3A_80] : memref<10000x128xf32, #tpu.memory_space<vmem_shared>> -> memref<640x128xf32, #tpu.memory_space<vmem_shared>>
        tpu.wait_dma2 semaphore(%run_scoped3A : memref<!tpu.dma_semaphore, #tpu.memory_space<semaphore_mem>>) src(%dma_wait3A_81 : memref<640x128xf32, #tpu.memory_space<vmem_shared>>) dst(%dma_wait3A_78 : memref<640x128xf32, #tpu.memory_space<hbm>>)
        tpu.yield
      }) : () -> ()
    } else {
    }
    return
  }
}

#map = affine_map<(d0, d1) -> (0, 0)>
module attributes {stable_mosaic.version = 14 : i64} {
  func.func @body(%arg0: i32, %arg1: i32, %arg2: memref<2560x128xi32, #tpu.memory_space<hbm>>, %arg3: memref<2560x128xi32, #tpu.memory_space<hbm>>, %arg4: memref<10000x128xf32, #tpu.memory_space<hbm>>, %arg5: memref<10000x128xf32, #tpu.memory_space<hbm>>, %arg6: memref<20000x128xf32, #tpu.memory_space<hbm>>, %arg7: memref<40x128xi32, #tpu.memory_space<vmem>>, %arg8: memref<40x128xi32, #tpu.memory_space<vmem>>, %arg9: memref<128x128xf32, #tpu.memory_space<vmem>>, %arg10: memref<128x128xf32, #tpu.memory_space<vmem>>, %arg11: memref<!tpu.dma_semaphore, #tpu.memory_space<semaphore_mem>>, %arg12: memref<!tpu.dma_semaphore, #tpu.memory_space<semaphore_mem>>, %arg13: memref<10000x128xf32, #tpu.memory_space<vmem_shared>>) attributes {dimension_semantics = [#tpu.dimension_semantics<core_parallel>, #tpu.dimension_semantics<subcore_parallel>], iteration_bounds = array<i64: 2, 16>, scalar_prefetch = 0 : i64, scratch_operands = 7 : i64, tpu.core_type = #tpu.core_type<sc_vector_subcore>, window_params = [{transform_indices = #map}, {transform_indices = #map}, {transform_indices = #map}, {transform_indices = #map}, {transform_indices = #map}]} {
    %mul3A = arith.constant 16 : i32
    %mul3A_0 = arith.muli %arg0, %mul3A : i32
    %add3A = arith.addi %mul3A_0, %arg1 : i32
    %mul3A_1 = arith.constant 80 : i32
    %mul3A_2 = arith.muli %add3A, %mul3A_1 : i32
    %sub3A = arith.constant 2500 : i32
    %sub3A_3 = arith.subi %sub3A, %mul3A_2 : i32
    %min3A = arith.constant 80 : i32
    %min3A_4 = arith.minsi %min3A, %sub3A_3 : i32
    %lt3A = arith.constant 15 : i32
    %lt3A_5 = arith.cmpi slt, %arg1, %lt3A : i32
    %convert_element_type3A = arith.extui %lt3A_5 : i1 to i32
    %cond3A = arith.constant 0 : i32
    %cond3A_6 = arith.cmpi ne, %convert_element_type3A, %cond3A : i32
    scf.if %cond3A_6 {
      %mul3A_70 = arith.constant 624 : i32
      %mul3A_71 = arith.muli %arg1, %mul3A_70 : i32
      %mul3A_72 = arith.constant 624 : i32
      %mul3A_73 = arith.muli %arg1, %mul3A_72 : i32
      "tpu.region"() ({
        %run_scoped3A = tpu.sem_alloc : memref<!tpu.dma_semaphore, #tpu.memory_space<semaphore_mem>>
        %dma_start3A = arith.constant 0 : i32
        %dma_start3A_74 = tpu.memref_slice %arg13[%mul3A_73, %dma_start3A] : memref<10000x128xf32, #tpu.memory_space<vmem_shared>> -> memref<624x128xf32, #tpu.memory_space<vmem_shared>>
        %dma_start3A_75 = arith.constant 0 : i32
        %dma_start3A_76 = tpu.memref_slice %arg5[%mul3A_71, %dma_start3A_75] : memref<10000x128xf32, #tpu.memory_space<hbm>> -> memref<624x128xf32, #tpu.memory_space<hbm>>
        tpu.enqueue_dma source(%dma_start3A_76 : memref<624x128xf32, #tpu.memory_space<hbm>>) target(%dma_start3A_74 : memref<624x128xf32, #tpu.memory_space<vmem_shared>>) target_semaphore(%run_scoped3A : memref<!tpu.dma_semaphore, #tpu.memory_space<semaphore_mem>>)
        %dma_wait3A = arith.constant 0 : i32
        %dma_wait3A_77 = tpu.memref_slice %arg13[%mul3A_73, %dma_wait3A] : memref<10000x128xf32, #tpu.memory_space<vmem_shared>> -> memref<624x128xf32, #tpu.memory_space<vmem_shared>>
        %dma_wait3A_78 = arith.constant 0 : i32
        %dma_wait3A_79 = tpu.memref_slice %arg5[%mul3A_71, %dma_wait3A_78] : memref<10000x128xf32, #tpu.memory_space<hbm>> -> memref<624x128xf32, #tpu.memory_space<hbm>>
        tpu.wait_dma2 semaphore(%run_scoped3A : memref<!tpu.dma_semaphore, #tpu.memory_space<semaphore_mem>>) src(%dma_wait3A_79 : memref<624x128xf32, #tpu.memory_space<hbm>>) dst(%dma_wait3A_77 : memref<624x128xf32, #tpu.memory_space<vmem_shared>>)
        tpu.yield
      }) : () -> ()
    } else {
    }
    %eq3A = arith.constant 15 : i32
    %eq3A_7 = arith.cmpi eq, %arg1, %eq3A : i32
    %convert_element_type3A_8 = arith.extui %eq3A_7 : i1 to i32
    %cond3A_9 = arith.constant 0 : i32
    %cond3A_10 = arith.cmpi ne, %convert_element_type3A_8, %cond3A_9 : i32
    scf.if %cond3A_10 {
      "tpu.region"() ({
        %run_scoped3A = tpu.sem_alloc : memref<!tpu.dma_semaphore, #tpu.memory_space<semaphore_mem>>
        %dma_start3A = arith.constant 9360 : i32
        %dma_start3A_70 = arith.constant 0 : i32
        %dma_start3A_71 = tpu.memref_slice %arg13[%dma_start3A, %dma_start3A_70] : memref<10000x128xf32, #tpu.memory_space<vmem_shared>> -> memref<640x128xf32, #tpu.memory_space<vmem_shared>>
        %dma_start3A_72 = arith.constant 9360 : i32
        %dma_start3A_73 = arith.constant 0 : i32
        %dma_start3A_74 = tpu.memref_slice %arg5[%dma_start3A_72, %dma_start3A_73] : memref<10000x128xf32, #tpu.memory_space<hbm>> -> memref<640x128xf32, #tpu.memory_space<hbm>>
        tpu.enqueue_dma source(%dma_start3A_74 : memref<640x128xf32, #tpu.memory_space<hbm>>) target(%dma_start3A_71 : memref<640x128xf32, #tpu.memory_space<vmem_shared>>) target_semaphore(%run_scoped3A : memref<!tpu.dma_semaphore, #tpu.memory_space<semaphore_mem>>)
        %dma_wait3A = arith.constant 9360 : i32
        %dma_wait3A_75 = arith.constant 0 : i32
        %dma_wait3A_76 = tpu.memref_slice %arg13[%dma_wait3A, %dma_wait3A_75] : memref<10000x128xf32, #tpu.memory_space<vmem_shared>> -> memref<640x128xf32, #tpu.memory_space<vmem_shared>>
        %dma_wait3A_77 = arith.constant 9360 : i32
        %dma_wait3A_78 = arith.constant 0 : i32
        %dma_wait3A_79 = tpu.memref_slice %arg5[%dma_wait3A_77, %dma_wait3A_78] : memref<10000x128xf32, #tpu.memory_space<hbm>> -> memref<640x128xf32, #tpu.memory_space<hbm>>
        tpu.wait_dma2 semaphore(%run_scoped3A : memref<!tpu.dma_semaphore, #tpu.memory_space<semaphore_mem>>) src(%dma_wait3A_79 : memref<640x128xf32, #tpu.memory_space<hbm>>) dst(%dma_wait3A_76 : memref<640x128xf32, #tpu.memory_space<vmem_shared>>)
        tpu.yield
      }) : () -> ()
    } else {
    }
    %barrier3A = arith.constant 0 : index
    tpu.barrier barrier_id(%barrier3A)
    %sub3A_11 = arith.constant 0 : i32
    %sub3A_12 = arith.subi %min3A_4, %sub3A_11 : i32
    %jit3A = arith.constant 0 : i32
    %jit3A_13 = arith.constant 40 : i32
    %max3A = arith.maxsi %jit3A, %sub3A_12 : i32
    %min3A_14 = arith.minsi %jit3A_13, %max3A : i32
    %add3A_15 = arith.constant 0 : i32
    %add3A_16 = arith.addi %mul3A_2, %add3A_15 : i32
    "tpu.region"() ({
      %run_scoped3A = tpu.sem_alloc : memref<!tpu.dma_semaphore, #tpu.memory_space<semaphore_mem>>
      %dma_start3A = arith.constant 0 : i32
      %dma_start3A_70 = tpu.memref_slice %arg2[%add3A_16, %dma_start3A] : memref<2560x128xi32, #tpu.memory_space<hbm>> -> memref<40x128xi32, #tpu.memory_space<hbm>>
      %dma_start3A_71 = arith.constant 0 : i32
      %dma_start3A_72 = tpu.memref_slice %arg2[%add3A_16, %dma_start3A_71] : memref<2560x128xi32, #tpu.memory_space<hbm>> -> memref<40x128xi32, #tpu.memory_space<hbm>>
      tpu.enqueue_dma source(%dma_start3A_72 : memref<40x128xi32, #tpu.memory_space<hbm>>) target(%arg7 : memref<40x128xi32, #tpu.memory_space<vmem>>) target_semaphore(%run_scoped3A : memref<!tpu.dma_semaphore, #tpu.memory_space<semaphore_mem>>)
      %dma_wait3A = arith.constant 0 : i32
      %dma_wait3A_73 = tpu.memref_slice %arg2[%add3A_16, %dma_wait3A] : memref<2560x128xi32, #tpu.memory_space<hbm>> -> memref<40x128xi32, #tpu.memory_space<hbm>>
      %dma_wait3A_74 = arith.constant 0 : i32
      %dma_wait3A_75 = tpu.memref_slice %arg2[%add3A_16, %dma_wait3A_74] : memref<2560x128xi32, #tpu.memory_space<hbm>> -> memref<40x128xi32, #tpu.memory_space<hbm>>
      tpu.wait_dma2 semaphore(%run_scoped3A : memref<!tpu.dma_semaphore, #tpu.memory_space<semaphore_mem>>) src(%dma_wait3A_75 : memref<40x128xi32, #tpu.memory_space<hbm>>) dst(%arg7 : memref<40x128xi32, #tpu.memory_space<vmem>>)
      tpu.yield
    }) : () -> ()
    %add3A_17 = arith.constant 0 : i32
    %add3A_18 = arith.addi %mul3A_2, %add3A_17 : i32
    "tpu.region"() ({
      %run_scoped3A = tpu.sem_alloc : memref<!tpu.dma_semaphore, #tpu.memory_space<semaphore_mem>>
      %dma_start3A = arith.constant 0 : i32
      %dma_start3A_70 = tpu.memref_slice %arg3[%add3A_18, %dma_start3A] : memref<2560x128xi32, #tpu.memory_space<hbm>> -> memref<40x128xi32, #tpu.memory_space<hbm>>
      %dma_start3A_71 = arith.constant 0 : i32
      %dma_start3A_72 = tpu.memref_slice %arg3[%add3A_18, %dma_start3A_71] : memref<2560x128xi32, #tpu.memory_space<hbm>> -> memref<40x128xi32, #tpu.memory_space<hbm>>
      tpu.enqueue_dma source(%dma_start3A_72 : memref<40x128xi32, #tpu.memory_space<hbm>>) target(%arg8 : memref<40x128xi32, #tpu.memory_space<vmem>>) target_semaphore(%run_scoped3A : memref<!tpu.dma_semaphore, #tpu.memory_space<semaphore_mem>>)
      %dma_wait3A = arith.constant 0 : i32
      %dma_wait3A_73 = tpu.memref_slice %arg3[%add3A_18, %dma_wait3A] : memref<2560x128xi32, #tpu.memory_space<hbm>> -> memref<40x128xi32, #tpu.memory_space<hbm>>
      %dma_wait3A_74 = arith.constant 0 : i32
      %dma_wait3A_75 = tpu.memref_slice %arg3[%add3A_18, %dma_wait3A_74] : memref<2560x128xi32, #tpu.memory_space<hbm>> -> memref<40x128xi32, #tpu.memory_space<hbm>>
      tpu.wait_dma2 semaphore(%run_scoped3A : memref<!tpu.dma_semaphore, #tpu.memory_space<semaphore_mem>>) src(%dma_wait3A_75 : memref<40x128xi32, #tpu.memory_space<hbm>>) dst(%arg8 : memref<40x128xi32, #tpu.memory_space<vmem>>)
      tpu.yield
    }) : () -> ()
    %gt3A = arith.constant 0 : i32
    %gt3A_19 = arith.cmpi sgt, %min3A_14, %gt3A : i32
    %convert_element_type3A_20 = arith.extui %gt3A_19 : i1 to i32
    %cond3A_21 = arith.constant 0 : i32
    %cond3A_22 = arith.cmpi ne, %convert_element_type3A_20, %cond3A_21 : i32
    scf.if %cond3A_22 {
      %dma_start3A = arith.constant 0 : i32
      %dma_start3A_70 = arith.constant 0 : i32
      %dma_start3A_71 = tpu.memref_slice %arg7[%dma_start3A, %dma_start3A_70] : memref<40x128xi32, #tpu.memory_space<vmem>> -> memref<1x128xi32, #tpu.memory_space<vmem>>
      %dma_start3A_72 = tpu.memref_squeeze %dma_start3A_71 : memref<1x128xi32, #tpu.memory_space<vmem>> -> memref<128xi32, #tpu.memory_space<vmem>>
      %dma_start3A_73 = arith.constant 0 : i32
      %dma_start3A_74 = arith.constant 0 : i32
      %dma_start3A_75 = tpu.memref_slice %arg4[%dma_start3A_73, %dma_start3A_74] : memref<10000x128xf32, #tpu.memory_space<hbm>> -> memref<10000x128xf32, #tpu.memory_space<hbm>>
      tpu.enqueue_indirect_dma source(%dma_start3A_75 : memref<10000x128xf32, #tpu.memory_space<hbm>>) target(%arg9 : memref<128x128xf32, #tpu.memory_space<vmem>>) offsets(%dma_start3A_72 : memref<128xi32, #tpu.memory_space<vmem>>) semaphore(%arg11 : memref<!tpu.dma_semaphore, #tpu.memory_space<semaphore_mem>>)
    } else {
    }
    %gt3A_23 = arith.constant 1 : i32
    %gt3A_24 = arith.cmpi sgt, %min3A_14, %gt3A_23 : i32
    %convert_element_type3A_25 = arith.extui %gt3A_24 : i1 to i32
    %cond3A_26 = arith.constant 0 : i32
    %cond3A_27 = arith.cmpi ne, %convert_element_type3A_25, %cond3A_26 : i32
    scf.if %cond3A_27 {
      %dma_start3A = arith.constant 1 : i32
      %dma_start3A_70 = arith.constant 0 : i32
      %dma_start3A_71 = tpu.memref_slice %arg7[%dma_start3A, %dma_start3A_70] : memref<40x128xi32, #tpu.memory_space<vmem>> -> memref<1x128xi32, #tpu.memory_space<vmem>>
      %dma_start3A_72 = tpu.memref_squeeze %dma_start3A_71 : memref<1x128xi32, #tpu.memory_space<vmem>> -> memref<128xi32, #tpu.memory_space<vmem>>
      %dma_start3A_73 = arith.constant 0 : i32
      %dma_start3A_74 = arith.constant 0 : i32
      %dma_start3A_75 = tpu.memref_slice %arg4[%dma_start3A_73, %dma_start3A_74] : memref<10000x128xf32, #tpu.memory_space<hbm>> -> memref<10000x128xf32, #tpu.memory_space<hbm>>
      tpu.enqueue_indirect_dma source(%dma_start3A_75 : memref<10000x128xf32, #tpu.memory_space<hbm>>) target(%arg10 : memref<128x128xf32, #tpu.memory_space<vmem>>) offsets(%dma_start3A_72 : memref<128xi32, #tpu.memory_space<vmem>>) semaphore(%arg12 : memref<!tpu.dma_semaphore, #tpu.memory_space<semaphore_mem>>)
    } else {
    }
    %scan3A = arith.constant 0 : i32
    %scan3A_28 = arith.constant 0 : i32
    %scan3A_29 = arith.constant 20 : i32
    %scan3A_30 = arith.addi %scan3A_28, %scan3A_29 : i32
    %scan3A_31 = arith.constant 1 : i32
    scf.for %scan3A_70 = %scan3A_28 to %scan3A_30 step %scan3A_31  : i32 {
      %mul3A_71 = arith.constant 2 : i32
      %mul3A_72 = arith.muli %scan3A_70, %mul3A_71 : i32
      %add3A_73 = arith.constant 0 : i32
      %add3A_74 = arith.addi %mul3A_72, %add3A_73 : i32
      %lt3A_75 = arith.cmpi slt, %add3A_74, %min3A_14 : i32
      %convert_element_type3A_76 = arith.extui %lt3A_75 : i1 to i32
      %cond3A_77 = arith.constant 0 : i32
      %cond3A_78 = arith.cmpi ne, %convert_element_type3A_76, %cond3A_77 : i32
      scf.if %cond3A_78 {
        %dma_wait3A = arith.constant 0 : i32
        %dma_wait3A_101 = tpu.memref_slice %arg7[%add3A_74, %dma_wait3A] : memref<40x128xi32, #tpu.memory_space<vmem>> -> memref<1x128xi32, #tpu.memory_space<vmem>>
        %dma_wait3A_102 = tpu.memref_squeeze %dma_wait3A_101 : memref<1x128xi32, #tpu.memory_space<vmem>> -> memref<128xi32, #tpu.memory_space<vmem>>
        %dma_wait3A_103 = arith.constant 0 : i32
        %dma_wait3A_104 = arith.constant 0 : i32
        %dma_wait3A_105 = tpu.memref_slice %arg4[%dma_wait3A_103, %dma_wait3A_104] : memref<10000x128xf32, #tpu.memory_space<hbm>> -> memref<10000x128xf32, #tpu.memory_space<hbm>>
        tpu.wait_indirect_dma semaphore(%arg11 : memref<!tpu.dma_semaphore, #tpu.memory_space<semaphore_mem>>) src(%dma_wait3A_105 : memref<10000x128xf32, #tpu.memory_space<hbm>>) dst(%arg9 : memref<128x128xf32, #tpu.memory_space<vmem>>)
        "tpu.region"() ({
          %run_scoped3A = tpu.sem_alloc : memref<!tpu.dma_semaphore, #tpu.memory_space<semaphore_mem>>
          %dma_start3A = arith.constant 0 : i32
          %dma_start3A_106 = tpu.memref_slice %arg8[%add3A_74, %dma_start3A] : memref<40x128xi32, #tpu.memory_space<vmem>> -> memref<1x128xi32, #tpu.memory_space<vmem>>
          %dma_start3A_107 = tpu.memref_squeeze %dma_start3A_106 : memref<1x128xi32, #tpu.memory_space<vmem>> -> memref<128xi32, #tpu.memory_space<vmem>>
          %dma_start3A_108 = arith.constant 0 : i32
          %dma_start3A_109 = arith.constant 0 : i32
          %dma_start3A_110 = tpu.memref_slice %arg13[%dma_start3A_108, %dma_start3A_109] : memref<10000x128xf32, #tpu.memory_space<vmem_shared>> -> memref<10000x128xf32, #tpu.memory_space<vmem_shared>>
          tpu.enqueue_indirect_dma source(%arg9 : memref<128x128xf32, #tpu.memory_space<vmem>>) target(%dma_start3A_110 : memref<10000x128xf32, #tpu.memory_space<vmem_shared>>) offsets(%dma_start3A_107 : memref<128xi32, #tpu.memory_space<vmem>>) semaphore(%run_scoped3A : memref<!tpu.dma_semaphore, #tpu.memory_space<semaphore_mem>>) {add = true}
          %dma_wait3A_111 = arith.constant 0 : i32
          %dma_wait3A_112 = tpu.memref_slice %arg8[%add3A_74, %dma_wait3A_111] : memref<40x128xi32, #tpu.memory_space<vmem>> -> memref<1x128xi32, #tpu.memory_space<vmem>>
          %dma_wait3A_113 = tpu.memref_squeeze %dma_wait3A_112 : memref<1x128xi32, #tpu.memory_space<vmem>> -> memref<128xi32, #tpu.memory_space<vmem>>
          %dma_wait3A_114 = arith.constant 0 : i32
          %dma_wait3A_115 = arith.constant 0 : i32
          %dma_wait3A_116 = tpu.memref_slice %arg13[%dma_wait3A_114, %dma_wait3A_115] : memref<10000x128xf32, #tpu.memory_space<vmem_shared>> -> memref<10000x128xf32, #tpu.memory_space<vmem_shared>>
          tpu.wait_indirect_dma semaphore(%run_scoped3A : memref<!tpu.dma_semaphore, #tpu.memory_space<semaphore_mem>>) src(%arg9 : memref<128x128xf32, #tpu.memory_space<vmem>>) dst(%dma_wait3A_116 : memref<10000x128xf32, #tpu.memory_space<vmem_shared>>)
          tpu.yield
        }) : () -> ()
      } else {
      }
      %add3A_79 = arith.constant 2 : i32
      %add3A_80 = arith.addi %mul3A_72, %add3A_79 : i32
      %add3A_81 = arith.constant 0 : i32
      %add3A_82 = arith.addi %add3A_80, %add3A_81 : i32
      %lt3A_83 = arith.cmpi slt, %add3A_82, %min3A_14 : i32
      %convert_element_type3A_84 = arith.extui %lt3A_83 : i1 to i32
      %cond3A_85 = arith.constant 0 : i32
      %cond3A_86 = arith.cmpi ne, %convert_element_type3A_84, %cond3A_85 : i32
      scf.if %cond3A_86 {
        %dma_start3A = arith.constant 0 : i32
        %dma_start3A_101 = tpu.memref_slice %arg7[%add3A_82, %dma_start3A] : memref<40x128xi32, #tpu.memory_space<vmem>> -> memref<1x128xi32, #tpu.memory_space<vmem>>
        %dma_start3A_102 = tpu.memref_squeeze %dma_start3A_101 : memref<1x128xi32, #tpu.memory_space<vmem>> -> memref<128xi32, #tpu.memory_space<vmem>>
        %dma_start3A_103 = arith.constant 0 : i32
        %dma_start3A_104 = arith.constant 0 : i32
        %dma_start3A_105 = tpu.memref_slice %arg4[%dma_start3A_103, %dma_start3A_104] : memref<10000x128xf32, #tpu.memory_space<hbm>> -> memref<10000x128xf32, #tpu.memory_space<hbm>>
        tpu.enqueue_indirect_dma source(%dma_start3A_105 : memref<10000x128xf32, #tpu.memory_space<hbm>>) target(%arg9 : memref<128x128xf32, #tpu.memory_space<vmem>>) offsets(%dma_start3A_102 : memref<128xi32, #tpu.memory_space<vmem>>) semaphore(%arg11 : memref<!tpu.dma_semaphore, #tpu.memory_space<semaphore_mem>>)
      } else {
      }
      %add3A_87 = arith.constant 1 : i32
      %add3A_88 = arith.addi %mul3A_72, %add3A_87 : i32
      %lt3A_89 = arith.cmpi slt, %add3A_88, %min3A_14 : i32
      %convert_element_type3A_90 = arith.extui %lt3A_89 : i1 to i32
      %cond3A_91 = arith.constant 0 : i32
      %cond3A_92 = arith.cmpi ne, %convert_element_type3A_90, %cond3A_91 : i32
      scf.if %cond3A_92 {
        %dma_wait3A = arith.constant 0 : i32
        %dma_wait3A_101 = tpu.memref_slice %arg7[%add3A_88, %dma_wait3A] : memref<40x128xi32, #tpu.memory_space<vmem>> -> memref<1x128xi32, #tpu.memory_space<vmem>>
        %dma_wait3A_102 = tpu.memref_squeeze %dma_wait3A_101 : memref<1x128xi32, #tpu.memory_space<vmem>> -> memref<128xi32, #tpu.memory_space<vmem>>
        %dma_wait3A_103 = arith.constant 0 : i32
        %dma_wait3A_104 = arith.constant 0 : i32
        %dma_wait3A_105 = tpu.memref_slice %arg4[%dma_wait3A_103, %dma_wait3A_104] : memref<10000x128xf32, #tpu.memory_space<hbm>> -> memref<10000x128xf32, #tpu.memory_space<hbm>>
        tpu.wait_indirect_dma semaphore(%arg12 : memref<!tpu.dma_semaphore, #tpu.memory_space<semaphore_mem>>) src(%dma_wait3A_105 : memref<10000x128xf32, #tpu.memory_space<hbm>>) dst(%arg10 : memref<128x128xf32, #tpu.memory_space<vmem>>)
        "tpu.region"() ({
          %run_scoped3A = tpu.sem_alloc : memref<!tpu.dma_semaphore, #tpu.memory_space<semaphore_mem>>
          %dma_start3A = arith.constant 0 : i32
          %dma_start3A_106 = tpu.memref_slice %arg8[%add3A_88, %dma_start3A] : memref<40x128xi32, #tpu.memory_space<vmem>> -> memref<1x128xi32, #tpu.memory_space<vmem>>
          %dma_start3A_107 = tpu.memref_squeeze %dma_start3A_106 : memref<1x128xi32, #tpu.memory_space<vmem>> -> memref<128xi32, #tpu.memory_space<vmem>>
          %dma_start3A_108 = arith.constant 0 : i32
          %dma_start3A_109 = arith.constant 0 : i32
          %dma_start3A_110 = tpu.memref_slice %arg13[%dma_start3A_108, %dma_start3A_109] : memref<10000x128xf32, #tpu.memory_space<vmem_shared>> -> memref<10000x128xf32, #tpu.memory_space<vmem_shared>>
          tpu.enqueue_indirect_dma source(%arg10 : memref<128x128xf32, #tpu.memory_space<vmem>>) target(%dma_start3A_110 : memref<10000x128xf32, #tpu.memory_space<vmem_shared>>) offsets(%dma_start3A_107 : memref<128xi32, #tpu.memory_space<vmem>>) semaphore(%run_scoped3A : memref<!tpu.dma_semaphore, #tpu.memory_space<semaphore_mem>>) {add = true}
          %dma_wait3A_111 = arith.constant 0 : i32
          %dma_wait3A_112 = tpu.memref_slice %arg8[%add3A_88, %dma_wait3A_111] : memref<40x128xi32, #tpu.memory_space<vmem>> -> memref<1x128xi32, #tpu.memory_space<vmem>>
          %dma_wait3A_113 = tpu.memref_squeeze %dma_wait3A_112 : memref<1x128xi32, #tpu.memory_space<vmem>> -> memref<128xi32, #tpu.memory_space<vmem>>
          %dma_wait3A_114 = arith.constant 0 : i32
          %dma_wait3A_115 = arith.constant 0 : i32
          %dma_wait3A_116 = tpu.memref_slice %arg13[%dma_wait3A_114, %dma_wait3A_115] : memref<10000x128xf32, #tpu.memory_space<vmem_shared>> -> memref<10000x128xf32, #tpu.memory_space<vmem_shared>>
          tpu.wait_indirect_dma semaphore(%run_scoped3A : memref<!tpu.dma_semaphore, #tpu.memory_space<semaphore_mem>>) src(%arg10 : memref<128x128xf32, #tpu.memory_space<vmem>>) dst(%dma_wait3A_116 : memref<10000x128xf32, #tpu.memory_space<vmem_shared>>)
          tpu.yield
        }) : () -> ()
      } else {
      }
      %add3A_93 = arith.constant 2 : i32
      %add3A_94 = arith.addi %mul3A_72, %add3A_93 : i32
      %add3A_95 = arith.constant 1 : i32
      %add3A_96 = arith.addi %add3A_94, %add3A_95 : i32
      %lt3A_97 = arith.cmpi slt, %add3A_96, %min3A_14 : i32
      %convert_element_type3A_98 = arith.extui %lt3A_97 : i1 to i32
      %cond3A_99 = arith.constant 0 : i32
      %cond3A_100 = arith.cmpi ne, %convert_element_type3A_98, %cond3A_99 : i32
      scf.if %cond3A_100 {
        %dma_start3A = arith.constant 0 : i32
        %dma_start3A_101 = tpu.memref_slice %arg7[%add3A_96, %dma_start3A] : memref<40x128xi32, #tpu.memory_space<vmem>> -> memref<1x128xi32, #tpu.memory_space<vmem>>
        %dma_start3A_102 = tpu.memref_squeeze %dma_start3A_101 : memref<1x128xi32, #tpu.memory_space<vmem>> -> memref<128xi32, #tpu.memory_space<vmem>>
        %dma_start3A_103 = arith.constant 0 : i32
        %dma_start3A_104 = arith.constant 0 : i32
        %dma_start3A_105 = tpu.memref_slice %arg4[%dma_start3A_103, %dma_start3A_104] : memref<10000x128xf32, #tpu.memory_space<hbm>> -> memref<10000x128xf32, #tpu.memory_space<hbm>>
        tpu.enqueue_indirect_dma source(%dma_start3A_105 : memref<10000x128xf32, #tpu.memory_space<hbm>>) target(%arg10 : memref<128x128xf32, #tpu.memory_space<vmem>>) offsets(%dma_start3A_102 : memref<128xi32, #tpu.memory_space<vmem>>) semaphore(%arg12 : memref<!tpu.dma_semaphore, #tpu.memory_space<semaphore_mem>>)
      } else {
      }
    }
    %scan3A_32 = arith.constant 20 : i32
    %sub3A_33 = arith.constant 40 : i32
    %sub3A_34 = arith.subi %min3A_4, %sub3A_33 : i32
    %jit3A_35 = arith.constant 0 : i32
    %jit3A_36 = arith.constant 40 : i32
    %max3A_37 = arith.maxsi %jit3A_35, %sub3A_34 : i32
    %min3A_38 = arith.minsi %jit3A_36, %max3A_37 : i32
    %add3A_39 = arith.constant 40 : i32
    %add3A_40 = arith.addi %mul3A_2, %add3A_39 : i32
    "tpu.region"() ({
      %run_scoped3A = tpu.sem_alloc : memref<!tpu.dma_semaphore, #tpu.memory_space<semaphore_mem>>
      %dma_start3A = arith.constant 0 : i32
      %dma_start3A_70 = tpu.memref_slice %arg2[%add3A_40, %dma_start3A] : memref<2560x128xi32, #tpu.memory_space<hbm>> -> memref<40x128xi32, #tpu.memory_space<hbm>>
      %dma_start3A_71 = arith.constant 0 : i32
      %dma_start3A_72 = tpu.memref_slice %arg2[%add3A_40, %dma_start3A_71] : memref<2560x128xi32, #tpu.memory_space<hbm>> -> memref<40x128xi32, #tpu.memory_space<hbm>>
      tpu.enqueue_dma source(%dma_start3A_72 : memref<40x128xi32, #tpu.memory_space<hbm>>) target(%arg7 : memref<40x128xi32, #tpu.memory_space<vmem>>) target_semaphore(%run_scoped3A : memref<!tpu.dma_semaphore, #tpu.memory_space<semaphore_mem>>)
      %dma_wait3A = arith.constant 0 : i32
      %dma_wait3A_73 = tpu.memref_slice %arg2[%add3A_40, %dma_wait3A] : memref<2560x128xi32, #tpu.memory_space<hbm>> -> memref<40x128xi32, #tpu.memory_space<hbm>>
      %dma_wait3A_74 = arith.constant 0 : i32
      %dma_wait3A_75 = tpu.memref_slice %arg2[%add3A_40, %dma_wait3A_74] : memref<2560x128xi32, #tpu.memory_space<hbm>> -> memref<40x128xi32, #tpu.memory_space<hbm>>
      tpu.wait_dma2 semaphore(%run_scoped3A : memref<!tpu.dma_semaphore, #tpu.memory_space<semaphore_mem>>) src(%dma_wait3A_75 : memref<40x128xi32, #tpu.memory_space<hbm>>) dst(%arg7 : memref<40x128xi32, #tpu.memory_space<vmem>>)
      tpu.yield
    }) : () -> ()
    %add3A_41 = arith.constant 40 : i32
    %add3A_42 = arith.addi %mul3A_2, %add3A_41 : i32
    "tpu.region"() ({
      %run_scoped3A = tpu.sem_alloc : memref<!tpu.dma_semaphore, #tpu.memory_space<semaphore_mem>>
      %dma_start3A = arith.constant 0 : i32
      %dma_start3A_70 = tpu.memref_slice %arg3[%add3A_42, %dma_start3A] : memref<2560x128xi32, #tpu.memory_space<hbm>> -> memref<40x128xi32, #tpu.memory_space<hbm>>
      %dma_start3A_71 = arith.constant 0 : i32
      %dma_start3A_72 = tpu.memref_slice %arg3[%add3A_42, %dma_start3A_71] : memref<2560x128xi32, #tpu.memory_space<hbm>> -> memref<40x128xi32, #tpu.memory_space<hbm>>
      tpu.enqueue_dma source(%dma_start3A_72 : memref<40x128xi32, #tpu.memory_space<hbm>>) target(%arg8 : memref<40x128xi32, #tpu.memory_space<vmem>>) target_semaphore(%run_scoped3A : memref<!tpu.dma_semaphore, #tpu.memory_space<semaphore_mem>>)
      %dma_wait3A = arith.constant 0 : i32
      %dma_wait3A_73 = tpu.memref_slice %arg3[%add3A_42, %dma_wait3A] : memref<2560x128xi32, #tpu.memory_space<hbm>> -> memref<40x128xi32, #tpu.memory_space<hbm>>
      %dma_wait3A_74 = arith.constant 0 : i32
      %dma_wait3A_75 = tpu.memref_slice %arg3[%add3A_42, %dma_wait3A_74] : memref<2560x128xi32, #tpu.memory_space<hbm>> -> memref<40x128xi32, #tpu.memory_space<hbm>>
      tpu.wait_dma2 semaphore(%run_scoped3A : memref<!tpu.dma_semaphore, #tpu.memory_space<semaphore_mem>>) src(%dma_wait3A_75 : memref<40x128xi32, #tpu.memory_space<hbm>>) dst(%arg8 : memref<40x128xi32, #tpu.memory_space<vmem>>)
      tpu.yield
    }) : () -> ()
    %gt3A_43 = arith.constant 0 : i32
    %gt3A_44 = arith.cmpi sgt, %min3A_38, %gt3A_43 : i32
    %convert_element_type3A_45 = arith.extui %gt3A_44 : i1 to i32
    %cond3A_46 = arith.constant 0 : i32
    %cond3A_47 = arith.cmpi ne, %convert_element_type3A_45, %cond3A_46 : i32
    scf.if %cond3A_47 {
      %dma_start3A = arith.constant 0 : i32
      %dma_start3A_70 = arith.constant 0 : i32
      %dma_start3A_71 = tpu.memref_slice %arg7[%dma_start3A, %dma_start3A_70] : memref<40x128xi32, #tpu.memory_space<vmem>> -> memref<1x128xi32, #tpu.memory_space<vmem>>
      %dma_start3A_72 = tpu.memref_squeeze %dma_start3A_71 : memref<1x128xi32, #tpu.memory_space<vmem>> -> memref<128xi32, #tpu.memory_space<vmem>>
      %dma_start3A_73 = arith.constant 0 : i32
      %dma_start3A_74 = arith.constant 0 : i32
      %dma_start3A_75 = tpu.memref_slice %arg4[%dma_start3A_73, %dma_start3A_74] : memref<10000x128xf32, #tpu.memory_space<hbm>> -> memref<10000x128xf32, #tpu.memory_space<hbm>>
      tpu.enqueue_indirect_dma source(%dma_start3A_75 : memref<10000x128xf32, #tpu.memory_space<hbm>>) target(%arg9 : memref<128x128xf32, #tpu.memory_space<vmem>>) offsets(%dma_start3A_72 : memref<128xi32, #tpu.memory_space<vmem>>) semaphore(%arg11 : memref<!tpu.dma_semaphore, #tpu.memory_space<semaphore_mem>>)
    } else {
    }
    %gt3A_48 = arith.constant 1 : i32
    %gt3A_49 = arith.cmpi sgt, %min3A_38, %gt3A_48 : i32
    %convert_element_type3A_50 = arith.extui %gt3A_49 : i1 to i32
    %cond3A_51 = arith.constant 0 : i32
    %cond3A_52 = arith.cmpi ne, %convert_element_type3A_50, %cond3A_51 : i32
    scf.if %cond3A_52 {
      %dma_start3A = arith.constant 1 : i32
      %dma_start3A_70 = arith.constant 0 : i32
      %dma_start3A_71 = tpu.memref_slice %arg7[%dma_start3A, %dma_start3A_70] : memref<40x128xi32, #tpu.memory_space<vmem>> -> memref<1x128xi32, #tpu.memory_space<vmem>>
      %dma_start3A_72 = tpu.memref_squeeze %dma_start3A_71 : memref<1x128xi32, #tpu.memory_space<vmem>> -> memref<128xi32, #tpu.memory_space<vmem>>
      %dma_start3A_73 = arith.constant 0 : i32
      %dma_start3A_74 = arith.constant 0 : i32
      %dma_start3A_75 = tpu.memref_slice %arg4[%dma_start3A_73, %dma_start3A_74] : memref<10000x128xf32, #tpu.memory_space<hbm>> -> memref<10000x128xf32, #tpu.memory_space<hbm>>
      tpu.enqueue_indirect_dma source(%dma_start3A_75 : memref<10000x128xf32, #tpu.memory_space<hbm>>) target(%arg10 : memref<128x128xf32, #tpu.memory_space<vmem>>) offsets(%dma_start3A_72 : memref<128xi32, #tpu.memory_space<vmem>>) semaphore(%arg12 : memref<!tpu.dma_semaphore, #tpu.memory_space<semaphore_mem>>)
    } else {
    }
    %scan3A_53 = arith.constant 0 : i32
    %scan3A_54 = arith.constant 0 : i32
    %scan3A_55 = arith.constant 20 : i32
    %scan3A_56 = arith.addi %scan3A_54, %scan3A_55 : i32
    %scan3A_57 = arith.constant 1 : i32
    scf.for %scan3A_70 = %scan3A_54 to %scan3A_56 step %scan3A_57  : i32 {
      %mul3A_71 = arith.constant 2 : i32
      %mul3A_72 = arith.muli %scan3A_70, %mul3A_71 : i32
      %add3A_73 = arith.constant 0 : i32
      %add3A_74 = arith.addi %mul3A_72, %add3A_73 : i32
      %lt3A_75 = arith.cmpi slt, %add3A_74, %min3A_38 : i32
      %convert_element_type3A_76 = arith.extui %lt3A_75 : i1 to i32
      %cond3A_77 = arith.constant 0 : i32
      %cond3A_78 = arith.cmpi ne, %convert_element_type3A_76, %cond3A_77 : i32
      scf.if %cond3A_78 {
        %dma_wait3A = arith.constant 0 : i32
        %dma_wait3A_101 = tpu.memref_slice %arg7[%add3A_74, %dma_wait3A] : memref<40x128xi32, #tpu.memory_space<vmem>> -> memref<1x128xi32, #tpu.memory_space<vmem>>
        %dma_wait3A_102 = tpu.memref_squeeze %dma_wait3A_101 : memref<1x128xi32, #tpu.memory_space<vmem>> -> memref<128xi32, #tpu.memory_space<vmem>>
        %dma_wait3A_103 = arith.constant 0 : i32
        %dma_wait3A_104 = arith.constant 0 : i32
        %dma_wait3A_105 = tpu.memref_slice %arg4[%dma_wait3A_103, %dma_wait3A_104] : memref<10000x128xf32, #tpu.memory_space<hbm>> -> memref<10000x128xf32, #tpu.memory_space<hbm>>
        tpu.wait_indirect_dma semaphore(%arg11 : memref<!tpu.dma_semaphore, #tpu.memory_space<semaphore_mem>>) src(%dma_wait3A_105 : memref<10000x128xf32, #tpu.memory_space<hbm>>) dst(%arg9 : memref<128x128xf32, #tpu.memory_space<vmem>>)
        "tpu.region"() ({
          %run_scoped3A = tpu.sem_alloc : memref<!tpu.dma_semaphore, #tpu.memory_space<semaphore_mem>>
          %dma_start3A = arith.constant 0 : i32
          %dma_start3A_106 = tpu.memref_slice %arg8[%add3A_74, %dma_start3A] : memref<40x128xi32, #tpu.memory_space<vmem>> -> memref<1x128xi32, #tpu.memory_space<vmem>>
          %dma_start3A_107 = tpu.memref_squeeze %dma_start3A_106 : memref<1x128xi32, #tpu.memory_space<vmem>> -> memref<128xi32, #tpu.memory_space<vmem>>
          %dma_start3A_108 = arith.constant 0 : i32
          %dma_start3A_109 = arith.constant 0 : i32
          %dma_start3A_110 = tpu.memref_slice %arg13[%dma_start3A_108, %dma_start3A_109] : memref<10000x128xf32, #tpu.memory_space<vmem_shared>> -> memref<10000x128xf32, #tpu.memory_space<vmem_shared>>
          tpu.enqueue_indirect_dma source(%arg9 : memref<128x128xf32, #tpu.memory_space<vmem>>) target(%dma_start3A_110 : memref<10000x128xf32, #tpu.memory_space<vmem_shared>>) offsets(%dma_start3A_107 : memref<128xi32, #tpu.memory_space<vmem>>) semaphore(%run_scoped3A : memref<!tpu.dma_semaphore, #tpu.memory_space<semaphore_mem>>) {add = true}
          %dma_wait3A_111 = arith.constant 0 : i32
          %dma_wait3A_112 = tpu.memref_slice %arg8[%add3A_74, %dma_wait3A_111] : memref<40x128xi32, #tpu.memory_space<vmem>> -> memref<1x128xi32, #tpu.memory_space<vmem>>
          %dma_wait3A_113 = tpu.memref_squeeze %dma_wait3A_112 : memref<1x128xi32, #tpu.memory_space<vmem>> -> memref<128xi32, #tpu.memory_space<vmem>>
          %dma_wait3A_114 = arith.constant 0 : i32
          %dma_wait3A_115 = arith.constant 0 : i32
          %dma_wait3A_116 = tpu.memref_slice %arg13[%dma_wait3A_114, %dma_wait3A_115] : memref<10000x128xf32, #tpu.memory_space<vmem_shared>> -> memref<10000x128xf32, #tpu.memory_space<vmem_shared>>
          tpu.wait_indirect_dma semaphore(%run_scoped3A : memref<!tpu.dma_semaphore, #tpu.memory_space<semaphore_mem>>) src(%arg9 : memref<128x128xf32, #tpu.memory_space<vmem>>) dst(%dma_wait3A_116 : memref<10000x128xf32, #tpu.memory_space<vmem_shared>>)
          tpu.yield
        }) : () -> ()
      } else {
      }
      %add3A_79 = arith.constant 2 : i32
      %add3A_80 = arith.addi %mul3A_72, %add3A_79 : i32
      %add3A_81 = arith.constant 0 : i32
      %add3A_82 = arith.addi %add3A_80, %add3A_81 : i32
      %lt3A_83 = arith.cmpi slt, %add3A_82, %min3A_38 : i32
      %convert_element_type3A_84 = arith.extui %lt3A_83 : i1 to i32
      %cond3A_85 = arith.constant 0 : i32
      %cond3A_86 = arith.cmpi ne, %convert_element_type3A_84, %cond3A_85 : i32
      scf.if %cond3A_86 {
        %dma_start3A = arith.constant 0 : i32
        %dma_start3A_101 = tpu.memref_slice %arg7[%add3A_82, %dma_start3A] : memref<40x128xi32, #tpu.memory_space<vmem>> -> memref<1x128xi32, #tpu.memory_space<vmem>>
        %dma_start3A_102 = tpu.memref_squeeze %dma_start3A_101 : memref<1x128xi32, #tpu.memory_space<vmem>> -> memref<128xi32, #tpu.memory_space<vmem>>
        %dma_start3A_103 = arith.constant 0 : i32
        %dma_start3A_104 = arith.constant 0 : i32
        %dma_start3A_105 = tpu.memref_slice %arg4[%dma_start3A_103, %dma_start3A_104] : memref<10000x128xf32, #tpu.memory_space<hbm>> -> memref<10000x128xf32, #tpu.memory_space<hbm>>
        tpu.enqueue_indirect_dma source(%dma_start3A_105 : memref<10000x128xf32, #tpu.memory_space<hbm>>) target(%arg9 : memref<128x128xf32, #tpu.memory_space<vmem>>) offsets(%dma_start3A_102 : memref<128xi32, #tpu.memory_space<vmem>>) semaphore(%arg11 : memref<!tpu.dma_semaphore, #tpu.memory_space<semaphore_mem>>)
      } else {
      }
      %add3A_87 = arith.constant 1 : i32
      %add3A_88 = arith.addi %mul3A_72, %add3A_87 : i32
      %lt3A_89 = arith.cmpi slt, %add3A_88, %min3A_38 : i32
      %convert_element_type3A_90 = arith.extui %lt3A_89 : i1 to i32
      %cond3A_91 = arith.constant 0 : i32
      %cond3A_92 = arith.cmpi ne, %convert_element_type3A_90, %cond3A_91 : i32
      scf.if %cond3A_92 {
        %dma_wait3A = arith.constant 0 : i32
        %dma_wait3A_101 = tpu.memref_slice %arg7[%add3A_88, %dma_wait3A] : memref<40x128xi32, #tpu.memory_space<vmem>> -> memref<1x128xi32, #tpu.memory_space<vmem>>
        %dma_wait3A_102 = tpu.memref_squeeze %dma_wait3A_101 : memref<1x128xi32, #tpu.memory_space<vmem>> -> memref<128xi32, #tpu.memory_space<vmem>>
        %dma_wait3A_103 = arith.constant 0 : i32
        %dma_wait3A_104 = arith.constant 0 : i32
        %dma_wait3A_105 = tpu.memref_slice %arg4[%dma_wait3A_103, %dma_wait3A_104] : memref<10000x128xf32, #tpu.memory_space<hbm>> -> memref<10000x128xf32, #tpu.memory_space<hbm>>
        tpu.wait_indirect_dma semaphore(%arg12 : memref<!tpu.dma_semaphore, #tpu.memory_space<semaphore_mem>>) src(%dma_wait3A_105 : memref<10000x128xf32, #tpu.memory_space<hbm>>) dst(%arg10 : memref<128x128xf32, #tpu.memory_space<vmem>>)
        "tpu.region"() ({
          %run_scoped3A = tpu.sem_alloc : memref<!tpu.dma_semaphore, #tpu.memory_space<semaphore_mem>>
          %dma_start3A = arith.constant 0 : i32
          %dma_start3A_106 = tpu.memref_slice %arg8[%add3A_88, %dma_start3A] : memref<40x128xi32, #tpu.memory_space<vmem>> -> memref<1x128xi32, #tpu.memory_space<vmem>>
          %dma_start3A_107 = tpu.memref_squeeze %dma_start3A_106 : memref<1x128xi32, #tpu.memory_space<vmem>> -> memref<128xi32, #tpu.memory_space<vmem>>
          %dma_start3A_108 = arith.constant 0 : i32
          %dma_start3A_109 = arith.constant 0 : i32
          %dma_start3A_110 = tpu.memref_slice %arg13[%dma_start3A_108, %dma_start3A_109] : memref<10000x128xf32, #tpu.memory_space<vmem_shared>> -> memref<10000x128xf32, #tpu.memory_space<vmem_shared>>
          tpu.enqueue_indirect_dma source(%arg10 : memref<128x128xf32, #tpu.memory_space<vmem>>) target(%dma_start3A_110 : memref<10000x128xf32, #tpu.memory_space<vmem_shared>>) offsets(%dma_start3A_107 : memref<128xi32, #tpu.memory_space<vmem>>) semaphore(%run_scoped3A : memref<!tpu.dma_semaphore, #tpu.memory_space<semaphore_mem>>) {add = true}
          %dma_wait3A_111 = arith.constant 0 : i32
          %dma_wait3A_112 = tpu.memref_slice %arg8[%add3A_88, %dma_wait3A_111] : memref<40x128xi32, #tpu.memory_space<vmem>> -> memref<1x128xi32, #tpu.memory_space<vmem>>
          %dma_wait3A_113 = tpu.memref_squeeze %dma_wait3A_112 : memref<1x128xi32, #tpu.memory_space<vmem>> -> memref<128xi32, #tpu.memory_space<vmem>>
          %dma_wait3A_114 = arith.constant 0 : i32
          %dma_wait3A_115 = arith.constant 0 : i32
          %dma_wait3A_116 = tpu.memref_slice %arg13[%dma_wait3A_114, %dma_wait3A_115] : memref<10000x128xf32, #tpu.memory_space<vmem_shared>> -> memref<10000x128xf32, #tpu.memory_space<vmem_shared>>
          tpu.wait_indirect_dma semaphore(%run_scoped3A : memref<!tpu.dma_semaphore, #tpu.memory_space<semaphore_mem>>) src(%arg10 : memref<128x128xf32, #tpu.memory_space<vmem>>) dst(%dma_wait3A_116 : memref<10000x128xf32, #tpu.memory_space<vmem_shared>>)
          tpu.yield
        }) : () -> ()
      } else {
      }
      %add3A_93 = arith.constant 2 : i32
      %add3A_94 = arith.addi %mul3A_72, %add3A_93 : i32
      %add3A_95 = arith.constant 1 : i32
      %add3A_96 = arith.addi %add3A_94, %add3A_95 : i32
      %lt3A_97 = arith.cmpi slt, %add3A_96, %min3A_38 : i32
      %convert_element_type3A_98 = arith.extui %lt3A_97 : i1 to i32
      %cond3A_99 = arith.constant 0 : i32
      %cond3A_100 = arith.cmpi ne, %convert_element_type3A_98, %cond3A_99 : i32
      scf.if %cond3A_100 {
        %dma_start3A = arith.constant 0 : i32
        %dma_start3A_101 = tpu.memref_slice %arg7[%add3A_96, %dma_start3A] : memref<40x128xi32, #tpu.memory_space<vmem>> -> memref<1x128xi32, #tpu.memory_space<vmem>>
        %dma_start3A_102 = tpu.memref_squeeze %dma_start3A_101 : memref<1x128xi32, #tpu.memory_space<vmem>> -> memref<128xi32, #tpu.memory_space<vmem>>
        %dma_start3A_103 = arith.constant 0 : i32
        %dma_start3A_104 = arith.constant 0 : i32
        %dma_start3A_105 = tpu.memref_slice %arg4[%dma_start3A_103, %dma_start3A_104] : memref<10000x128xf32, #tpu.memory_space<hbm>> -> memref<10000x128xf32, #tpu.memory_space<hbm>>
        tpu.enqueue_indirect_dma source(%dma_start3A_105 : memref<10000x128xf32, #tpu.memory_space<hbm>>) target(%arg10 : memref<128x128xf32, #tpu.memory_space<vmem>>) offsets(%dma_start3A_102 : memref<128xi32, #tpu.memory_space<vmem>>) semaphore(%arg12 : memref<!tpu.dma_semaphore, #tpu.memory_space<semaphore_mem>>)
      } else {
      }
    }
    %scan3A_58 = arith.constant 20 : i32
    %barrier3A_59 = arith.constant 0 : index
    tpu.barrier barrier_id(%barrier3A_59)
    %lt3A_60 = arith.constant 15 : i32
    %lt3A_61 = arith.cmpi slt, %arg1, %lt3A_60 : i32
    %convert_element_type3A_62 = arith.extui %lt3A_61 : i1 to i32
    %cond3A_63 = arith.constant 0 : i32
    %cond3A_64 = arith.cmpi ne, %convert_element_type3A_62, %cond3A_63 : i32
    scf.if %cond3A_64 {
      %mul3A_70 = arith.constant 624 : i32
      %mul3A_71 = arith.muli %arg1, %mul3A_70 : i32
      %mul3A_72 = arith.constant 624 : i32
      %mul3A_73 = arith.muli %arg1, %mul3A_72 : i32
      %mul3A_74 = arith.constant 10000 : i32
      %mul3A_75 = arith.muli %arg0, %mul3A_74 : i32
      %add3A_76 = arith.addi %mul3A_75, %mul3A_73 : i32
      "tpu.region"() ({
        %run_scoped3A = tpu.sem_alloc : memref<!tpu.dma_semaphore, #tpu.memory_space<semaphore_mem>>
        %dma_start3A = arith.constant 0 : i32
        %dma_start3A_77 = tpu.memref_slice %arg6[%add3A_76, %dma_start3A] : memref<20000x128xf32, #tpu.memory_space<hbm>> -> memref<624x128xf32, #tpu.memory_space<hbm>>
        %dma_start3A_78 = arith.constant 0 : i32
        %dma_start3A_79 = tpu.memref_slice %arg13[%mul3A_71, %dma_start3A_78] : memref<10000x128xf32, #tpu.memory_space<vmem_shared>> -> memref<624x128xf32, #tpu.memory_space<vmem_shared>>
        tpu.enqueue_dma source(%dma_start3A_79 : memref<624x128xf32, #tpu.memory_space<vmem_shared>>) target(%dma_start3A_77 : memref<624x128xf32, #tpu.memory_space<hbm>>) target_semaphore(%run_scoped3A : memref<!tpu.dma_semaphore, #tpu.memory_space<semaphore_mem>>)
        %dma_wait3A = arith.constant 0 : i32
        %dma_wait3A_80 = tpu.memref_slice %arg6[%add3A_76, %dma_wait3A] : memref<20000x128xf32, #tpu.memory_space<hbm>> -> memref<624x128xf32, #tpu.memory_space<hbm>>
        %dma_wait3A_81 = arith.constant 0 : i32
        %dma_wait3A_82 = tpu.memref_slice %arg13[%mul3A_71, %dma_wait3A_81] : memref<10000x128xf32, #tpu.memory_space<vmem_shared>> -> memref<624x128xf32, #tpu.memory_space<vmem_shared>>
        tpu.wait_dma2 semaphore(%run_scoped3A : memref<!tpu.dma_semaphore, #tpu.memory_space<semaphore_mem>>) src(%dma_wait3A_82 : memref<624x128xf32, #tpu.memory_space<vmem_shared>>) dst(%dma_wait3A_80 : memref<624x128xf32, #tpu.memory_space<hbm>>)
        tpu.yield
      }) : () -> ()
    } else {
    }
    %eq3A_65 = arith.constant 15 : i32
    %eq3A_66 = arith.cmpi eq, %arg1, %eq3A_65 : i32
    %convert_element_type3A_67 = arith.extui %eq3A_66 : i1 to i32
    %cond3A_68 = arith.constant 0 : i32
    %cond3A_69 = arith.cmpi ne, %convert_element_type3A_67, %cond3A_68 : i32
    scf.if %cond3A_69 {
      %mul3A_70 = arith.constant 10000 : i32
      %mul3A_71 = arith.muli %arg0, %mul3A_70 : i32
      %add3A_72 = arith.constant 9360 : i32
      %add3A_73 = arith.addi %mul3A_71, %add3A_72 : i32
      "tpu.region"() ({
        %run_scoped3A = tpu.sem_alloc : memref<!tpu.dma_semaphore, #tpu.memory_space<semaphore_mem>>
        %dma_start3A = arith.constant 0 : i32
        %dma_start3A_74 = tpu.memref_slice %arg6[%add3A_73, %dma_start3A] : memref<20000x128xf32, #tpu.memory_space<hbm>> -> memref<640x128xf32, #tpu.memory_space<hbm>>
        %dma_start3A_75 = arith.constant 9360 : i32
        %dma_start3A_76 = arith.constant 0 : i32
        %dma_start3A_77 = tpu.memref_slice %arg13[%dma_start3A_75, %dma_start3A_76] : memref<10000x128xf32, #tpu.memory_space<vmem_shared>> -> memref<640x128xf32, #tpu.memory_space<vmem_shared>>
        tpu.enqueue_dma source(%dma_start3A_77 : memref<640x128xf32, #tpu.memory_space<vmem_shared>>) target(%dma_start3A_74 : memref<640x128xf32, #tpu.memory_space<hbm>>) target_semaphore(%run_scoped3A : memref<!tpu.dma_semaphore, #tpu.memory_space<semaphore_mem>>)
        %dma_wait3A = arith.constant 0 : i32
        %dma_wait3A_78 = tpu.memref_slice %arg6[%add3A_73, %dma_wait3A] : memref<20000x128xf32, #tpu.memory_space<hbm>> -> memref<640x128xf32, #tpu.memory_space<hbm>>
        %dma_wait3A_79 = arith.constant 9360 : i32
        %dma_wait3A_80 = arith.constant 0 : i32
        %dma_wait3A_81 = tpu.memref_slice %arg13[%dma_wait3A_79, %dma_wait3A_80] : memref<10000x128xf32, #tpu.memory_space<vmem_shared>> -> memref<640x128xf32, #tpu.memory_space<vmem_shared>>
        tpu.wait_dma2 semaphore(%run_scoped3A : memref<!tpu.dma_semaphore, #tpu.memory_space<semaphore_mem>>) src(%dma_wait3A_81 : memref<640x128xf32, #tpu.memory_space<vmem_shared>>) dst(%dma_wait3A_78 : memref<640x128xf32, #tpu.memory_space<hbm>>)
        tpu.yield
      }) : () -> ()
    } else {
    }
    return
  }
}

module attributes {stable_mosaic.version = 14 : i64} {
  func.func @body(%arg0: i32, %arg1: memref<1000x128xf32, #tpu.memory_space<vmem>>, %arg2: memref<128x128xf32, #tpu.memory_space<vmem>>, %arg3: memref<1000x128xf32, #tpu.memory_space<vmem>>) attributes {dimension_semantics = [#tpu.dimension_semantics<arbitrary>], iteration_bounds = array<i64: 10>, scalar_prefetch = 0 : i64, scratch_operands = 0 : i64, tpu.core_type = #tpu.core_type<tc>, window_params = [{transform_indices = @transform_0, window_bounds = array<i64: 1000, 128>}, {pipeline_mode = #tpu.pipeline_mode<synchronous>, transform_indices = @transform_1, window_bounds = array<i64: 128, 128>}, {transform_indices = @transform_2, window_bounds = array<i64: 1000, 128>}]} {
    %get3A = arith.constant 0 : index
    %get3A_0 = arith.constant 0 : index
    %get3A_1 = vector.load %arg1[%get3A, %get3A_0] : memref<1000x128xf32, #tpu.memory_space<vmem>>, vector<1000x128xf32>
    %get3A_2 = arith.constant 0 : index
    %get3A_3 = arith.constant 0 : index
    %get3A_4 = vector.load %arg2[%get3A_2, %get3A_3] : memref<128x128xf32, #tpu.memory_space<vmem>>, vector<128x128xf32>
    %dot_general3A = arith.constant dense<0.000000e+00> : vector<1000x128xf32>
    %dot_general3A_5 = tpu.matmul %get3A_1, %get3A_4, %dot_general3A {dimension_numbers = #tpu.dot_dimension_numbers<[1], [0], [0], [1], [0, 0, 1, 1], [], []>, transpose_lhs_hint = false} : vector<1000x128xf32>, vector<128x128xf32>, vector<1000x128xf32> -> vector<1000x128xf32>
    %swap3A = arith.constant 0 : index
    %swap3A_6 = arith.constant 0 : index
    %swap3A_7 = vector.load %arg3[%swap3A, %swap3A_6] : memref<1000x128xf32, #tpu.memory_space<vmem>>, vector<1000x128xf32>
    tpu.vector_store %arg3[%swap3A, %swap3A_6], %dot_general3A_5 {strides = array<i32>} : memref<1000x128xf32, #tpu.memory_space<vmem>>, vector<1000x128xf32>,
    return
  }
  func.func @transform_0(%arg0: i32) -> (i32, i32) {
    %c0_i32 = arith.constant 0 : i32
    %c0_i32_0 = arith.constant 0 : i32
    return %arg0, %c0_i32 : i32, i32
  }
  func.func @transform_1(%arg0: i32) -> (i32, i32) {
    %c0_i32 = arith.constant 0 : i32
    %c0_i32_0 = arith.constant 0 : i32
    %c0_i32_1 = arith.constant 0 : i32
    return %c0_i32, %c0_i32_0 : i32, i32
  }
  func.func @transform_2(%arg0: i32) -> (i32, i32) {
    %c0_i32 = arith.constant 0 : i32
    %c0_i32_0 = arith.constant 0 : i32
    return %arg0, %c0_i32 : i32, i32
  }
}

module attributes {stable_mosaic.version = 14 : i64} {
  func.func @body(%arg0: i32, %arg1: memref<1000x128xf32, #tpu.memory_space<vmem>>, %arg2: memref<1000x16xf32, #tpu.memory_space<vmem>>, %arg3: memref<1000x16xf32, #tpu.memory_space<vmem>>, %arg4: memref<1000x128xf32, #tpu.memory_space<vmem>>) attributes {dimension_semantics = [#tpu.dimension_semantics<arbitrary>], iteration_bounds = array<i64: 10>, scalar_prefetch = 0 : i64, scratch_operands = 0 : i64, tpu.core_type = #tpu.core_type<tc>, window_params = [{transform_indices = @transform_0, window_bounds = array<i64: 1000, 128>}, {transform_indices = @transform_1, window_bounds = array<i64: 1000, 16>}, {transform_indices = @transform_2, window_bounds = array<i64: 1000, 16>}, {transform_indices = @transform_3, window_bounds = array<i64: 1000, 128>}]} {
    %get3A = arith.constant 0 : index
    %get3A_0 = arith.constant 0 : index
    %get3A_1 = vector.load %arg2[%get3A, %get3A_0] : memref<1000x16xf32, #tpu.memory_space<vmem>>, vector<1000x1xf32>
    %get3A_2 = arith.constant 0 : index
    %get3A_3 = arith.constant 0 : index
    %get3A_4 = vector.load %arg3[%get3A_2, %get3A_3] : memref<1000x16xf32, #tpu.memory_space<vmem>>, vector<1000x1xf32>
    %add3A = arith.addf %get3A_1, %get3A_4 : vector<1000x1xf32>
    %add3A_5 = arith.constant 1.000000e+00 : f32
    %add3A_6 = vector.broadcast %add3A_5 : f32 to vector<1000x1xf32>
    %add3A_7 = arith.addf %add3A, %add3A_6 : vector<1000x1xf32>
    %rsqrt3A = math.rsqrt %add3A_7 : vector<1000x1xf32>
    %get3A_8 = arith.constant 0 : index
    %get3A_9 = arith.constant 0 : index
    %get3A_10 = vector.load %arg1[%get3A_8, %get3A_9] : memref<1000x128xf32, #tpu.memory_space<vmem>>, vector<1000x128xf32>
    %mul3A = vector.broadcast %rsqrt3A : vector<1000x1xf32> to vector<1000x128xf32>
    %mul3A_11 = arith.mulf %get3A_10, %mul3A : vector<1000x128xf32>
    %swap3A = arith.constant 0 : index
    %swap3A_12 = arith.constant 0 : index
    %swap3A_13 = vector.load %arg4[%swap3A, %swap3A_12] : memref<1000x128xf32, #tpu.memory_space<vmem>>, vector<1000x128xf32>
    tpu.vector_store %arg4[%swap3A, %swap3A_12], %mul3A_11 {strides = array<i32>} : memref<1000x128xf32, #tpu.memory_space<vmem>>, vector<1000x128xf32>,
    return
  }
  func.func @transform_0(%arg0: i32) -> (i32, i32) {
    %c0_i32 = arith.constant 0 : i32
    %c0_i32_0 = arith.constant 0 : i32
    return %arg0, %c0_i32 : i32, i32
  }
  func.func @transform_1(%arg0: i32) -> (i32, i32) {
    %c0_i32 = arith.constant 0 : i32
    %c0_i32_0 = arith.constant 0 : i32
    return %arg0, %c0_i32 : i32, i32
  }
  func.func @transform_2(%arg0: i32) -> (i32, i32) {
    %add3A = arith.constant 10 : i32
    %add3A_0 = arith.addi %arg0, %add3A : i32
    %c0_i32 = arith.constant 0 : i32
    %c0_i32_1 = arith.constant 0 : i32
    return %add3A_0, %c0_i32 : i32, i32
  }
  func.func @transform_3(%arg0: i32) -> (i32, i32) {
    %c0_i32 = arith.constant 0 : i32
    %c0_i32_0 = arith.constant 0 : i32
    return %arg0, %c0_i32 : i32, i32
  }
}

module attributes {stable_mosaic.version = 14 : i64} {
  func.func @body(%arg0: i32, %arg1: memref<1000x128xf32, #tpu.memory_space<vmem>>, %arg2: memref<1000x128xf32, #tpu.memory_space<vmem>>, %arg3: memref<1000x128xf32, #tpu.memory_space<vmem>>, %arg4: memref<1000x16xf32, #tpu.memory_space<vmem>>, %arg5: memref<1000x16xf32, #tpu.memory_space<vmem>>, %arg6: memref<1x128xf32, #tpu.memory_space<vmem>>, %arg7: memref<128x128xf32, #tpu.memory_space<vmem>>, %arg8: memref<1000x128xf32, #tpu.memory_space<vmem>>) attributes {dimension_semantics = [#tpu.dimension_semantics<arbitrary>], iteration_bounds = array<i64: 10>, scalar_prefetch = 0 : i64, scratch_operands = 0 : i64, tpu.core_type = #tpu.core_type<tc>, window_params = [{transform_indices = @transform_0, window_bounds = array<i64: 1000, 128>}, {transform_indices = @transform_1, window_bounds = array<i64: 1000, 128>}, {transform_indices = @transform_2, window_bounds = array<i64: 1000, 128>}, {transform_indices = @transform_3, window_bounds = array<i64: 1000, 16>}, {transform_indices = @transform_4, window_bounds = array<i64: 1000, 16>}, {pipeline_mode = #tpu.pipeline_mode<synchronous>, transform_indices = @transform_5, window_bounds = array<i64: 1, 128>}, {pipeline_mode = #tpu.pipeline_mode<synchronous>, transform_indices = @transform_6, window_bounds = array<i64: 128, 128>}, {transform_indices = @transform_7, window_bounds = array<i64: 1000, 128>}]} {
    %get3A = arith.constant 0 : index
    %get3A_0 = arith.constant 0 : index
    %get3A_1 = vector.load %arg4[%get3A, %get3A_0] : memref<1000x16xf32, #tpu.memory_space<vmem>>, vector<1000x1xf32>
    %get3A_2 = arith.constant 0 : index
    %get3A_3 = arith.constant 0 : index
    %get3A_4 = vector.load %arg5[%get3A_2, %get3A_3] : memref<1000x16xf32, #tpu.memory_space<vmem>>, vector<1000x1xf32>
    %add3A = arith.addf %get3A_1, %get3A_4 : vector<1000x1xf32>
    %add3A_5 = arith.constant 1.000000e+00 : f32
    %add3A_6 = vector.broadcast %add3A_5 : f32 to vector<1000x1xf32>
    %add3A_7 = arith.addf %add3A, %add3A_6 : vector<1000x1xf32>
    %rsqrt3A = math.rsqrt %add3A_7 : vector<1000x1xf32>
    %get3A_8 = arith.constant 0 : index
    %get3A_9 = arith.constant 0 : index
    %get3A_10 = vector.load %arg1[%get3A_8, %get3A_9] : memref<1000x128xf32, #tpu.memory_space<vmem>>, vector<1000x128xf32>
    %get3A_11 = arith.constant 0 : index
    %get3A_12 = arith.constant 0 : index
    %get3A_13 = vector.load %arg2[%get3A_11, %get3A_12] : memref<1000x128xf32, #tpu.memory_space<vmem>>, vector<1000x128xf32>
    %add3A_14 = arith.addf %get3A_10, %get3A_13 : vector<1000x128xf32>
    %get3A_15 = arith.constant 0 : index
    %get3A_16 = arith.constant 0 : index
    %get3A_17 = vector.load %arg3[%get3A_15, %get3A_16] : memref<1000x128xf32, #tpu.memory_space<vmem>>, vector<1000x128xf32>
    %add3A_18 = arith.addf %add3A_14, %get3A_17 : vector<1000x128xf32>
    %mul3A = vector.broadcast %rsqrt3A : vector<1000x1xf32> to vector<1000x128xf32>
    %mul3A_19 = arith.mulf %add3A_18, %mul3A : vector<1000x128xf32>
    %get3A_20 = arith.constant 0 : index
    %get3A_21 = arith.constant 0 : index
    %get3A_22 = vector.load %arg6[%get3A_20, %get3A_21] : memref<1x128xf32, #tpu.memory_space<vmem>>, vector<1x128xf32>
    %add3A_23 = vector.broadcast %get3A_22 : vector<1x128xf32> to vector<1000x128xf32>
    %add3A_24 = arith.addf %mul3A_19, %add3A_23 : vector<1000x128xf32>
    %max3A = arith.constant 0.000000e+00 : f32
    %max3A_25 = vector.broadcast %max3A : f32 to vector<1000x128xf32>
    %max3A_26 = arith.maximumf %add3A_24, %max3A_25 : vector<1000x128xf32>
    %get3A_27 = arith.constant 0 : index
    %get3A_28 = arith.constant 0 : index
    %get3A_29 = vector.load %arg7[%get3A_27, %get3A_28] : memref<128x128xf32, #tpu.memory_space<vmem>>, vector<128x128xf32>
    %dot_general3A = arith.constant dense<0.000000e+00> : vector<1000x128xf32>
    %dot_general3A_30 = tpu.matmul %max3A_26, %get3A_29, %dot_general3A {dimension_numbers = #tpu.dot_dimension_numbers<[1], [0], [0], [1], [0, 0, 1, 1], [], []>, transpose_lhs_hint = false} : vector<1000x128xf32>, vector<128x128xf32>, vector<1000x128xf32> -> vector<1000x128xf32>
    %mul3A_31 = vector.broadcast %rsqrt3A : vector<1000x1xf32> to vector<1000x128xf32>
    %mul3A_32 = arith.mulf %dot_general3A_30, %mul3A_31 : vector<1000x128xf32>
    %swap3A = arith.constant 0 : index
    %swap3A_33 = arith.constant 0 : index
    %swap3A_34 = vector.load %arg8[%swap3A, %swap3A_33] : memref<1000x128xf32, #tpu.memory_space<vmem>>, vector<1000x128xf32>
    tpu.vector_store %arg8[%swap3A, %swap3A_33], %mul3A_32 {strides = array<i32>} : memref<1000x128xf32, #tpu.memory_space<vmem>>, vector<1000x128xf32>,
    return
  }
  func.func @transform_0(%arg0: i32) -> (i32, i32) {
    %c0_i32 = arith.constant 0 : i32
    %c0_i32_0 = arith.constant 0 : i32
    return %arg0, %c0_i32 : i32, i32
  }
  func.func @transform_1(%arg0: i32) -> (i32, i32) {
    %add3A = arith.constant 10 : i32
    %add3A_0 = arith.addi %arg0, %add3A : i32
    %c0_i32 = arith.constant 0 : i32
    %c0_i32_1 = arith.constant 0 : i32
    return %add3A_0, %c0_i32 : i32, i32
  }
  func.func @transform_2(%arg0: i32) -> (i32, i32) {
    %c0_i32 = arith.constant 0 : i32
    %c0_i32_0 = arith.constant 0 : i32
    return %arg0, %c0_i32 : i32, i32
  }
  func.func @transform_3(%arg0: i32) -> (i32, i32) {
    %c0_i32 = arith.constant 0 : i32
    %c0_i32_0 = arith.constant 0 : i32
    return %arg0, %c0_i32 : i32, i32
  }
  func.func @transform_4(%arg0: i32) -> (i32, i32) {
    %add3A = arith.constant 10 : i32
    %add3A_0 = arith.addi %arg0, %add3A : i32
    %c0_i32 = arith.constant 0 : i32
    %c0_i32_1 = arith.constant 0 : i32
    return %add3A_0, %c0_i32 : i32, i32
  }
  func.func @transform_5(%arg0: i32) -> (i32, i32) {
    %c0_i32 = arith.constant 0 : i32
    %c0_i32_0 = arith.constant 0 : i32
    %c0_i32_1 = arith.constant 0 : i32
    return %c0_i32, %c0_i32_0 : i32, i32
  }
  func.func @transform_6(%arg0: i32) -> (i32, i32) {
    %c0_i32 = arith.constant 0 : i32
    %c0_i32_0 = arith.constant 0 : i32
    %c0_i32_1 = arith.constant 0 : i32
    return %c0_i32, %c0_i32_0 : i32, i32
  }
  func.func @transform_7(%arg0: i32) -> (i32, i32) {
    %c0_i32 = arith.constant 0 : i32
    %c0_i32_0 = arith.constant 0 : i32
    return %arg0, %c0_i32 : i32, i32
  }
}

module attributes {stable_mosaic.version = 14 : i64} {
  func.func @body(%arg0: i32, %arg1: memref<1000x128xf32, #tpu.memory_space<vmem>>, %arg2: memref<1000x128xf32, #tpu.memory_space<vmem>>, %arg3: memref<1000x128xf32, #tpu.memory_space<vmem>>, %arg4: memref<1000x16xf32, #tpu.memory_space<vmem>>, %arg5: memref<1000x16xf32, #tpu.memory_space<vmem>>, %arg6: memref<1x64xf32, #tpu.memory_space<vmem>>, %arg7: memref<1000x64xf32, #tpu.memory_space<vmem>>) attributes {dimension_semantics = [#tpu.dimension_semantics<arbitrary>], iteration_bounds = array<i64: 10>, scalar_prefetch = 0 : i64, scratch_operands = 0 : i64, tpu.core_type = #tpu.core_type<tc>, window_params = [{transform_indices = @transform_0, window_bounds = array<i64: 1000, 128>}, {transform_indices = @transform_1, window_bounds = array<i64: 1000, 128>}, {transform_indices = @transform_2, window_bounds = array<i64: 1000, 128>}, {transform_indices = @transform_3, window_bounds = array<i64: 1000, 16>}, {transform_indices = @transform_4, window_bounds = array<i64: 1000, 16>}, {pipeline_mode = #tpu.pipeline_mode<synchronous>, transform_indices = @transform_5, window_bounds = array<i64: 1, 64>}, {transform_indices = @transform_6, window_bounds = array<i64: 1000, 64>}]} {
    %get3A = arith.constant 0 : index
    %get3A_0 = arith.constant 0 : index
    %get3A_1 = vector.load %arg4[%get3A, %get3A_0] : memref<1000x16xf32, #tpu.memory_space<vmem>>, vector<1000x1xf32>
    %get3A_2 = arith.constant 0 : index
    %get3A_3 = arith.constant 0 : index
    %get3A_4 = vector.load %arg5[%get3A_2, %get3A_3] : memref<1000x16xf32, #tpu.memory_space<vmem>>, vector<1000x1xf32>
    %add3A = arith.addf %get3A_1, %get3A_4 : vector<1000x1xf32>
    %add3A_5 = arith.constant 1.000000e+00 : f32
    %add3A_6 = vector.broadcast %add3A_5 : f32 to vector<1000x1xf32>
    %add3A_7 = arith.addf %add3A, %add3A_6 : vector<1000x1xf32>
    %rsqrt3A = math.rsqrt %add3A_7 : vector<1000x1xf32>
    %get3A_8 = arith.constant 0 : index
    %get3A_9 = arith.constant 0 : index
    %get3A_10 = vector.load %arg1[%get3A_8, %get3A_9] : memref<1000x128xf32, #tpu.memory_space<vmem>>, vector<1000x128xf32>
    %get3A_11 = arith.constant 0 : index
    %get3A_12 = arith.constant 0 : index
    %get3A_13 = vector.load %arg2[%get3A_11, %get3A_12] : memref<1000x128xf32, #tpu.memory_space<vmem>>, vector<1000x128xf32>
    %add3A_14 = arith.addf %get3A_10, %get3A_13 : vector<1000x128xf32>
    %get3A_15 = arith.constant 0 : index
    %get3A_16 = arith.constant 0 : index
    %get3A_17 = vector.load %arg3[%get3A_15, %get3A_16] : memref<1000x128xf32, #tpu.memory_space<vmem>>, vector<1000x128xf32>
    %add3A_18 = arith.addf %add3A_14, %get3A_17 : vector<1000x128xf32>
    %slice3A = vector.extract_strided_slice %add3A_18 {offsets = [0, 0], sizes = [1000, 64], strides = [1, 1]} : vector<1000x128xf32> to vector<1000x64xf32>
    %mul3A = vector.broadcast %rsqrt3A : vector<1000x1xf32> to vector<1000x64xf32>
    %mul3A_19 = arith.mulf %slice3A, %mul3A : vector<1000x64xf32>
    %get3A_20 = arith.constant 0 : index
    %get3A_21 = arith.constant 0 : index
    %get3A_22 = vector.load %arg6[%get3A_20, %get3A_21] : memref<1x64xf32, #tpu.memory_space<vmem>>, vector<1x64xf32>
    %add3A_23 = vector.broadcast %get3A_22 : vector<1x64xf32> to vector<1000x64xf32>
    %add3A_24 = arith.addf %mul3A_19, %add3A_23 : vector<1000x64xf32>
    %swap3A = arith.constant 0 : index
    %swap3A_25 = arith.constant 0 : index
    %swap3A_26 = vector.load %arg7[%swap3A, %swap3A_25] : memref<1000x64xf32, #tpu.memory_space<vmem>>, vector<1000x64xf32>
    tpu.vector_store %arg7[%swap3A, %swap3A_25], %add3A_24 {strides = array<i32>} : memref<1000x64xf32, #tpu.memory_space<vmem>>, vector<1000x64xf32>,
    return
  }
  func.func @transform_0(%arg0: i32) -> (i32, i32) {
    %c0_i32 = arith.constant 0 : i32
    %c0_i32_0 = arith.constant 0 : i32
    return %arg0, %c0_i32 : i32, i32
  }
  func.func @transform_1(%arg0: i32) -> (i32, i32) {
    %add3A = arith.constant 10 : i32
    %add3A_0 = arith.addi %arg0, %add3A : i32
    %c0_i32 = arith.constant 0 : i32
    %c0_i32_1 = arith.constant 0 : i32
    return %add3A_0, %c0_i32 : i32, i32
  }
  func.func @transform_2(%arg0: i32) -> (i32, i32) {
    %c0_i32 = arith.constant 0 : i32
    %c0_i32_0 = arith.constant 0 : i32
    return %arg0, %c0_i32 : i32, i32
  }
  func.func @transform_3(%arg0: i32) -> (i32, i32) {
    %c0_i32 = arith.constant 0 : i32
    %c0_i32_0 = arith.constant 0 : i32
    return %arg0, %c0_i32 : i32, i32
  }
  func.func @transform_4(%arg0: i32) -> (i32, i32) {
    %add3A = arith.constant 10 : i32
    %add3A_0 = arith.addi %arg0, %add3A : i32
    %c0_i32 = arith.constant 0 : i32
    %c0_i32_1 = arith.constant 0 : i32
    return %add3A_0, %c0_i32 : i32, i32
  }
  func.func @transform_5(%arg0: i32) -> (i32, i32) {
    %c0_i32 = arith.constant 0 : i32
    %c0_i32_0 = arith.constant 0 : i32
    %c0_i32_1 = arith.constant 0 : i32
    return %c0_i32, %c0_i32_0 : i32, i32
  }
  func.func @transform_6(%arg0: i32) -> (i32, i32) {
    %c0_i32 = arith.constant 0 : i32
    %c0_i32_0 = arith.constant 0 : i32
    return %arg0, %c0_i32 : i32, i32
  }
}

module attributes {stable_mosaic.version = 14 : i64} {
  func.func @body(%arg0: i32, %arg1: memref<256x64xf32, #tpu.memory_space<vmem>>, %arg2: memref<256x1xf32, #tpu.memory_space<vmem>>, %arg3: memref<64x10000xf32, #tpu.memory_space<vmem>>, %arg4: memref<256x10000xf32, #tpu.memory_space<vmem>>) attributes {dimension_semantics = [#tpu.dimension_semantics<arbitrary>], iteration_bounds = array<i64: 10>, scalar_prefetch = 0 : i64, scratch_operands = 0 : i64, tpu.core_type = #tpu.core_type<tc>, window_params = [{transform_indices = @transform_0, window_bounds = array<i64: 256, 64>}, {transform_indices = @transform_1, window_bounds = array<i64: 256, 1>}, {pipeline_mode = #tpu.pipeline_mode<synchronous>, transform_indices = @transform_2, window_bounds = array<i64: 64, 10000>}, {transform_indices = @transform_3, window_bounds = array<i64: 256, 10000>}]} {
    %get3A = arith.constant 0 : index
    %get3A_0 = arith.constant 0 : index
    %get3A_1 = vector.load %arg1[%get3A, %get3A_0] : memref<256x64xf32, #tpu.memory_space<vmem>>, vector<256x64xf32>
    %get3A_2 = arith.constant 0 : index
    %get3A_3 = arith.constant 0 : index
    %get3A_4 = vector.load %arg3[%get3A_2, %get3A_3] : memref<64x10000xf32, #tpu.memory_space<vmem>>, vector<64x10000xf32>
    %dot_general3A = arith.constant dense<0.000000e+00> : vector<256x10000xf32>
    %dot_general3A_5 = tpu.matmul %get3A_1, %get3A_4, %dot_general3A {dimension_numbers = #tpu.dot_dimension_numbers<[1], [0], [0], [1], [0, 0, 1, 1], [], []>, transpose_lhs_hint = false} : vector<256x64xf32>, vector<64x10000xf32>, vector<256x10000xf32> -> vector<256x10000xf32>
    %get3A_6 = arith.constant 0 : index
    %get3A_7 = arith.constant 0 : index
    %get3A_8 = vector.load %arg2[%get3A_6, %get3A_7] : memref<256x1xf32, #tpu.memory_space<vmem>>, vector<256x1xf32>
    %add3A = vector.broadcast %get3A_8 : vector<256x1xf32> to vector<256x10000xf32>
    %add3A_9 = arith.addf %dot_general3A_5, %add3A : vector<256x10000xf32>
    %swap3A = arith.constant 0 : index
    %swap3A_10 = arith.constant 0 : index
    %swap3A_11 = vector.load %arg4[%swap3A, %swap3A_10] : memref<256x10000xf32, #tpu.memory_space<vmem>>, vector<256x10000xf32>
    tpu.vector_store %arg4[%swap3A, %swap3A_10], %add3A_9 {strides = array<i32>} : memref<256x10000xf32, #tpu.memory_space<vmem>>, vector<256x10000xf32>,
    return
  }
  func.func @transform_0(%arg0: i32) -> (i32, i32) {
    %c0_i32 = arith.constant 0 : i32
    %c0_i32_0 = arith.constant 0 : i32
    return %arg0, %c0_i32 : i32, i32
  }
  func.func @transform_1(%arg0: i32) -> (i32, i32) {
    %c0_i32 = arith.constant 0 : i32
    %c0_i32_0 = arith.constant 0 : i32
    return %arg0, %c0_i32 : i32, i32
  }
  func.func @transform_2(%arg0: i32) -> (i32, i32) {
    %c0_i32 = arith.constant 0 : i32
    %c0_i32_0 = arith.constant 0 : i32
    %c0_i32_1 = arith.constant 0 : i32
    return %c0_i32, %c0_i32_0 : i32, i32
  }
  func.func @transform_3(%arg0: i32) -> (i32, i32) {
    %c0_i32 = arith.constant 0 : i32
    %c0_i32_0 = arith.constant 0 : i32
    return %arg0, %c0_i32 : i32, i32
  }
}

module attributes {stable_mosaic.version = 14 : i64} {
  func.func @body(%arg0: i32, %arg1: memref<240x64xf32, #tpu.memory_space<vmem>>, %arg2: memref<240x1xf32, #tpu.memory_space<vmem>>, %arg3: memref<64x10000xf32, #tpu.memory_space<vmem>>, %arg4: memref<240x10000xf32, #tpu.memory_space<vmem>>) attributes {dimension_semantics = [#tpu.dimension_semantics<arbitrary>], iteration_bounds = array<i64: 5>, scalar_prefetch = 0 : i64, scratch_operands = 0 : i64, tpu.core_type = #tpu.core_type<tc>, window_params = [{transform_indices = @transform_0, window_bounds = array<i64: 240, 64>}, {transform_indices = @transform_1, window_bounds = array<i64: 240, 1>}, {pipeline_mode = #tpu.pipeline_mode<synchronous>, transform_indices = @transform_2, window_bounds = array<i64: 64, 10000>}, {transform_indices = @transform_3, window_bounds = array<i64: 240, 10000>}]} {
    %get3A = arith.constant 0 : index
    %get3A_0 = arith.constant 0 : index
    %get3A_1 = vector.load %arg1[%get3A, %get3A_0] : memref<240x64xf32, #tpu.memory_space<vmem>>, vector<240x64xf32>
    %get3A_2 = arith.constant 0 : index
    %get3A_3 = arith.constant 0 : index
    %get3A_4 = vector.load %arg3[%get3A_2, %get3A_3] : memref<64x10000xf32, #tpu.memory_space<vmem>>, vector<64x10000xf32>
    %dot_general3A = arith.constant dense<0.000000e+00> : vector<240x10000xf32>
    %dot_general3A_5 = tpu.matmul %get3A_1, %get3A_4, %dot_general3A {dimension_numbers = #tpu.dot_dimension_numbers<[1], [0], [0], [1], [0, 0, 1, 1], [], []>, transpose_lhs_hint = false} : vector<240x64xf32>, vector<64x10000xf32>, vector<240x10000xf32> -> vector<240x10000xf32>
    %get3A_6 = arith.constant 0 : index
    %get3A_7 = arith.constant 0 : index
    %get3A_8 = vector.load %arg2[%get3A_6, %get3A_7] : memref<240x1xf32, #tpu.memory_space<vmem>>, vector<240x1xf32>
    %add3A = vector.broadcast %get3A_8 : vector<240x1xf32> to vector<240x10000xf32>
    %add3A_9 = arith.addf %dot_general3A_5, %add3A : vector<240x10000xf32>
    %swap3A = arith.constant 0 : index
    %swap3A_10 = arith.constant 0 : index
    %swap3A_11 = vector.load %arg4[%swap3A, %swap3A_10] : memref<240x10000xf32, #tpu.memory_space<vmem>>, vector<240x10000xf32>
    tpu.vector_store %arg4[%swap3A, %swap3A_10], %add3A_9 {strides = array<i32>} : memref<240x10000xf32, #tpu.memory_space<vmem>>, vector<240x10000xf32>,
    return
  }
  func.func @transform_0(%arg0: i32) -> (i32, i32) {
    %c0_i32 = arith.constant 0 : i32
    %c0_i32_0 = arith.constant 0 : i32
    return %arg0, %c0_i32 : i32, i32
  }
  func.func @transform_1(%arg0: i32) -> (i32, i32) {
    %c0_i32 = arith.constant 0 : i32
    %c0_i32_0 = arith.constant 0 : i32
    return %arg0, %c0_i32 : i32, i32
  }
  func.func @transform_2(%arg0: i32) -> (i32, i32) {
    %c0_i32 = arith.constant 0 : i32
    %c0_i32_0 = arith.constant 0 : i32
    %c0_i32_1 = arith.constant 0 : i32
    return %c0_i32, %c0_i32_0 : i32, i32
  }
  func.func @transform_3(%arg0: i32) -> (i32, i32) {
    %c0_i32 = arith.constant 0 : i32
    %c0_i32_0 = arith.constant 0 : i32
    return %arg0, %c0_i32 : i32, i32
  }
}

</mosaic_0001>

<sc_bundles>
// kernel: kernel.11.cloned.1.call-start
scs
__scs_entry_jumppad:
0x0: {  	(pc) =	sbr.rel $0x88, $3  }
0x1: {  	(tag) =	ssettag $0x0;
	lr =	simm.s32 $0x1  }
0x2: {  	[smem:$0x3F97] =	sst lr;
	_ =	strace $0xD0000000  }
0x3: {  	_ = 	snop  }
0x4: {  	_ = 	snop  }
0x5: {  	_ = 	snop  }
0x6: {  	_ = 	snop  }
0x7: {  	_ = 	snop  }
__scs_overlays_trampoline_lowered:
0x8: {  	[smem:$0x3FA6] =	sst s0  }
0x9: {  	[smem:$0x3FA7] =	sst s1  }
0xa: {  	[smem:$0x3FA8] =	sst s2  }
0xb: {  	[smem:$0x3FA9] =	sst s3  }
0xc: {  	[smem:$0x3FAA] =	sst s4  }
0xd: {  	[smem:$0x3FAB] =	sst s5  }
0xe: {  	[smem:$0x3FAC] =	sst s6  }
0xf: {  	[smem:$0x3FAD] =	sst s7  }
0x10: {  	[smem:$0x3FAE] =	sst s8  }
0x11: {  	[smem:$0x3FAF] =	sst s9;
	s0 =	simm.s32 @!p0 $0x0  }
0x12: {  	s1 =	sld [smem:$0x3F95];
	s0 =	simm.s32 @p0 $0x1  }
0x13: {  	[smem:$0x3FB0] =	sst s0;
	s0 =	simm.s32 @!p1 $0x0  }
0x14: {  	s2 =	sld [smem:$0x3F94];
	s0 =	simm.s32 @p1 $0x1  }
0x15: {  	[smem:$0x3FB1] =	sst s0;
	s0 =	simm.s32 @!p2 $0x0  }
0x16: {  	s3 =	sld [smem:$0x3FDB];
	s0 =	simm.s32 @p2 $0x1  }
0x17: {  	s4 =	simm.s32 $0x1BF5;
	[smem:$0x3FB3] =	sst s0  }
0x18: {  	s0 =	sld [smem:$0x3F96];
	_ =	swait.ge [sflag:s4], $0x0  }
0x19: {  	s7 =	sld [smem:$0x3F97]  }
0x1a: {  	s8 =	sadd.s32 $0xFFFFE003, lr  }
0x1b: {  	s9 =	sadd.s32 $0xFFFFFEF7, lr;
	s5 =	simm.s32 $0xFFFFFFFF;
	p2 =	slt.u32 s8, $0xFFFFF086  }
0x1c: {  	p1 =	slt.u32 s9, $0xF7A;
	s5 =	simm.s32 @!p2 $0x0  }
0x1d: {  	s5 =	simm.s32 @p1 $0x1;
	p0 =	seq.s32 s7, s2  }
0x1e: {  	s7 =	smul.u32 @!p0 $0xF7A, s2;
	p2 =	seq.s32 @!p0 s5, $0x0  }
0x1f: {  	s9 =	smul.u32 $0xF7A, s1;
	s8 =	simm.s32 @!p0 $0x1BF5;
	p2 =	por !p2, p0  }
0x20: {  	[sflag:s8] =	ssyncset.s32 @!p0 $0xFFFFF086;
	s6 =	sadd.s32 @!p0 s3, s7;
	s7 =	simm.s32 @!p0 $0x108  }
0x21: {  	s3 =	sadd.s32 s3, s9;
	s6 =	sadd.s32 @!p0 $0x88, s6;
	s7 =	simm.s32 @p2 $0x1082  }
0x22: {  	[simem:s7], [sflag:s8] =	dma.local @!p0 [hbm:s6], $0xF7A  }
0x23: {  	s9 =	sor.u32 $0xD0000000, s2;
	s6 =	simm.s32 $0x108;
	_ =	swait.ge @!p0 [sflag:s8], $0x0  }
0x24: {  	s3 =	sadd.s32 $0x88, s3;
	s6 =	simm.s32 @!p1 $0x1082;
	[sflag:s4] =	ssyncset.s32 $0xFFFFF086  }
0x25: {  	[simem:s6], [sflag:s4] =	dma.local [hbm:s3], $0xF7A  }
0x26: {  	[smem:$0x3F97] =	sst s1;
	(tag) =	ssettag s2;
	_ =	strace s9  }
0x27: {  	s1 =	sld [smem:$0x3FA7]  }
0x28: {  	s2 =	sld [smem:$0x3FA8]  }
0x29: {  	s4 =	sld [smem:$0x3FAA]  }
0x2a: {  	p0 =	seq.s32 s5, $0x0;
	s5 =	sld [smem:$0x3FAB]  }
0x2b: {  	s6 =	sld [smem:$0x3FAC]  }
0x2c: {  	s7 =	sld [smem:$0x3FAD]  }
0x2d: {  	s3 =	simm.s32 $0x108;
	s8 =	sld [smem:$0x3FAE]  }
0x2e: {  	s3 =	simm.s32 @!p0 $0x1082;
	s9 =	sld [smem:$0x3FAF]  }
0x2f: {  	lr =	sadd.s32 s0, s3;
	s0 =	sld [smem:$0x3FA6]  }
0x30: {  	s3 =	sld [smem:$0x3FA9]  }
0x31: {  	[smem:$0x3FB2] =	sst s10  }
0x32: {  	s10 =	sld [smem:$0x3FB0];
	_ =	sdelay $0x3  }
0x33: {  	p0 =	seq.s32 s10, $0x1;
	s10 =	sld [smem:$0x3FB2];
	_ =	sdelay $0x3  }
0x34: {  	[smem:$0x3FB2] =	sst s10  }
0x35: {  	s10 =	sld [smem:$0x3FB1];
	_ =	sdelay $0x3  }
0x36: {  	p1 =	seq.s32 s10, $0x1;
	s10 =	sld [smem:$0x3FB2];
	_ =	sdelay $0x3  }
0x37: {  	[smem:$0x3FB2] =	sst s10  }
0x38: {  	s10 =	sld [smem:$0x3FB3]  }
0x39: {  	_ = 	snop;
	(pc) =	sbr.ind lr, $3  }
0x3a: {  	_ = 	snop  }
0x3b: {  	_ = 	snop  }
0x3c: {  	p2 =	seq.s32 s10, $0x1;
	s10 =	sld [smem:$0x3FB2]  }
0x3d: {  	_ =	shalt  }
0x3e: {  	_ =	shalt  }
0x3f: {  	_ =	shalt  }
0x40: {  	_ =	shalt  }
0x41: {  	_ =	shalt  }
0x42: {  	_ =	shalt  }
0x43: {  	_ =	shalt  }
0x44: {  	_ =	shalt  }
0x45: {  	_ =	shalt  }
0x46: {  	_ =	shalt  }
0x47: {  	_ =	shalt  }
0x48: {  	_ =	shalt  }
0x49: {  	_ =	shalt  }
0x4a: {  	_ =	shalt  }
0x4b: {  	_ =	shalt  }
0x4c: {  	_ =	shalt  }
0x4d: {  	_ =	shalt  }
0x4e: {  	_ =	shalt  }
0x4f: {  	_ =	shalt  }
0x50: {  	_ =	shalt  }
0x51: {  	_ =	shalt  }
0x52: {  	_ =	shalt  }
0x53: {  	_ =	shalt  }
0x54: {  	_ =	shalt  }
0x55: {  	_ =	shalt  }
0x56: {  	_ =	shalt  }
0x57: {  	_ =	shalt  }
0x58: {  	_ =	shalt  }
0x59: {  	_ =	shalt  }
0x5a: {  	_ =	shalt  }
0x5b: {  	_ =	shalt  }
0x5c: {  	_ =	shalt  }
0x5d: {  	_ =	shalt  }
0x5e: {  	_ =	shalt  }
0x5f: {  	_ =	shalt  }
0x60: {  	_ =	shalt  }
0x61: {  	_ =	shalt  }
0x62: {  	_ =	shalt  }
0x63: {  	_ =	shalt  }
0x64: {  	_ =	shalt  }
0x65: {  	_ =	shalt  }
0x66: {  	_ =	shalt  }
0x67: {  	_ =	shalt  }
0x68: {  	_ =	shalt  }
0x69: {  	_ =	shalt  }
0x6a: {  	_ =	shalt  }
0x6b: {  	_ =	shalt  }
0x6c: {  	_ =	shalt  }
0x6d: {  	_ =	shalt  }
0x6e: {  	_ =	shalt  }
0x6f: {  	_ =	shalt  }
0x70: {  	_ =	shalt  }
0x71: {  	_ =	shalt  }
0x72: {  	_ =	shalt  }
0x73: {  	_ =	shalt  }
0x74: {  	_ =	shalt  }
0x75: {  	_ =	shalt  }
0x76: {  	_ =	shalt  }
0x77: {  	_ =	shalt  }
0x78: {  	_ =	shalt  }
0x79: {  	_ =	shalt  }
0x7a: {  	_ =	shalt  }
0x7b: {  	_ =	shalt  }
0x7c: {  	_ =	shalt  }
0x7d: {  	_ =	shalt  }
0x7e: {  	_ =	shalt  }
0x7f: {  	_ =	shalt  }
0x80: {  	_ =	shalt  }
0x81: {  	_ =	shalt  }
0x82: {  	_ =	shalt  }
0x83: {  	_ =	shalt  }
0x84: {  	_ =	shalt  }
0x85: {  	_ =	shalt  }
0x86: {  	_ =	shalt  }
0x87: {  	_ =	shalt  }
.Lfunc_end0:
.L_simem_size_0:
called_computation_lowered:
.L_overlay_start_0:
0x88: {  	s2 =	sld [smem:$0x3FD9]  }
0x89: {  	s3 =	sld [smem:$0x3FFE];
	_ =	sdelay $0x1  }
0x8a: {  	s1 =	srdreg.scid  }
0x8b: {  	s0 =	sand.u32 $0x1, s1  }
0x8c: {  	s14 =	sshll.u32 s0, $0xA;
	s2 =	sadd.s32 s3, s2  }
0x8d: {  	s2 =	sadd.s32 s2, s14  }
0x8e: {  	[smem:$0x3FBE] =	sst s2  }
0x8f: {  	_ = 	snop  }
0x90: {  	s2 =	sld [smem:$0x3FD0];
	_ =	sdelay $0x2  }
0x91: {  	s15 =	simm.s32 $0xA;
	s4 =	simm.s32 $0x10  }
0x92: {  	[smem:s4], [sflag:s15] =	dma.local [hbm:s2], $0x1  }
0x93: {  	_ =	swait.eq [sflag:s15], $0x1  }
0x94: {  	[sflag:s15] =	ssyncset.done $0x0  }
0x95: {  	s16 =	sld [smem:$0x10];
	[sflag:s15] =	ssyncadd.s32 $0xFFFFFFFF  }
0x96: {  	s17 =	sld [smem:$0x11];
	(tm) =	ssettm $0x1  }
0x97: {  	s18 =	sld [smem:$0x3FFB];
	_ =	sdelay $0x3  }
0x98: {  	_ =	strace s18  }
0x99: {  	s4 =	sld [smem:$0x3FFC];
	_ =	sdelay $0x3  }
0x9a: {  	_ =	strace s4  }
0x9b: {  	s4 =	sld [smem:$0x3FFD];
	_ =	sdelay $0x3  }
0x9c: {  	_ =	strace s4  }
0x9d: {  	_ =	strace $0x8FFFFFFF  }
0x9e: {  	s19 =	sld [smem:$0x3FDB];
	_ =	sdelay $0x1  }
0x9f: {  	s5 =	simm.s32 $_scs_section_size  }
0xa0: {  	s6 =	simm.s32 $_size__tile_overlayer_lowered;
	s7 =	simm.s32 $_tile_overlayer_lowered  }
0xa1: {  	s22 =	simm.s32 $0x1BFF;
	s21 =	sshll.u32 s7, $0x1;
	s4 =	sadd.s32 s5, s19  }
0xa2: {  	s8 =	simm.s32 $0x0;
	s20 =	sshll.u32 s6, $0x1;
	s6 =	sadd.s32 s21, s4  }
0xa3: {  	[timem:s8], [sflag:s22] =	dma.local [hbm:s6], s20  }
0xa4: {  	_ =	swait.ge [sflag:s22], s20  }
0xa5: {  	s5 =	ssub.s32 $0x0, s20;
	[sflag:s22] =	ssyncset.done $0x0  }
0xa6: {  	[sflag:s22] =	ssyncadd.s32 s5;
	_ =	sdelay $0x1  }
0xa7: {  	s23 =	simm.s32 $0x1B8B  }
0xa8: {  	_ =	swait.ge [sflag:s23], $0x1  }
0xa9: {  	[sflag:s23] =	ssyncset.done $0x0  }
0xaa: {  	s25 =	simm.s32 $0x1B8E;
	s24 =	sld [smem:$0x3FFE];
	[sflag:s23] =	ssyncadd.s32 $0xFFFFFFFF  }
0xab: {  	s26 =	simm.s32 $execute0_lowered;
	[smem:$0x3FD2] =	sst s25  }
0xac: {  	s6 =	sshll.u32 s26, $0x1;
	_ =	strace $0x80000046;
	[dreg:$0x1] =	wrdreg $0xFFFFFFFF  }
0xad: {  	s28 =	simm.s32 $_size_execute0_lowered;
	s4 =	sadd.s32 s4, s6;
	[dreg:$0x0] =	wrdreg $0x0  }
0xae: {  	s6 =	sshll.u32 s28, $0x1;
	[dreg:$0x2] =	wrdreg s4  }
0xaf: {  	[dreg:$0x3] =	wrdreg s6  }
0xb0: {  	[dreg:$0x4] =	wrdreg $0xC0  }
0xb1: {  	_ =	task [dreg:s8], $0x5FFFF  }
0xb2: {  	[dreg:$0x1] =	wrdreg $0xFFFFFFFF  }
0xb3: {  	[dreg:$0x0] =	wrdreg $0x60  }
0xb4: {  	[dreg:$0x2] =	wrdreg s24  }
0xb5: {  	[dreg:$0x3] =	wrdreg s16  }
0xb6: {  	[dreg:$0x4] =	wrdreg s17  }
0xb7: {  	[dreg:$0x5] =	wrdreg $0x68000  }
0xb8: {  	[dreg:$0x6] =	wrdreg $0x9  }
0xb9: {  	_ =	task.clear_ibuf [dreg:s8], $0x7FFFF;
	_ =	strace $0x90000046  }
0xba: {  	s29 =	simm.s32 $0x9;
	_ =	strace $0x80000048  }
0xbb: {  	_ =	swait.ge [sflag:s29], $0x1  }
0xbc: {  	[sflag:s29] =	ssyncadd.s32 $0xFFFFFFFF  }
0xbd: {  	_ =	strace $0x90000048  }
0xbe: {  	_ =	sfence  }
0xbf: {  	s30 =	sld [smem:$0x0];
	_ =	sdelay $0x2  }
0xc0: {  	s31 =	sshll.u32 s1, $0xD;
	s1 =	sshrl.u32 s1, $0x2  }
0xc1: {  	s3 =	sand.u32 $0x4000, s31;
	s1 =	sadd.s32 s1, s30  }
0xc2: {  	s0 =	sor.u32 s3, s0;
	s1 =	sshll.u32 s1, $0x11  }
0xc3: {  	s0 =	sor.u32 s1, s0  }
0xc4: {  	s0 =	sadd.s32 $0x8F2B, s0  }
0xc5: {  	[sflag:s0] =	ssyncadd.remote.s32 $0x1  }
0xc6: {  	_ =	sfence.sel $0xFFFF  }
0xc7: {  	[dreg:$0x0] =	wrdreg $0xFFFFFFFF;
	(pc) =	sbr.abs _section_cstart, $3  }
0xc8: {  	[dreg:$0x1] =	wrdreg $0xFFFFFFFF  }
0xc9: {  	_ =	task.clear_ibuf [dreg:s8], $0x2FFFF;
	_ =	strace $0x9FFFFFFF  }
0xca: {  	(tm) =	ssettm $0x7FFFFFFF  }
0xcb: {  	_ =	shalt  }
tec
execute0_lowered:
.L_overlay_start_1:
0x0: {  	(tag) =	ssettag $0x1  }
0x1: {  	s4 =	rddreg [dreg:$0x0]  }
0x2: {  	s0 =	srdreg.scid;
	s8 =	rddreg [dreg:$0x1]  }
0x3: {  	s9 =	rddreg [dreg:$0x2];
	s7 =	sand.u32 $0x1, s0;
	s0 =	stileid.u32  }
0x4: {  	s2 =	rddreg [dreg:$0x3];
	s11 =	smul.u32 $0x4E000, s0  }
0x5: {  	s3 =	simm.s32 $0x0;
	s17 =	simm.s32 $0x0;
	s13 =	smul.u32 $0x2700, s0  }
0x6: {  	[smem:$0x7FF] =	sst s3;
	s1 =	sshll.u32 s7, $0x4;
	s30 =	smul.u32 $0x138800, s7  }
0x7: {  	s15 =	sadd.s32 $0x124800, s2;
	s14 =	smul.u32 $0x27100, s7;
	s5 =	sor.u32 s0, s1  }
0x8: {  	s10 =	ssub.s32 $0x2, s7;
	s1 =	rddreg [dreg:$0x4];
	s6 =	smul.u32 $0x500, s5  }
0x9: {  	_ =	strace $0x80000047;
	s12 =	sshrl.u32 s10, $0x1;
	s5 =	smul.u32 $0xFFFFFFB0, s5  }
0xa: {  	s12 =	ssub.s32 s10, s12;
	s11 =	sshrl.u32 s11, $0x2;
	s7 =	sadd.s32 s8, s13  }
0xb: {  	s10 =	sshrl.u32 s30, $0x3;
	s31 =	sadd.s32 s13, s14;
	s8 =	sadd.s32 $0x24900, s8  }
0xc: {  	s13 =	simm.s32 $0x2800;
	s16 =	sadd.s32 s11, s2;
	s10 =	sadd.s32 s9, s10  }
0xd: {  	s9 =	sadd.s32 s9, s31;
	s11 =	smax.u32 s12, $0x1;
	s12 =	simm.s32 $0x5  }
0xe: {  	s6 =	sadd.s32 s6, s4;
	s4 =	sadd.s32 $0x16C00, s4;
	p0 =	slt.s32 s5, $0xFFFFF68C  }
0xf: {  	s10 =	sadd.s32 $0x24900, s10;
	s5 =	simm.s32 @!p0 $0xFFFFF68C;
	p0 =	seq.s32 s0, $0xF  }
0x10: {  	s6 =	sadd.s32 $0x2C00, s6;
	s14 =	sshrl.u32 @p0 s15, $0x3;
	s15 =	sshll.u32 @!p0 s0, $0x6  }
0x11: {  	s5 =	sadd.s32 $0x9C4, s5;
	s16 =	sshrl.u32 @!p0 s16, $0x3;
	s15 =	sor.u32 @!p0 $0x1C05, s15  }
.LBB2_1:
0x12: {  	[tilespmem:s3], [sflag:$0x5] =	stream.linear.gather [hbm4b:s6+s3], $0x2800, $0x38;
	[tilespmem:$0x8F10] =	vst v63  }
0x13: {  	_ =	swait.ge [sflag:s12], $0x2800  }
0x14: {  	[sflag:s12] =	ssyncset.done $0x0  }
0x15: {  	[sflag:s12] =	ssyncadd.s32 $0xFFFFD800  }
0x16: {  	[tilespmem:s13], [sflag:$0x5] =	stream.linear.gather [hbm4b:s4+s3], $0x4000, $0x38;
	[tilespmem:$0x8F10] =	vst v63  }
0x17: {  	_ =	swait.ge [sflag:s12], $0x4000  }
0x18: {  	[sflag:s12] =	ssyncset.done $0x0  }
0x19: {  	s18 =	simm.s32 @p0 $0x1FC5;
	[sflag:s12] =	ssyncadd.s32 $0xFFFFC000  }
0x1a: {  	[spmem:s14], [sflag:s18] =	dma.local @p0 [hbm:s8], $0x2800  }
0x1b: {  	s18 =	simm.s32 @p0 $0x5  }
0x1c: {  	_ =	swait.ge @p0 [sflag:s18], $0x2800  }
0x1d: {  	[sflag:s18] =	ssyncset.done @p0 $0x0  }
0x1e: {  	[sflag:s18] =	ssyncadd.s32 @p0 $0xFFFFD800;
	s18 =	simm.s32 @!p0 $0x5  }
0x1f: {  	[spmem:s16], [sflag:s15] =	dma.local @!p0 [hbm:s7], $0x2700  }
0x20: {  	p4 =	sle.u32 s5, $0x0;
	_ =	swait.ge @!p0 [sflag:s18], $0x2700  }
0x21: {  	p3 =	sle.u32 s5, $0x1;
	p2 =	sle.u32 s5, $0x2;
	[sflag:s18] =	ssyncset.done @!p0 $0x0  }
0x22: {  	p1 =	sle.u32 s5, $0x3;
	s19 =	simm.s32 @!p4 $0x2800;
	[sflag:s18] =	ssyncadd.s32 @!p0 $0xFFFFD900  }
0x23: {  	s20 =	simm.s32 @!p3 $0x80;
	s18 =	simm.s32 @!p4 $0x80;
	[bflag:$0x0] =	sbarrier.arrive $0xFFFF  }
0x24: {  	[spmem:s2] =	stream.indirect.scatter.add.f32 @!p4 [tilespmem:s19], [sflag:$0x1], $0x10, s3, s18, $0xb8;
	[tilespmem:$0x8F10] =	vst v63  }
0x25: {  	s21 =	simm.s32 @!p2 $0x2800;
	s18 =	simm.s32 @!p3 $0x80;
	s19 =	simm.s32 @!p3 $0x2800  }
0x26: {  	[spmem:s2] =	stream.indirect.scatter.add.f32 @!p3 [tilespmem:s19], [sflag:$0x2], $0x10, s20, s18, $0xb8;
	[tilespmem:$0x8F10] =	vst v63  }
0x27: {  	s18 =	simm.s32 @!p2 $0x100;
	s19 =	simm.s32 @!p2 $0x80;
	s20 =	simm.s32 @!p1 $0x2800  }
0x28: {  	[spmem:s2] =	stream.indirect.scatter.add.f32 @!p2 [tilespmem:s21], [sflag:$0x3], $0x10, s18, s19, $0xb8;
	[tilespmem:$0x8F10] =	vst v63  }
0x29: {  	s18 =	simm.s32 @!p1 $0x180;
	s19 =	simm.s32 @!p1 $0x80;
	s21 =	simm.s32 @!p4 $0x1  }
0x2a: {  	[spmem:s2] =	stream.indirect.scatter.add.f32 @!p1 [tilespmem:s20], [sflag:$0x4], $0x10, s18, s19, $0xb8;
	[tilespmem:$0x8F10] =	vst v63  }
0x2b: {  	_ =	swait.ge @!p4 [sflag:s21], $0x800  }
0x2c: {  	[sflag:s21] =	ssyncset.done @!p4 $0x0  }
0x2d: {  	s18 =	simm.s32 @!p3 $0x2;
	[sflag:s21] =	ssyncadd.s32 @!p4 $0xFFFFF800  }
0x2e: {  	_ =	swait.ge @!p3 [sflag:s18], $0x800  }
0x2f: {  	s23 =	simm.s32 $0x5;
	[sflag:s18] =	ssyncset.done @!p3 $0x0  }
0x30: {  	s22 =	simm.s32 @!p2 $0x3;
	s20 =	simm.s32 $0x7;
	[sflag:s18] =	ssyncadd.s32 @!p3 $0xFFFFF800  }
0x31: {  	s19 =	simm.s32 $0xB;
	s21 =	simm.s32 @!p1 $0x4;
	_ =	swait.ge @!p2 [sflag:s22], $0x800  }
0x32: {  	s18 =	simm.s32 $0x200;
	p3 =	sle.u32 s5, $0x4;
	[sflag:s22] =	ssyncset.done @!p2 $0x0  }
.LBB2_2:
0x33: {  	s24 =	simm.s32 @!p3 $0x80  }
0x34: {  	s25 =	simm.s32 @!p3 $0x2800;
	[sflag:s22] =	ssyncadd.s32 @!p2 $0xFFFFF800;
	s22 =	smov.u32 s19  }
0x35: {  	p4 =	sge.u32 s23, s5;
	s23 =	sadd.s32 $0xFFFFFFFF, s20;
	_ =	swait.ge @!p1 [sflag:s21], $0x800  }
0x36: {  	s26 =	sadd.s32 @!p4 $0x80, s18;
	p2 =	sge.u32 s23, s5;
	[sflag:s21] =	ssyncset.done @!p1 $0x0  }
0x37: {  	s19 =	sadd.s32 $0x4, s19;
	s23 =	simm.s32 @!p2 $0x2800;
	[sflag:s21] =	ssyncadd.s32 @!p1 $0xFFFFF800  }
0x38: {  	[spmem:s2] =	stream.indirect.scatter.add.f32 @!p3 [tilespmem:s25], [sflag:$0x1], $0x10, s18, s24, $0xb8;
	[tilespmem:$0x8F10] =	vst v63  }
0x39: {  	s21 =	simm.s32 @!p4 $0x80;
	p1 =	sge.u32 s20, s5;
	s24 =	simm.s32 @!p4 $0x2800  }
0x3a: {  	[spmem:s2] =	stream.indirect.scatter.add.f32 @!p4 [tilespmem:s24], [sflag:$0x2], $0x10, s26, s21, $0xb8;
	[tilespmem:$0x8F10] =	vst v63  }
0x3b: {  	s20 =	sadd.s32 @!p2 $0x100, s18;
	s21 =	simm.s32 @!p2 $0x80;
	s24 =	simm.s32 @!p1 $0x2800  }
0x3c: {  	[spmem:s2] =	stream.indirect.scatter.add.f32 @!p2 [tilespmem:s23], [sflag:$0x3], $0x10, s20, s21, $0xb8;
	[tilespmem:$0x8F10] =	vst v63  }
0x3d: {  	s20 =	sadd.s32 @!p1 $0x180, s18;
	s21 =	simm.s32 @!p1 $0x80;
	s23 =	simm.s32 @!p3 $0x1  }
0x3e: {  	[spmem:s2] =	stream.indirect.scatter.add.f32 @!p1 [tilespmem:s24], [sflag:$0x4], $0x10, s20, s21, $0xb8;
	[tilespmem:$0x8F10] =	vst v63  }
0x3f: {  	p5 =	sne.s32 s19, $0x53;
	s21 =	simm.s32 @!p1 $0x4;
	_ =	swait.ge @!p3 [sflag:s23], $0x800  }
0x40: {  	s20 =	smov.u32 s22;
	[sflag:s23] =	ssyncset.done @!p3 $0x0  }
0x41: {  	s22 =	simm.s32 @!p4 $0x2;
	[sflag:s23] =	ssyncadd.s32 @!p3 $0xFFFFF800  }
.Ltmp0:
0x42: {  	_ =	swait.ge @!p4 [sflag:s22], $0x800;
	(pc) =	sbr.rel @p5 .LBB2_2-.Ltmp0, $4  }
0x43: {  	[sflag:s22] =	ssyncset.done @!p4 $0x0  }
0x44: {  	[sflag:s22] =	ssyncadd.s32 @!p4 $0xFFFFF800;
	s22 =	simm.s32 @!p2 $0x3  }
0x45: {  	s18 =	sadd.s32 $0x200, s18;
	s23 =	sadd.s32 $0xFFFFFFFD, s20;
	_ =	swait.ge @!p2 [sflag:s22], $0x800  }
0x46: {  	p3 =	sge.u32 s23, s5;
	s23 =	sadd.s32 $0xFFFFFFFE, s20;
	[sflag:s22] =	ssyncset.done @!p2 $0x0  }
0x47: {  	s19 =	simm.s32 @!p3 $0x80;
	[sflag:s22] =	ssyncadd.s32 @!p2 $0xFFFFF800  }
0x48: {  	s22 =	simm.s32 @!p3 $0x2800;
	s24 =	sadd.s32 $0xFFFFFFFF, s20;
	_ =	swait.ge @!p1 [sflag:s21], $0x800  }
0x49: {  	p4 =	sge.u32 s23, s5;
	p2 =	sge.u32 s24, s5;
	[sflag:s21] =	ssyncset.done @!p1 $0x0  }
0x4a: {  	s23 =	sadd.s32 @!p4 $0x80, s18;
	s24 =	simm.s32 @!p2 $0x2800;
	[sflag:s21] =	ssyncadd.s32 @!p1 $0xFFFFF800  }
0x4b: {  	[spmem:s2] =	stream.indirect.scatter.add.f32 @!p3 [tilespmem:s22], [sflag:$0x1], $0x10, s18, s19, $0xb8;
	[tilespmem:$0x8F10] =	vst v63  }
0x4c: {  	s21 =	simm.s32 @!p4 $0x2800;
	p1 =	sge.u32 s20, s5;
	s19 =	simm.s32 @!p4 $0x80  }
0x4d: {  	[spmem:s2] =	stream.indirect.scatter.add.f32 @!p4 [tilespmem:s21], [sflag:$0x2], $0x10, s23, s19, $0xb8;
	[tilespmem:$0x8F10] =	vst v63  }
0x4e: {  	s20 =	simm.s32 @!p2 $0x80;
	s19 =	sadd.s32 @!p2 $0x100, s18;
	s21 =	simm.s32 @!p1 $0x2800  }
0x4f: {  	[spmem:s2] =	stream.indirect.scatter.add.f32 @!p2 [tilespmem:s24], [sflag:$0x3], $0x10, s19, s20, $0xb8;
	[tilespmem:$0x8F10] =	vst v63  }
0x50: {  	s18 =	sadd.s32 @!p1 $0x180, s18;
	s19 =	simm.s32 @!p1 $0x80;
	s20 =	simm.s32 @!p3 $0x1  }
0x51: {  	[spmem:s2] =	stream.indirect.scatter.add.f32 @!p1 [tilespmem:s21], [sflag:$0x4], $0x10, s18, s19, $0xb8;
	[tilespmem:$0x8F10] =	vst v63  }
0x52: {  	_ =	swait.ge @!p3 [sflag:s20], $0x800  }
0x53: {  	[sflag:s20] =	ssyncset.done @!p3 $0x0  }
0x54: {  	s18 =	simm.s32 @!p4 $0x2;
	[sflag:s20] =	ssyncadd.s32 @!p3 $0xFFFFF800  }
0x55: {  	_ =	swait.ge @!p4 [sflag:s18], $0x800  }
0x56: {  	[sflag:s18] =	ssyncset.done @!p4 $0x0  }
0x57: {  	[sflag:s18] =	ssyncadd.s32 @!p4 $0xFFFFF800;
	s18 =	simm.s32 @!p2 $0x3  }
0x58: {  	_ =	swait.ge @!p2 [sflag:s18], $0x800  }
0x59: {  	[sflag:s18] =	ssyncset.done @!p2 $0x0  }
0x5a: {  	s19 =	simm.s32 @!p1 $0x4;
	[sflag:s18] =	ssyncadd.s32 @!p2 $0xFFFFF800  }
0x5b: {  	_ =	swait.ge @!p1 [sflag:s19], $0x800  }
0x5c: {  	[sflag:s19] =	ssyncset.done @!p1 $0x0  }
0x5d: {  	[sflag:s19] =	ssyncadd.s32 @!p1 $0xFFFFF800  }
0x5e: {  	s18 =	simm.s32 @p0 $0x1FC5;
	[bflag:$0x0] =	sbarrier.arrive $0xFFFF  }
0x5f: {  	[hbm:s10], [sflag:s18] =	dma.local @p0 [spmem:s14], $0x2800  }
0x60: {  	s18 =	simm.s32 @p0 $0x5  }
0x61: {  	s17 =	sadd.s32 $0x1, s17;
	_ =	swait.ge @p0 [sflag:s18], $0x2800  }
0x62: {  	p1 =	sne.s32 s17, s11;
	[sflag:s18] =	ssyncset.done @p0 $0x0  }
.Ltmp1:
0x63: {  	[sflag:s18] =	ssyncadd.s32 @p0 $0xFFFFD800;
	s18 =	simm.s32 @!p0 $0x5;
	(pc) =	sbr.rel @p1 .LBB2_1-.Ltmp1, $4  }
0x64: {  	[hbm:s9], [sflag:s15] =	dma.local @!p0 [spmem:s16], $0x2700  }
0x65: {  	_ =	swait.ge @!p0 [sflag:s18], $0x2700  }
0x66: {  	[sflag:s18] =	ssyncset.done @!p0 $0x0  }
0x67: {  	[sflag:s18] =	ssyncadd.s32 @!p0 $0xFFFFD900  }
0x68: {  	_ =	sfence.sel $0x180000  }
0x69: {  	[bflag:$0x0] =	sbarrier.arrive $0xFFFF  }
0x6a: {  	p0 =	sne.s32 s0, $0x0;
	_ =	strace $0x90000047  }
0x6b: {  	s0 =	sadd.s32 @!p0 $0x100000, s1;
	[bflag:$0x2] =	sbarrier.arrive $0xFFFF  }
0x6c: {  	[sflag:s0] =	ssyncadd.tile.s32 @!p0 $0x1;
	_ =	shalt  }
.Lfunc_end2:
_tile_overlayer_lowered:
.L_overlay_start_2:
0x6d: {  	(tag) =	ssettag $0x2  }
0x6e: {  	s0 =	rddreg [dreg:$0x0];
	s2 =	stileid.u32  }
0x6f: {  	s1 =	rddreg [dreg:$0x1];
	p0 =	sne.s32 s2, $0x0  }
0x70: {  	s3 =	rddreg [dreg:$0x2];
	[bflag:$0x3] =	sbarrier.arrive $0xFFFF;
	s2 =	simm.s32 @!p0 $0x1C05  }
0x71: {  	[timem:s3], [sflag:s2] =	dma.local @!p0 [hbm:s0], s1  }
0x72: {  	s0 =	simm.s32 @!p0 $0x5  }
0x73: {  	_ =	swait.ge @!p0 [sflag:s0], s1  }
0x74: {  	s1 =	ssub.s32 @!p0 $0x0, s1;
	[sflag:s0] =	ssyncset.done @!p0 $0x0  }
0x75: {  	[sflag:s0] =	ssyncadd.s32 @!p0 s1  }
0x76: {  	[bflag:$0x3] =	sbarrier.arrive $0xFFFF  }
0x77: {  	_ =	shalt  }

// kernel: kernel.14.cloned.1.call-start
scs
__scs_entry_jumppad:
0x0: {  	(pc) =	sbr.rel $0x88, $3  }
0x1: {  	(tag) =	ssettag $0x0;
	lr =	simm.s32 $0x1  }
0x2: {  	[smem:$0x3F97] =	sst lr;
	_ =	strace $0xD0000000  }
0x3: {  	_ = 	snop  }
0x4: {  	_ = 	snop  }
0x5: {  	_ = 	snop  }
0x6: {  	_ = 	snop  }
0x7: {  	_ = 	snop  }
__scs_overlays_trampoline_lowered:
0x8: {  	[smem:$0x3FA6] =	sst s0  }
0x9: {  	[smem:$0x3FA7] =	sst s1  }
0xa: {  	[smem:$0x3FA8] =	sst s2  }
0xb: {  	[smem:$0x3FA9] =	sst s3  }
0xc: {  	[smem:$0x3FAA] =	sst s4  }
0xd: {  	[smem:$0x3FAB] =	sst s5  }
0xe: {  	[smem:$0x3FAC] =	sst s6  }
0xf: {  	[smem:$0x3FAD] =	sst s7  }
0x10: {  	[smem:$0x3FAE] =	sst s8  }
0x11: {  	[smem:$0x3FAF] =	sst s9;
	s0 =	simm.s32 @!p0 $0x0  }
0x12: {  	s1 =	sld [smem:$0x3F95];
	s0 =	simm.s32 @p0 $0x1  }
0x13: {  	[smem:$0x3FB0] =	sst s0;
	s0 =	simm.s32 @!p1 $0x0  }
0x14: {  	s2 =	sld [smem:$0x3F94];
	s0 =	simm.s32 @p1 $0x1  }
0x15: {  	[smem:$0x3FB1] =	sst s0;
	s0 =	simm.s32 @!p2 $0x0  }
0x16: {  	s3 =	sld [smem:$0x3FDB];
	s0 =	simm.s32 @p2 $0x1  }
0x17: {  	s4 =	simm.s32 $0x1BF5;
	[smem:$0x3FB3] =	sst s0  }
0x18: {  	s0 =	sld [smem:$0x3F96];
	_ =	swait.ge [sflag:s4], $0x0  }
0x19: {  	s7 =	sld [smem:$0x3F97]  }
0x1a: {  	s8 =	sadd.s32 $0xFFFFE003, lr  }
0x1b: {  	s9 =	sadd.s32 $0xFFFFFEF7, lr;
	s5 =	simm.s32 $0xFFFFFFFF;
	p2 =	slt.u32 s8, $0xFFFFF086  }
0x1c: {  	p1 =	slt.u32 s9, $0xF7A;
	s5 =	simm.s32 @!p2 $0x0  }
0x1d: {  	s5 =	simm.s32 @p1 $0x1;
	p0 =	seq.s32 s7, s2  }
0x1e: {  	s7 =	smul.u32 @!p0 $0xF7A, s2;
	p2 =	seq.s32 @!p0 s5, $0x0  }
0x1f: {  	s9 =	smul.u32 $0xF7A, s1;
	s8 =	simm.s32 @!p0 $0x1BF5;
	p2 =	por !p2, p0  }
0x20: {  	[sflag:s8] =	ssyncset.s32 @!p0 $0xFFFFF086;
	s6 =	sadd.s32 @!p0 s3, s7;
	s7 =	simm.s32 @!p0 $0x108  }
0x21: {  	s3 =	sadd.s32 s3, s9;
	s6 =	sadd.s32 @!p0 $0x88, s6;
	s7 =	simm.s32 @p2 $0x1082  }
0x22: {  	[simem:s7], [sflag:s8] =	dma.local @!p0 [hbm:s6], $0xF7A  }
0x23: {  	s9 =	sor.u32 $0xD0000000, s2;
	s6 =	simm.s32 $0x108;
	_ =	swait.ge @!p0 [sflag:s8], $0x0  }
0x24: {  	s3 =	sadd.s32 $0x88, s3;
	s6 =	simm.s32 @!p1 $0x1082;
	[sflag:s4] =	ssyncset.s32 $0xFFFFF086  }
0x25: {  	[simem:s6], [sflag:s4] =	dma.local [hbm:s3], $0xF7A  }
0x26: {  	[smem:$0x3F97] =	sst s1;
	(tag) =	ssettag s2;
	_ =	strace s9  }
0x27: {  	s1 =	sld [smem:$0x3FA7]  }
0x28: {  	s2 =	sld [smem:$0x3FA8]  }
0x29: {  	s4 =	sld [smem:$0x3FAA]  }
0x2a: {  	p0 =	seq.s32 s5, $0x0;
	s5 =	sld [smem:$0x3FAB]  }
0x2b: {  	s6 =	sld [smem:$0x3FAC]  }
0x2c: {  	s7 =	sld [smem:$0x3FAD]  }
0x2d: {  	s3 =	simm.s32 $0x108;
	s8 =	sld [smem:$0x3FAE]  }
0x2e: {  	s3 =	simm.s32 @!p0 $0x1082;
	s9 =	sld [smem:$0x3FAF]  }
0x2f: {  	lr =	sadd.s32 s0, s3;
	s0 =	sld [smem:$0x3FA6]  }
0x30: {  	s3 =	sld [smem:$0x3FA9]  }
0x31: {  	[smem:$0x3FB2] =	sst s10  }
0x32: {  	s10 =	sld [smem:$0x3FB0];
	_ =	sdelay $0x3  }
0x33: {  	p0 =	seq.s32 s10, $0x1;
	s10 =	sld [smem:$0x3FB2];
	_ =	sdelay $0x3  }
0x34: {  	[smem:$0x3FB2] =	sst s10  }
0x35: {  	s10 =	sld [smem:$0x3FB1];
	_ =	sdelay $0x3  }
0x36: {  	p1 =	seq.s32 s10, $0x1;
	s10 =	sld [smem:$0x3FB2];
	_ =	sdelay $0x3  }
0x37: {  	[smem:$0x3FB2] =	sst s10  }
0x38: {  	s10 =	sld [smem:$0x3FB3]  }
0x39: {  	_ = 	snop;
	(pc) =	sbr.ind lr, $3  }
0x3a: {  	_ = 	snop  }
0x3b: {  	_ = 	snop  }
0x3c: {  	p2 =	seq.s32 s10, $0x1;
	s10 =	sld [smem:$0x3FB2]  }
0x3d: {  	_ =	shalt  }
0x3e: {  	_ =	shalt  }
0x3f: {  	_ =	shalt  }
0x40: {  	_ =	shalt  }
0x41: {  	_ =	shalt  }
0x42: {  	_ =	shalt  }
0x43: {  	_ =	shalt  }
0x44: {  	_ =	shalt  }
0x45: {  	_ =	shalt  }
0x46: {  	_ =	shalt  }
0x47: {  	_ =	shalt  }
0x48: {  	_ =	shalt  }
0x49: {  	_ =	shalt  }
0x4a: {  	_ =	shalt  }
0x4b: {  	_ =	shalt  }
0x4c: {  	_ =	shalt  }
0x4d: {  	_ =	shalt  }
0x4e: {  	_ =	shalt  }
0x4f: {  	_ =	shalt  }
0x50: {  	_ =	shalt  }
0x51: {  	_ =	shalt  }
0x52: {  	_ =	shalt  }
0x53: {  	_ =	shalt  }
0x54: {  	_ =	shalt  }
0x55: {  	_ =	shalt  }
0x56: {  	_ =	shalt  }
0x57: {  	_ =	shalt  }
0x58: {  	_ =	shalt  }
0x59: {  	_ =	shalt  }
0x5a: {  	_ =	shalt  }
0x5b: {  	_ =	shalt  }
0x5c: {  	_ =	shalt  }
0x5d: {  	_ =	shalt  }
0x5e: {  	_ =	shalt  }
0x5f: {  	_ =	shalt  }
0x60: {  	_ =	shalt  }
0x61: {  	_ =	shalt  }
0x62: {  	_ =	shalt  }
0x63: {  	_ =	shalt  }
0x64: {  	_ =	shalt  }
0x65: {  	_ =	shalt  }
0x66: {  	_ =	shalt  }
0x67: {  	_ =	shalt  }
0x68: {  	_ =	shalt  }
0x69: {  	_ =	shalt  }
0x6a: {  	_ =	shalt  }
0x6b: {  	_ =	shalt  }
0x6c: {  	_ =	shalt  }
0x6d: {  	_ =	shalt  }
0x6e: {  	_ =	shalt  }
0x6f: {  	_ =	shalt  }
0x70: {  	_ =	shalt  }
0x71: {  	_ =	shalt  }
0x72: {  	_ =	shalt  }
0x73: {  	_ =	shalt  }
0x74: {  	_ =	shalt  }
0x75: {  	_ =	shalt  }
0x76: {  	_ =	shalt  }
0x77: {  	_ =	shalt  }
0x78: {  	_ =	shalt  }
0x79: {  	_ =	shalt  }
0x7a: {  	_ =	shalt  }
0x7b: {  	_ =	shalt  }
0x7c: {  	_ =	shalt  }
0x7d: {  	_ =	shalt  }
0x7e: {  	_ =	shalt  }
0x7f: {  	_ =	shalt  }
0x80: {  	_ =	shalt  }
0x81: {  	_ =	shalt  }
0x82: {  	_ =	shalt  }
0x83: {  	_ =	shalt  }
0x84: {  	_ =	shalt  }
0x85: {  	_ =	shalt  }
0x86: {  	_ =	shalt  }
0x87: {  	_ =	shalt  }
.Lfunc_end0:
.L_simem_size_0:
called_computation.1_lowered:
.L_overlay_start_0:
0x88: {  	s2 =	sld [smem:$0x3FD9]  }
0x89: {  	s3 =	sld [smem:$0x3FFE];
	_ =	sdelay $0x1  }
0x8a: {  	s1 =	srdreg.scid  }
0x8b: {  	s0 =	sand.u32 $0x1, s1  }
0x8c: {  	s14 =	sshll.u32 s0, $0xA;
	s2 =	sadd.s32 s3, s2  }
0x8d: {  	s2 =	sadd.s32 s2, s14  }
0x8e: {  	[smem:$0x3FBE] =	sst s2  }
0x8f: {  	_ = 	snop  }
0x90: {  	s2 =	sld [smem:$0x3FD0];
	_ =	sdelay $0x2  }
0x91: {  	s15 =	simm.s32 $0xA;
	s4 =	simm.s32 $0x10  }
0x92: {  	[smem:s4], [sflag:s15] =	dma.local [hbm:s2], $0x1  }
0x93: {  	_ =	swait.eq [sflag:s15], $0x1  }
0x94: {  	[sflag:s15] =	ssyncset.done $0x0  }
0x95: {  	[sflag:s15] =	ssyncadd.s32 $0xFFFFFFFF  }
0x96: {  	s16 =	sld [smem:$0x10];
	(tm) =	ssettm $0x1  }
0x97: {  	s17 =	sld [smem:$0x3FFB];
	_ =	sdelay $0x3  }
0x98: {  	_ =	strace s17  }
0x99: {  	s3 =	sld [smem:$0x3FFC];
	_ =	sdelay $0x3  }
0x9a: {  	_ =	strace s3  }
0x9b: {  	s3 =	sld [smem:$0x3FFD];
	_ =	sdelay $0x3  }
0x9c: {  	_ =	strace s3  }
0x9d: {  	_ =	strace $0x8FFFFFFF  }
0x9e: {  	s18 =	sld [smem:$0x3FDB];
	_ =	sdelay $0x1  }
0x9f: {  	s19 =	simm.s32 $_scs_section_size  }
0xa0: {  	s5 =	simm.s32 $_size__tile_overlayer_lowered;
	s6 =	simm.s32 $_tile_overlayer_lowered  }
0xa1: {  	s22 =	simm.s32 $0x1BFF;
	s21 =	sshll.u32 s6, $0x1;
	s3 =	sadd.s32 s19, s18  }
0xa2: {  	s7 =	simm.s32 $0x0;
	s20 =	sshll.u32 s5, $0x1;
	s5 =	sadd.s32 s21, s3  }
0xa3: {  	[timem:s7], [sflag:s22] =	dma.local [hbm:s5], s20  }
0xa4: {  	_ =	swait.ge [sflag:s22], s20  }
0xa5: {  	s4 =	ssub.s32 $0x0, s20;
	[sflag:s22] =	ssyncset.done $0x0  }
0xa6: {  	[sflag:s22] =	ssyncadd.s32 s4;
	_ =	sdelay $0x1  }
0xa7: {  	s23 =	simm.s32 $0x1B8B  }
0xa8: {  	_ =	swait.ge [sflag:s23], $0x1  }
0xa9: {  	[sflag:s23] =	ssyncset.done $0x0  }
0xaa: {  	s25 =	simm.s32 $0x1B8E;
	s24 =	sld [smem:$0x3FFE];
	[sflag:s23] =	ssyncadd.s32 $0xFFFFFFFF  }
0xab: {  	s26 =	simm.s32 $execute0_lowered;
	[smem:$0x3FD2] =	sst s25  }
0xac: {  	s5 =	sshll.u32 s26, $0x1;
	_ =	strace $0x80000049;
	[dreg:$0x1] =	wrdreg $0xFFFFFFFF  }
0xad: {  	s28 =	simm.s32 $_size_execute0_lowered;
	s3 =	sadd.s32 s3, s5;
	[dreg:$0x0] =	wrdreg $0x0  }
0xae: {  	s5 =	sshll.u32 s28, $0x1;
	[dreg:$0x2] =	wrdreg s3  }
0xaf: {  	[dreg:$0x3] =	wrdreg s5  }
0xb0: {  	[dreg:$0x4] =	wrdreg $0xC0  }
0xb1: {  	_ =	task [dreg:s7], $0x5FFFF  }
0xb2: {  	[dreg:$0x1] =	wrdreg $0xFFFFFFFF  }
0xb3: {  	[dreg:$0x0] =	wrdreg $0x60  }
0xb4: {  	[dreg:$0x2] =	wrdreg s24  }
0xb5: {  	[dreg:$0x3] =	wrdreg s16  }
0xb6: {  	[dreg:$0x4] =	wrdreg $0xA8000  }
0xb7: {  	[dreg:$0x5] =	wrdreg $0x9  }
0xb8: {  	_ =	task.clear_ibuf [dreg:s7], $0x6FFFF;
	_ =	strace $0x90000049  }
0xb9: {  	s29 =	simm.s32 $0x9;
	_ =	strace $0x8000004B  }
0xba: {  	_ =	swait.ge [sflag:s29], $0x1  }
0xbb: {  	[sflag:s29] =	ssyncadd.s32 $0xFFFFFFFF  }
0xbc: {  	_ =	strace $0x9000004B  }
0xbd: {  	_ =	sfence  }
0xbe: {  	s30 =	sld [smem:$0x0];
	_ =	sdelay $0x2  }
0xbf: {  	s31 =	sshll.u32 s1, $0xD;
	s1 =	sshrl.u32 s1, $0x2  }
0xc0: {  	s3 =	sand.u32 $0x4000, s31;
	s1 =	sadd.s32 s1, s30  }
0xc1: {  	s0 =	sor.u32 s3, s0;
	s1 =	sshll.u32 s1, $0x11  }
0xc2: {  	s0 =	sor.u32 s1, s0  }
0xc3: {  	s0 =	sadd.s32 $0x8F2B, s0  }
0xc4: {  	[sflag:s0] =	ssyncadd.remote.s32 $0x1  }
0xc5: {  	_ =	sfence.sel $0xFFFF  }
0xc6: {  	[dreg:$0x0] =	wrdreg $0xFFFFFFFF;
	(pc) =	sbr.abs _section_cstart, $3  }
0xc7: {  	[dreg:$0x1] =	wrdreg $0xFFFFFFFF  }
0xc8: {  	_ =	task.clear_ibuf [dreg:s7], $0x2FFFF;
	_ =	strace $0x9FFFFFFF  }
0xc9: {  	(tm) =	ssettm $0x7FFFFFFF  }
tec
execute0_lowered:
.L_overlay_start_1:
0x0: {  	(tag) =	ssettag $0x1  }
0x1: {  	s0 =	rddreg [dreg:$0x0]  }
0x2: {  	s14 =	rddreg [dreg:$0x1]  }
0x3: {  	s1 =	rddreg [dreg:$0x2]  }
0x4: {  	s2 =	srdreg.scid;
	s3 =	simm.s32 $0x0;
	s23 =	stileid.u32  }
0x5: {  	s22 =	simm.s32 $0x1400;
	s11 =	sand.u32 $0x1, s2;
	[smem:$0x7FF] =	sst s3  }
0x6: {  	s15 =	smul.u32 $0x2700, s23;
	s12 =	sadd.s32 $0xCC00, s0;
	s13 =	sadd.s32 $0x2C00, s0  }
0x7: {  	s6 =	smul.u32 $0x4E000, s23;
	s17 =	sadd.s32 $0x124800, s1;
	s4 =	sshll.u32 s11, $0x4  }
0x8: {  	_ =	strace $0x8000004A;
	s5 =	ssub.s32 $0x2, s11;
	s29 =	smul.u32 $0x138800, s11  }
0x9: {  	s21 =	smul.u32 $0x27100, s11;
	s7 =	sor.u32 s23, s4;
	s4 =	sadd.s32 $0x16C00, s0  }
0xa: {  	s8 =	sadd.s32 s15, s0;
	s9 =	sshrl.u32 s5, $0x1;
	s20 =	smul.u32 $0xFFFFFFB0, s7  }
0xb: {  	s24 =	sshrl.u32 s6, $0x2;
	s16 =	ssub.s32 s5, s9;
	s10 =	smul.u32 $0x500, s7  }
0xc: {  	s5 =	sadd.s32 s24, s1;
	s25 =	sadd.s32 $0x3DE00, s8;
	s18 =	smul.u32 $0x2800, s7  }
0xd: {  	s7 =	sadd.s32 $0x62700, s0;
	s30 =	sadd.s32 s15, s21;
	[dreg:$0x4] =	wrdreg s5  }
0xe: {  	[dreg:$0x5] =	wrdreg s25;
	s16 =	smax.u32 s16, $0x1;
	p0 =	slt.s32 s20, $0xFFFFF68C  }
0xf: {  	s9 =	sadd.s32 s12, s10;
	s10 =	sadd.s32 s13, s10;
	s28 =	sshrl.u32 s18, $0x3  }
0x10: {  	s18 =	sshrl.u32 s29, $0x3;
	s20 =	simm.s32 @!p0 $0xFFFFF68C;
	s0 =	sadd.s32 $0x280, s28  }
0x11: {  	s31 =	sadd.s32 s14, s18;
	s14 =	sadd.s32 s14, s30;
	p0 =	seq.s32 s23, $0xF  }
0x12: {  	s18 =	simm.s32 $0x3;
	s23 =	simm.s32 $0x0;
	s26 =	smin.u32 s20, $0xFFFFF664  }
0x13: {  	s19 =	smax.u32 s20, $0xFFFFF664;
	s12 =	sadd.s32 s12, s0;
	s13 =	sadd.s32 s13, s0  }
0x14: {  	s15 =	sadd.s32 $0x24900, s31;
	s17 =	sshrl.u32 @p0 s17, $0x3;
	p1 =	slt.u32 s20, $0xFFFFF665  }
0x15: {  	s8 =	sadd.s32 $0x9C4, s26;
	s11 =	sadd.s32 $0x99C, s19;
	s19 =	simm.s32 $0x80  }
.LBB2_1:
0x16: {  	s0 =	simm.s32 @p0 $0x1FC3  }
0x17: {  	[spmem:s17], [sflag:s0] =	dma.local @p0 [hbm:s7], $0x2800  }
0x18: {  	s0 =	simm.s32 @p0 $0x3  }
0x19: {  	_ =	swait.ge @p0 [sflag:s0], $0x2800  }
0x1a: {  	s2 =	stileid.u32;
	[sflag:s0] =	ssyncset.done @p0 $0x0  }
0x1b: {  	s20 =	sshll.u32 @!p0 s2, $0x6;
	[sflag:s0] =	ssyncadd.s32 @p0 $0xFFFFD800;
	s0 =	rddreg [dreg:$0x4]  }
0x1c: {  	s24 =	sor.u32 @!p0 $0x1C03, s20;
	s25 =	sshrl.u32 @!p0 s0, $0x3;
	s0 =	rddreg [dreg:$0x5]  }
0x1d: {  	[spmem:s25], [sflag:s24] =	dma.local @!p0 [hbm:s0], $0x2700  }
0x1e: {  	s0 =	simm.s32 @!p0 $0x3  }
0x1f: {  	_ =	swait.ge @!p0 [sflag:s0], $0x2700  }
0x20: {  	[sflag:s0] =	ssyncset.done @!p0 $0x0  }
0x21: {  	[sflag:s0] =	ssyncadd.s32 @!p0 $0xFFFFD900  }
0x22: {  	[bflag:$0x0] =	sbarrier.arrive $0xFFFF  }
0x23: {  	[tilespmem:s3], [sflag:$0x3] =	stream.linear.gather [hbm4b:s9+s3], $0x1400, $0x38;
	[tilespmem:$0x1E080] =	vst v63  }
0x24: {  	_ =	swait.ge [sflag:s18], $0x1400  }
0x25: {  	[sflag:s18] =	ssyncset.done $0x0  }
0x26: {  	[sflag:s18] =	ssyncadd.s32 $0xFFFFEC00  }
0x27: {  	[tilespmem:s22], [sflag:$0x3] =	stream.linear.gather [hbm4b:s10+s3], $0x1400, $0x38;
	[tilespmem:$0x1E080] =	vst v63  }
0x28: {  	_ =	swait.ge [sflag:s18], $0x1400  }
0x29: {  	[sflag:s18] =	ssyncset.done $0x0  }
0x2a: {  	s21 =	simm.s32 $0x2800;
	p2 =	sle.u32 s8, $0x0;
	[sflag:s18] =	ssyncadd.s32 $0xFFFFEC00  }
0x2b: {  	[tilespmem:s21], [sflag:$0x1] =	stream.indirect.gather [hbm4b:s4+s19], $0x80, s3, s19, $0xb8;
	[tilespmem:$0x1E080] =	vst v63  }
0x2c: {  	s26 =	simm.s32 $0x6800;
	s0 =	simm.s32 @!p2 $0x1;
	p2 =	por p2, p2  }
0x2d: {  	[tilespmem:s26], [sflag:$0x2] =	stream.indirect.gather [hbm4b:s4+s19], $0x80, s19, s19, $0xb8;
	[tilespmem:$0x1E080] =	vst v63  }
0x2e: {  	_ =	swait.ge @!p2 [sflag:s0], $0x4000  }
0x2f: {  	s20 =	simm.s32 @!p2 $0x80;
	[sflag:s0] =	ssyncset.done @!p2 $0x0  }
0x30: {  	s21 =	simm.s32 @!p2 $0x2800;
	s26 =	simm.s32 @!p2 $0x3;
	[sflag:s0] =	ssyncadd.s32 @!p2 $0xFFFFC000  }
0x31: {  	[spmem:s1] =	stream.indirect.scatter.add.f32 @!p2 [tilespmem:s21], [sflag:$0x3], $0x80, s22, s20, $0xb8;
	[tilespmem:$0x1E080] =	vst v63  }
0x32: {  	p4 =	sle.u32 s8, $0x2;
	p3 =	sle.u32 s8, $0x1;
	_ =	swait.ge @!p2 [sflag:s26], $0x4000  }
0x33: {  	s28 =	simm.s32 @!p3 $0x2;
	s0 =	simm.s32 $0x100;
	[sflag:s26] =	ssyncset.done @!p2 $0x0  }
0x34: {  	s20 =	simm.s32 @!p4 $0x80;
	s21 =	simm.s32 @!p4 $0x2800;
	[sflag:s26] =	ssyncadd.s32 @!p2 $0xFFFFC000  }
0x35: {  	[tilespmem:s21], [sflag:$0x1] =	stream.indirect.gather @!p4 [hbm4b:s4+s20], $0x80, s0, s20, $0xb8;
	[tilespmem:$0x1E080] =	vst v63  }
0x36: {  	s31 =	simm.s32 $0x4;
	s30 =	simm.s32 $0x4;
	_ =	swait.ge @!p3 [sflag:s28], $0x4000  }
0x37: {  	s29 =	simm.s32 @!p3 $0x80;
	s26 =	simm.s32 $0x2;
	[sflag:s28] =	ssyncset.done @!p3 $0x0  }
0x38: {  	s21 =	simm.s32 @!p3 $0x6800;
	[sflag:s28] =	ssyncadd.s32 @!p3 $0xFFFFC000;
	s28 =	simm.s32 @!p3 $0x1480  }
0x39: {  	[spmem:s1] =	stream.indirect.scatter.add.f32 @!p3 [tilespmem:s21], [sflag:$0x3], $0x80, s28, s29, $0xb8;
	[tilespmem:$0x1E080] =	vst v63  }
0x3a: {  	p2 =	sle.u32 s8, $0x2;
	s20 =	simm.s32 @!p3 $0x3;
	s28 =	simm.s32 $0x200  }
0x3b: {  	s21 =	simm.s32 $0x3;
	s29 =	simm.s32 $0x1500;
	_ =	swait.ge @!p3 [sflag:s20], $0x4000  }
.LBB2_2:
0x3c: {  	s2 =	simm.s32 @!p2 $0x1;
	[sflag:s20] =	ssyncset.done @!p3 $0x0;
	p4 =	sge.u32 s21, s8  }
0x3d: {  	s21 =	smov.u32 s26;
	s26 =	smov.u32 s31;
	p5 =	por p2, p2  }
0x3e: {  	s31 =	sadd.s32 $0x2, s31;
	p2 =	sge.u32 s26, s8;
	s5 =	simm.s32 @!p4 $0x6800  }
0x3f: {  	s0 =	sadd.s32 @!p4 $0x80, s0;
	[sflag:s20] =	ssyncadd.s32 @!p3 $0xFFFFC000;
	s20 =	simm.s32 @!p4 $0x80  }
0x40: {  	[tilespmem:s5], [sflag:$0x2] =	stream.indirect.gather @!p4 [hbm4b:s4+s20], $0x80, s0, s20, $0xb8;
	[tilespmem:$0x1E080] =	vst v63  }
0x41: {  	s0 =	simm.s32 @!p5 $0x80;
	s5 =	simm.s32 @!p5 $0x2800;
	_ =	swait.ge @!p5 [sflag:s2], $0x4000  }
0x42: {  	p4 =	sne.s32 s31, $0x28;
	s20 =	sadd.s32 $0x1, s21;
	[sflag:s2] =	ssyncset.done @!p5 $0x0  }
0x43: {  	p6 =	sge.u32 s30, s8;
	[sflag:s2] =	ssyncadd.s32 @!p5 $0xFFFFC000;
	s2 =	simm.s32 @!p5 $0x3  }
0x44: {  	[spmem:s1] =	stream.indirect.scatter.add.f32 @!p5 [tilespmem:s5], [sflag:$0x3], $0x80, s29, s0, $0xb8;
	[tilespmem:$0x1E080] =	vst v63  }
0x45: {  	s6 =	simm.s32 @!p6 $0x2800;
	s5 =	simm.s32 @!p6 $0x80;
	_ =	swait.ge @!p5 [sflag:s2], $0x4000  }
0x46: {  	s30 =	smov.u32 s31;
	p3 =	sge.u32 s20, s8;
	[sflag:s2] =	ssyncset.done @!p5 $0x0  }
0x47: {  	s0 =	smov.u32 s28;
	[sflag:s2] =	ssyncadd.s32 @!p5 $0xFFFFC000;
	s2 =	simm.s32 @!p3 $0x2  }
0x48: {  	[tilespmem:s6], [sflag:$0x1] =	stream.indirect.gather @!p6 [hbm4b:s4+s5], $0x80, s28, s5, $0xb8;
	[tilespmem:$0x1E080] =	vst v63  }
.Ltmp0:
0x49: {  	s28 =	sadd.s32 $0x100, s28;
	_ =	swait.ge @!p3 [sflag:s2], $0x4000;
	(pc) =	sbr.rel @p4 .LBB2_2-.Ltmp0, $4  }
0x4a: {  	s20 =	simm.s32 @!p3 $0x3;
	s5 =	simm.s32 @!p3 $0x6800;
	[sflag:s2] =	ssyncset.done @!p3 $0x0  }
0x4b: {  	s6 =	simm.s32 @!p3 $0x80;
	[sflag:s2] =	ssyncadd.s32 @!p3 $0xFFFFC000;
	s2 =	sadd.s32 @!p3 $0x80, s29  }
0x4c: {  	[spmem:s1] =	stream.indirect.scatter.add.f32 @!p3 [tilespmem:s5], [sflag:$0x3], $0x80, s2, s6, $0xb8;
	[tilespmem:$0x1E080] =	vst v63  }
0x4d: {  	s21 =	sadd.s32 $0x3, s21;
	s29 =	sadd.s32 $0x100, s29;
	_ =	swait.ge @!p3 [sflag:s20], $0x4000  }
0x4e: {  	s2 =	simm.s32 @!p2 $0x1;
	p4 =	sge.u32 s21, s8  }
0x4f: {  	[sflag:s20] =	ssyncset.done @!p3 $0x0;
	p2 =	por p2, p2;
	s5 =	simm.s32 @!p4 $0x6800  }
0x50: {  	[sflag:s20] =	ssyncadd.s32 @!p3 $0xFFFFC000;
	s0 =	sadd.s32 @!p4 $0x80, s0;
	s6 =	simm.s32 @!p4 $0x80  }
0x51: {  	[tilespmem:s5], [sflag:$0x2] =	stream.indirect.gather @!p4 [hbm4b:s4+s6], $0x80, s0, s6, $0xb8;
	[tilespmem:$0x1E080] =	vst v63  }
0x52: {  	_ =	swait.ge @!p2 [sflag:s2], $0x4000  }
0x53: {  	s0 =	simm.s32 @!p2 $0x80;
	[sflag:s2] =	ssyncset.done @!p2 $0x0  }
0x54: {  	s5 =	simm.s32 @!p2 $0x2800;
	[sflag:s2] =	ssyncadd.s32 @!p2 $0xFFFFC000;
	s2 =	simm.s32 @!p2 $0x3  }
0x55: {  	[spmem:s1] =	stream.indirect.scatter.add.f32 @!p2 [tilespmem:s5], [sflag:$0x3], $0x80, s29, s0, $0xb8;
	[tilespmem:$0x1E080] =	vst v63  }
0x56: {  	s21 =	sadd.s32 $0x1, s26;
	p4 =	sge.u32 s30, s8;
	_ =	swait.ge @!p2 [sflag:s2], $0x4000  }
0x57: {  	p3 =	sge.u32 s21, s8;
	s5 =	simm.s32 @!p4 $0x80;
	[sflag:s2] =	ssyncset.done @!p2 $0x0  }
0x58: {  	s0 =	simm.s32 @!p4 $0x2800;
	[sflag:s2] =	ssyncadd.s32 @!p2 $0xFFFFC000;
	s2 =	simm.s32 @!p3 $0x2  }
0x59: {  	[tilespmem:s0], [sflag:$0x1] =	stream.indirect.gather @!p4 [hbm4b:s4+s5], $0x80, s28, s5, $0xb8;
	[tilespmem:$0x1E080] =	vst v63  }
0x5a: {  	_ =	swait.ge @!p3 [sflag:s2], $0x4000  }
0x5b: {  	s0 =	simm.s32 @!p3 $0x6800;
	[sflag:s2] =	ssyncset.done @!p3 $0x0  }
0x5c: {  	s5 =	simm.s32 @!p3 $0x80;
	[sflag:s2] =	ssyncadd.s32 @!p3 $0xFFFFC000;
	s2 =	sadd.s32 @!p3 $0x80, s29  }
0x5d: {  	[spmem:s1] =	stream.indirect.scatter.add.f32 @!p3 [tilespmem:s0], [sflag:$0x3], $0x80, s2, s5, $0xb8;
	[tilespmem:$0x1E080] =	vst v63  }
0x5e: {  	s26 =	sadd.s32 $0x3, s26;
	s0 =	simm.s32 @!p3 $0x3  }
0x5f: {  	p2 =	sge.u32 s26, s8;
	_ =	swait.ge @!p3 [sflag:s0], $0x4000  }
0x60: {  	s2 =	simm.s32 @!p2 $0x6800;
	[sflag:s0] =	ssyncset.done @!p3 $0x0  }
0x61: {  	s5 =	simm.s32 @!p2 $0x80;
	[sflag:s0] =	ssyncadd.s32 @!p3 $0xFFFFC000;
	s0 =	sadd.s32 @!p2 $0x80, s28  }
0x62: {  	[tilespmem:s2], [sflag:$0x2] =	stream.indirect.gather @!p2 [hbm4b:s4+s5], $0x80, s0, s5, $0xb8;
	[tilespmem:$0x1E080] =	vst v63  }
0x63: {  	_ = 	snop  }
0x64: {  	[tilespmem:s3], [sflag:$0x3] =	stream.linear.gather [hbm4b:s12+s3], $0x1400, $0x38;
	[tilespmem:$0x1E080] =	vst v63  }
0x65: {  	_ =	swait.ge [sflag:s18], $0x1400  }
0x66: {  	[sflag:s18] =	ssyncset.done $0x0  }
0x67: {  	[sflag:s18] =	ssyncadd.s32 $0xFFFFEC00  }
0x68: {  	[tilespmem:s22], [sflag:$0x3] =	stream.linear.gather [hbm4b:s13+s3], $0x1400, $0x38;
	[tilespmem:$0x1E080] =	vst v63  }
0x69: {  	_ =	swait.ge [sflag:s18], $0x1400  }
0x6a: {  	s0 =	simm.s32 @!p1 $0x80;
	[sflag:s18] =	ssyncset.done $0x0  }
0x6b: {  	s2 =	simm.s32 @!p1 $0x0;
	s5 =	simm.s32 @!p1 $0x2800;
	[sflag:s18] =	ssyncadd.s32 $0xFFFFEC00  }
0x6c: {  	[tilespmem:s5], [sflag:$0x1] =	stream.indirect.gather @!p1 [hbm4b:s4+s0], $0x80, s2, s0, $0xb8;
	[tilespmem:$0x1E080] =	vst v63  }
0x6d: {  	p2 =	sle.u32 s11, $0x0;
	s2 =	simm.s32 @!p1 $0x6800  }
0x6e: {  	[tilespmem:s2], [sflag:$0x2] =	stream.indirect.gather @!p1 [hbm4b:s4+s0], $0x80, s0, s0, $0xb8;
	[tilespmem:$0x1E080] =	vst v63  }
0x6f: {  	s31 =	simm.s32 $0x4;
	s0 =	simm.s32 @!p2 $0x1;
	p2 =	por p2, p2  }
0x70: {  	s21 =	simm.s32 $0x3;
	s30 =	simm.s32 $0x4;
	_ =	swait.ge @!p2 [sflag:s0], $0x4000  }
0x71: {  	s2 =	simm.s32 $0x1400;
	s5 =	simm.s32 @!p2 $0x80;
	[sflag:s0] =	ssyncset.done @!p2 $0x0  }
0x72: {  	s6 =	simm.s32 @!p2 $0x2800;
	s20 =	simm.s32 @!p2 $0x3;
	[sflag:s0] =	ssyncadd.s32 @!p2 $0xFFFFC000  }
0x73: {  	[spmem:s1] =	stream.indirect.scatter.add.f32 @!p2 [tilespmem:s6], [sflag:$0x3], $0x80, s2, s5, $0xb8;
	[tilespmem:$0x1E080] =	vst v63  }
0x74: {  	p4 =	sle.u32 s11, $0x2;
	p3 =	sle.u32 s11, $0x1;
	_ =	swait.ge @!p2 [sflag:s20], $0x4000  }
0x75: {  	s0 =	simm.s32 $0x100;
	s2 =	simm.s32 @!p4 $0x80;
	[sflag:s20] =	ssyncset.done @!p2 $0x0  }
0x76: {  	s5 =	simm.s32 @!p4 $0x2800;
	s6 =	simm.s32 @!p3 $0x2;
	[sflag:s20] =	ssyncadd.s32 @!p2 $0xFFFFC000  }
0x77: {  	[tilespmem:s5], [sflag:$0x1] =	stream.indirect.gather @!p4 [hbm4b:s4+s2], $0x80, s0, s2, $0xb8;
	[tilespmem:$0x1E080] =	vst v63  }
0x78: {  	s26 =	simm.s32 $0x2;
	s29 =	simm.s32 $0x1500;
	_ =	swait.ge @!p3 [sflag:s6], $0x4000  }
0x79: {  	s20 =	simm.s32 @!p3 $0x3;
	s2 =	simm.s32 @!p3 $0x6800;
	[sflag:s6] =	ssyncset.done @!p3 $0x0  }
0x7a: {  	s5 =	simm.s32 @!p3 $0x1480;
	[sflag:s6] =	ssyncadd.s32 @!p3 $0xFFFFC000;
	s6 =	simm.s32 @!p3 $0x80  }
0x7b: {  	[spmem:s1] =	stream.indirect.scatter.add.f32 @!p3 [tilespmem:s2], [sflag:$0x3], $0x80, s5, s6, $0xb8;
	[tilespmem:$0x1E080] =	vst v63  }
0x7c: {  	s28 =	simm.s32 $0x200;
	p2 =	sle.u32 s11, $0x2;
	_ =	swait.ge @!p3 [sflag:s20], $0x4000  }
.LBB2_4:
0x7d: {  	s2 =	simm.s32 @!p2 $0x1;
	[sflag:s20] =	ssyncset.done @!p3 $0x0;
	p4 =	sge.u32 s21, s11  }
0x7e: {  	s5 =	smov.u32 s26;
	s26 =	smov.u32 s31;
	p5 =	por p2, p2  }
0x7f: {  	s31 =	sadd.s32 $0x2, s31;
	p2 =	sge.u32 s26, s11;
	s6 =	simm.s32 @!p4 $0x6800  }
0x80: {  	s0 =	sadd.s32 @!p4 $0x80, s0;
	[sflag:s20] =	ssyncadd.s32 @!p3 $0xFFFFC000;
	s20 =	simm.s32 @!p4 $0x80  }
0x81: {  	[tilespmem:s6], [sflag:$0x2] =	stream.indirect.gather @!p4 [hbm4b:s4+s20], $0x80, s0, s20, $0xb8;
	[tilespmem:$0x1E080] =	vst v63  }
0x82: {  	s0 =	simm.s32 @!p5 $0x80;
	s6 =	simm.s32 @!p5 $0x2800;
	_ =	swait.ge @!p5 [sflag:s2], $0x4000  }
0x83: {  	p4 =	sne.s32 s31, $0x28;
	s20 =	sadd.s32 $0x1, s5;
	[sflag:s2] =	ssyncset.done @!p5 $0x0  }
0x84: {  	p6 =	sge.u32 s30, s11;
	[sflag:s2] =	ssyncadd.s32 @!p5 $0xFFFFC000;
	s2 =	simm.s32 @!p5 $0x3  }
0x85: {  	[spmem:s1] =	stream.indirect.scatter.add.f32 @!p5 [tilespmem:s6], [sflag:$0x3], $0x80, s29, s0, $0xb8;
	[tilespmem:$0x1E080] =	vst v63  }
0x86: {  	s21 =	simm.s32 @!p6 $0x2800;
	s6 =	simm.s32 @!p6 $0x80;
	_ =	swait.ge @!p5 [sflag:s2], $0x4000  }
0x87: {  	s30 =	smov.u32 s31;
	p3 =	sge.u32 s20, s11;
	[sflag:s2] =	ssyncset.done @!p5 $0x0  }
0x88: {  	s0 =	smov.u32 s28;
	[sflag:s2] =	ssyncadd.s32 @!p5 $0xFFFFC000;
	s2 =	simm.s32 @!p3 $0x2  }
0x89: {  	[tilespmem:s21], [sflag:$0x1] =	stream.indirect.gather @!p6 [hbm4b:s4+s6], $0x80, s28, s6, $0xb8;
	[tilespmem:$0x1E080] =	vst v63  }
.Ltmp1:
0x8a: {  	s28 =	sadd.s32 $0x100, s28;
	_ =	swait.ge @!p3 [sflag:s2], $0x4000;
	(pc) =	sbr.rel @p4 .LBB2_4-.Ltmp1, $4  }
0x8b: {  	s20 =	simm.s32 @!p3 $0x3;
	s6 =	simm.s32 @!p3 $0x6800;
	[sflag:s2] =	ssyncset.done @!p3 $0x0  }
0x8c: {  	s21 =	simm.s32 @!p3 $0x80;
	[sflag:s2] =	ssyncadd.s32 @!p3 $0xFFFFC000;
	s2 =	sadd.s32 @!p3 $0x80, s29  }
0x8d: {  	[spmem:s1] =	stream.indirect.scatter.add.f32 @!p3 [tilespmem:s6], [sflag:$0x3], $0x80, s2, s21, $0xb8;
	[tilespmem:$0x1E080] =	vst v63  }
0x8e: {  	s29 =	sadd.s32 $0x100, s29;
	s21 =	sadd.s32 $0x3, s5;
	_ =	swait.ge @!p3 [sflag:s20], $0x4000  }
0x8f: {  	s2 =	simm.s32 @!p2 $0x1;
	p4 =	sge.u32 s21, s11  }
0x90: {  	[sflag:s20] =	ssyncset.done @!p3 $0x0;
	p2 =	por p2, p2;
	s5 =	simm.s32 @!p4 $0x6800  }
0x91: {  	[sflag:s20] =	ssyncadd.s32 @!p3 $0xFFFFC000;
	s0 =	sadd.s32 @!p4 $0x80, s0;
	s6 =	simm.s32 @!p4 $0x80  }
0x92: {  	[tilespmem:s5], [sflag:$0x2] =	stream.indirect.gather @!p4 [hbm4b:s4+s6], $0x80, s0, s6, $0xb8;
	[tilespmem:$0x1E080] =	vst v63  }
0x93: {  	_ =	swait.ge @!p2 [sflag:s2], $0x4000  }
0x94: {  	s0 =	simm.s32 @!p2 $0x80;
	[sflag:s2] =	ssyncset.done @!p2 $0x0  }
0x95: {  	s5 =	simm.s32 @!p2 $0x2800;
	[sflag:s2] =	ssyncadd.s32 @!p2 $0xFFFFC000;
	s2 =	simm.s32 @!p2 $0x3  }
0x96: {  	[spmem:s1] =	stream.indirect.scatter.add.f32 @!p2 [tilespmem:s5], [sflag:$0x3], $0x80, s29, s0, $0xb8;
	[tilespmem:$0x1E080] =	vst v63  }
0x97: {  	s21 =	sadd.s32 $0x1, s26;
	p4 =	sge.u32 s30, s11;
	_ =	swait.ge @!p2 [sflag:s2], $0x4000  }
0x98: {  	p3 =	sge.u32 s21, s11;
	s5 =	simm.s32 @!p4 $0x80;
	[sflag:s2] =	ssyncset.done @!p2 $0x0  }
0x99: {  	s0 =	simm.s32 @!p4 $0x2800;
	[sflag:s2] =	ssyncadd.s32 @!p2 $0xFFFFC000;
	s2 =	simm.s32 @!p3 $0x2  }
0x9a: {  	[tilespmem:s0], [sflag:$0x1] =	stream.indirect.gather @!p4 [hbm4b:s4+s5], $0x80, s28, s5, $0xb8;
	[tilespmem:$0x1E080] =	vst v63  }
0x9b: {  	_ =	swait.ge @!p3 [sflag:s2], $0x4000  }
0x9c: {  	s0 =	simm.s32 @!p3 $0x6800;
	[sflag:s2] =	ssyncset.done @!p3 $0x0  }
0x9d: {  	s5 =	simm.s32 @!p3 $0x80;
	[sflag:s2] =	ssyncadd.s32 @!p3 $0xFFFFC000;
	s2 =	sadd.s32 @!p3 $0x80, s29  }
0x9e: {  	[spmem:s1] =	stream.indirect.scatter.add.f32 @!p3 [tilespmem:s0], [sflag:$0x3], $0x80, s2, s5, $0xb8;
	[tilespmem:$0x1E080] =	vst v63  }
0x9f: {  	s31 =	sadd.s32 $0x3, s26;
	s0 =	simm.s32 @!p3 $0x3  }
0xa0: {  	p2 =	sge.u32 s31, s11;
	_ =	swait.ge @!p3 [sflag:s0], $0x4000  }
0xa1: {  	s2 =	simm.s32 @!p2 $0x6800;
	[sflag:s0] =	ssyncset.done @!p3 $0x0  }
0xa2: {  	s5 =	simm.s32 @!p2 $0x80;
	[sflag:s0] =	ssyncadd.s32 @!p3 $0xFFFFC000;
	s0 =	sadd.s32 @!p2 $0x80, s28  }
0xa3: {  	[tilespmem:s2], [sflag:$0x2] =	stream.indirect.gather @!p2 [hbm4b:s4+s5], $0x80, s0, s5, $0xb8;
	[tilespmem:$0x1E080] =	vst v63  }
0xa4: {  	s0 =	simm.s32 @p0 $0x1FC3;
	[bflag:$0x0] =	sbarrier.arrive $0xFFFF  }
0xa5: {  	[hbm:s15], [sflag:s0] =	dma.local @p0 [spmem:s17], $0x2800  }
0xa6: {  	s0 =	simm.s32 @p0 $0x3  }
0xa7: {  	s23 =	sadd.s32 $0x1, s23;
	_ =	swait.ge @p0 [sflag:s0], $0x2800  }
0xa8: {  	p2 =	sne.s32 s23, s16;
	[sflag:s0] =	ssyncset.done @p0 $0x0  }
.Ltmp2:
0xa9: {  	[sflag:s0] =	ssyncadd.s32 @p0 $0xFFFFD800;
	s0 =	simm.s32 @!p0 $0x3;
	(pc) =	sbr.rel @p2 .LBB2_1-.Ltmp2, $4  }
0xaa: {  	[hbm:s14], [sflag:s24] =	dma.local @!p0 [spmem:s25], $0x2700  }
0xab: {  	_ =	swait.ge @!p0 [sflag:s0], $0x2700  }
0xac: {  	[sflag:s0] =	ssyncset.done @!p0 $0x0  }
0xad: {  	[sflag:s0] =	ssyncadd.s32 @!p0 $0xFFFFD900  }
0xae: {  	_ =	sfence.sel $0x180000  }
0xaf: {  	[bflag:$0x0] =	sbarrier.arrive $0xFFFF  }
0xb0: {  	_ =	strace $0x9000004A  }
0xb1: {  	s0 =	stileid.u32;
	[bflag:$0x2] =	sbarrier.arrive $0xFFFF  }
0xb2: {  	p0 =	sne.s32 s0, $0x0;
	s0 =	rddreg [dreg:$0x3]  }
0xb3: {  	s0 =	sadd.s32 @!p0 $0x100000, s0  }
0xb4: {  	[sflag:s0] =	ssyncadd.tile.s32 @!p0 $0x1;
	_ =	shalt  }
.Lfunc_end2:
_tile_overlayer_lowered:
.L_overlay_start_2:
0xb5: {  	(tag) =	ssettag $0x2  }
0xb6: {  	s0 =	rddreg [dreg:$0x0];
	s2 =	stileid.u32  }
0xb7: {  	s1 =	rddreg [dreg:$0x1];
	p0 =	sne.s32 s2, $0x0  }
0xb8: {  	s3 =	rddreg [dreg:$0x2];
	[bflag:$0x3] =	sbarrier.arrive $0xFFFF;
	s2 =	simm.s32 @!p0 $0x1C03  }
0xb9: {  	[timem:s3], [sflag:s2] =	dma.local @!p0 [hbm:s0], s1  }
0xba: {  	s0 =	simm.s32 @!p0 $0x3  }
0xbb: {  	_ =	swait.ge @!p0 [sflag:s0], s1  }
0xbc: {  	s1 =	ssub.s32 @!p0 $0x0, s1;
	[sflag:s0] =	ssyncset.done @!p0 $0x0  }
0xbd: {  	[sflag:s0] =	ssyncadd.s32 @!p0 s1  }
0xbe: {  	[bflag:$0x3] =	sbarrier.arrive $0xFFFF  }
0xbf: {  	_ =	shalt  }

// kernel: kernel.17.cloned.1.call-start
scs
__scs_entry_jumppad:
0x0: {  	(pc) =	sbr.rel $0x88, $3  }
0x1: {  	(tag) =	ssettag $0x0;
	lr =	simm.s32 $0x1  }
0x2: {  	[smem:$0x3F97] =	sst lr;
	_ =	strace $0xD0000000  }
0x3: {  	_ = 	snop  }
0x4: {  	_ = 	snop  }
0x5: {  	_ = 	snop  }
0x6: {  	_ = 	snop  }
0x7: {  	_ = 	snop  }
__scs_overlays_trampoline_lowered:
0x8: {  	[smem:$0x3FA6] =	sst s0  }
0x9: {  	[smem:$0x3FA7] =	sst s1  }
0xa: {  	[smem:$0x3FA8] =	sst s2  }
0xb: {  	[smem:$0x3FA9] =	sst s3  }
0xc: {  	[smem:$0x3FAA] =	sst s4  }
0xd: {  	[smem:$0x3FAB] =	sst s5  }
0xe: {  	[smem:$0x3FAC] =	sst s6  }
0xf: {  	[smem:$0x3FAD] =	sst s7  }
0x10: {  	[smem:$0x3FAE] =	sst s8  }
0x11: {  	[smem:$0x3FAF] =	sst s9;
	s0 =	simm.s32 @!p0 $0x0  }
0x12: {  	s1 =	sld [smem:$0x3F95];
	s0 =	simm.s32 @p0 $0x1  }
0x13: {  	[smem:$0x3FB0] =	sst s0;
	s0 =	simm.s32 @!p1 $0x0  }
0x14: {  	s2 =	sld [smem:$0x3F94];
	s0 =	simm.s32 @p1 $0x1  }
0x15: {  	[smem:$0x3FB1] =	sst s0;
	s0 =	simm.s32 @!p2 $0x0  }
0x16: {  	s3 =	sld [smem:$0x3FDB];
	s0 =	simm.s32 @p2 $0x1  }
0x17: {  	s4 =	simm.s32 $0x1BF5;
	[smem:$0x3FB3] =	sst s0  }
0x18: {  	s0 =	sld [smem:$0x3F96];
	_ =	swait.ge [sflag:s4], $0x0  }
0x19: {  	s7 =	sld [smem:$0x3F97]  }
0x1a: {  	s8 =	sadd.s32 $0xFFFFE003, lr  }
0x1b: {  	s9 =	sadd.s32 $0xFFFFFEF7, lr;
	s5 =	simm.s32 $0xFFFFFFFF;
	p2 =	slt.u32 s8, $0xFFFFF086  }
0x1c: {  	p1 =	slt.u32 s9, $0xF7A;
	s5 =	simm.s32 @!p2 $0x0  }
0x1d: {  	s5 =	simm.s32 @p1 $0x1;
	p0 =	seq.s32 s7, s2  }
0x1e: {  	s7 =	smul.u32 @!p0 $0xF7A, s2;
	p2 =	seq.s32 @!p0 s5, $0x0  }
0x1f: {  	s9 =	smul.u32 $0xF7A, s1;
	s8 =	simm.s32 @!p0 $0x1BF5;
	p2 =	por !p2, p0  }
0x20: {  	[sflag:s8] =	ssyncset.s32 @!p0 $0xFFFFF086;
	s6 =	sadd.s32 @!p0 s3, s7;
	s7 =	simm.s32 @!p0 $0x108  }
0x21: {  	s3 =	sadd.s32 s3, s9;
	s6 =	sadd.s32 @!p0 $0x88, s6;
	s7 =	simm.s32 @p2 $0x1082  }
0x22: {  	[simem:s7], [sflag:s8] =	dma.local @!p0 [hbm:s6], $0xF7A  }
0x23: {  	s9 =	sor.u32 $0xD0000000, s2;
	s6 =	simm.s32 $0x108;
	_ =	swait.ge @!p0 [sflag:s8], $0x0  }
0x24: {  	s3 =	sadd.s32 $0x88, s3;
	s6 =	simm.s32 @!p1 $0x1082;
	[sflag:s4] =	ssyncset.s32 $0xFFFFF086  }
0x25: {  	[simem:s6], [sflag:s4] =	dma.local [hbm:s3], $0xF7A  }
0x26: {  	[smem:$0x3F97] =	sst s1;
	(tag) =	ssettag s2;
	_ =	strace s9  }
0x27: {  	s1 =	sld [smem:$0x3FA7]  }
0x28: {  	s2 =	sld [smem:$0x3FA8]  }
0x29: {  	s4 =	sld [smem:$0x3FAA]  }
0x2a: {  	p0 =	seq.s32 s5, $0x0;
	s5 =	sld [smem:$0x3FAB]  }
0x2b: {  	s6 =	sld [smem:$0x3FAC]  }
0x2c: {  	s7 =	sld [smem:$0x3FAD]  }
0x2d: {  	s3 =	simm.s32 $0x108;
	s8 =	sld [smem:$0x3FAE]  }
0x2e: {  	s3 =	simm.s32 @!p0 $0x1082;
	s9 =	sld [smem:$0x3FAF]  }
0x2f: {  	lr =	sadd.s32 s0, s3;
	s0 =	sld [smem:$0x3FA6]  }
0x30: {  	s3 =	sld [smem:$0x3FA9]  }
0x31: {  	[smem:$0x3FB2] =	sst s10  }
0x32: {  	s10 =	sld [smem:$0x3FB0];
	_ =	sdelay $0x3  }
0x33: {  	p0 =	seq.s32 s10, $0x1;
	s10 =	sld [smem:$0x3FB2];
	_ =	sdelay $0x3  }
0x34: {  	[smem:$0x3FB2] =	sst s10  }
0x35: {  	s10 =	sld [smem:$0x3FB1];
	_ =	sdelay $0x3  }
0x36: {  	p1 =	seq.s32 s10, $0x1;
	s10 =	sld [smem:$0x3FB2];
	_ =	sdelay $0x3  }
0x37: {  	[smem:$0x3FB2] =	sst s10  }
0x38: {  	s10 =	sld [smem:$0x3FB3]  }
0x39: {  	_ = 	snop;
	(pc) =	sbr.ind lr, $3  }
0x3a: {  	_ = 	snop  }
0x3b: {  	_ = 	snop  }
0x3c: {  	p2 =	seq.s32 s10, $0x1;
	s10 =	sld [smem:$0x3FB2]  }
0x3d: {  	_ =	shalt  }
0x3e: {  	_ =	shalt  }
0x3f: {  	_ =	shalt  }
0x40: {  	_ =	shalt  }
0x41: {  	_ =	shalt  }
0x42: {  	_ =	shalt  }
0x43: {  	_ =	shalt  }
0x44: {  	_ =	shalt  }
0x45: {  	_ =	shalt  }
0x46: {  	_ =	shalt  }
0x47: {  	_ =	shalt  }
0x48: {  	_ =	shalt  }
0x49: {  	_ =	shalt  }
0x4a: {  	_ =	shalt  }
0x4b: {  	_ =	shalt  }
0x4c: {  	_ =	shalt  }
0x4d: {  	_ =	shalt  }
0x4e: {  	_ =	shalt  }
0x4f: {  	_ =	shalt  }
0x50: {  	_ =	shalt  }
0x51: {  	_ =	shalt  }
0x52: {  	_ =	shalt  }
0x53: {  	_ =	shalt  }
0x54: {  	_ =	shalt  }
0x55: {  	_ =	shalt  }
0x56: {  	_ =	shalt  }
0x57: {  	_ =	shalt  }
0x58: {  	_ =	shalt  }
0x59: {  	_ =	shalt  }
0x5a: {  	_ =	shalt  }
0x5b: {  	_ =	shalt  }
0x5c: {  	_ =	shalt  }
0x5d: {  	_ =	shalt  }
0x5e: {  	_ =	shalt  }
0x5f: {  	_ =	shalt  }
0x60: {  	_ =	shalt  }
0x61: {  	_ =	shalt  }
0x62: {  	_ =	shalt  }
0x63: {  	_ =	shalt  }
0x64: {  	_ =	shalt  }
0x65: {  	_ =	shalt  }
0x66: {  	_ =	shalt  }
0x67: {  	_ =	shalt  }
0x68: {  	_ =	shalt  }
0x69: {  	_ =	shalt  }
0x6a: {  	_ =	shalt  }
0x6b: {  	_ =	shalt  }
0x6c: {  	_ =	shalt  }
0x6d: {  	_ =	shalt  }
0x6e: {  	_ =	shalt  }
0x6f: {  	_ =	shalt  }
0x70: {  	_ =	shalt  }
0x71: {  	_ =	shalt  }
0x72: {  	_ =	shalt  }
0x73: {  	_ =	shalt  }
0x74: {  	_ =	shalt  }
0x75: {  	_ =	shalt  }
0x76: {  	_ =	shalt  }
0x77: {  	_ =	shalt  }
0x78: {  	_ =	shalt  }
0x79: {  	_ =	shalt  }
0x7a: {  	_ =	shalt  }
0x7b: {  	_ =	shalt  }
0x7c: {  	_ =	shalt  }
0x7d: {  	_ =	shalt  }
0x7e: {  	_ =	shalt  }
0x7f: {  	_ =	shalt  }
0x80: {  	_ =	shalt  }
0x81: {  	_ =	shalt  }
0x82: {  	_ =	shalt  }
0x83: {  	_ =	shalt  }
0x84: {  	_ =	shalt  }
0x85: {  	_ =	shalt  }
0x86: {  	_ =	shalt  }
0x87: {  	_ =	shalt  }
.Lfunc_end0:
.L_simem_size_0:
called_computation.2_lowered:
.L_overlay_start_0:
0x88: {  	s2 =	sld [smem:$0x3FD9]  }
0x89: {  	s3 =	sld [smem:$0x3FFE];
	_ =	sdelay $0x1  }
0x8a: {  	s1 =	srdreg.scid  }
0x8b: {  	s0 =	sand.u32 $0x1, s1  }
0x8c: {  	s14 =	sshll.u32 s0, $0xA;
	s2 =	sadd.s32 s3, s2  }
0x8d: {  	s2 =	sadd.s32 s2, s14  }
0x8e: {  	[smem:$0x3FBE] =	sst s2  }
0x8f: {  	_ = 	snop  }
0x90: {  	s2 =	sld [smem:$0x3FD0];
	_ =	sdelay $0x2  }
0x91: {  	s15 =	simm.s32 $0xA;
	s4 =	simm.s32 $0x10  }
0x92: {  	[smem:s4], [sflag:s15] =	dma.local [hbm:s2], $0x1  }
0x93: {  	_ =	swait.eq [sflag:s15], $0x1  }
0x94: {  	[sflag:s15] =	ssyncset.done $0x0  }
0x95: {  	[sflag:s15] =	ssyncadd.s32 $0xFFFFFFFF  }
0x96: {  	s16 =	sld [smem:$0x10];
	(tm) =	ssettm $0x1  }
0x97: {  	s17 =	sld [smem:$0x3FFB];
	_ =	sdelay $0x3  }
0x98: {  	_ =	strace s17  }
0x99: {  	s3 =	sld [smem:$0x3FFC];
	_ =	sdelay $0x3  }
0x9a: {  	_ =	strace s3  }
0x9b: {  	s3 =	sld [smem:$0x3FFD];
	_ =	sdelay $0x3  }
0x9c: {  	_ =	strace s3  }
0x9d: {  	_ =	strace $0x8FFFFFFF  }
0x9e: {  	s18 =	sld [smem:$0x3FDB];
	_ =	sdelay $0x1  }
0x9f: {  	s19 =	simm.s32 $_scs_section_size  }
0xa0: {  	s5 =	simm.s32 $_size__tile_overlayer_lowered;
	s6 =	simm.s32 $_tile_overlayer_lowered  }
0xa1: {  	s22 =	simm.s32 $0x1BFF;
	s21 =	sshll.u32 s6, $0x1;
	s3 =	sadd.s32 s19, s18  }
0xa2: {  	s7 =	simm.s32 $0x0;
	s20 =	sshll.u32 s5, $0x1;
	s5 =	sadd.s32 s21, s3  }
0xa3: {  	[timem:s7], [sflag:s22] =	dma.local [hbm:s5], s20  }
0xa4: {  	_ =	swait.ge [sflag:s22], s20  }
0xa5: {  	s4 =	ssub.s32 $0x0, s20;
	[sflag:s22] =	ssyncset.done $0x0  }
0xa6: {  	[sflag:s22] =	ssyncadd.s32 s4;
	_ =	sdelay $0x1  }
0xa7: {  	s23 =	simm.s32 $0x1B8B  }
0xa8: {  	_ =	swait.ge [sflag:s23], $0x1  }
0xa9: {  	[sflag:s23] =	ssyncset.done $0x0  }
0xaa: {  	s25 =	simm.s32 $0x1B8E;
	s24 =	sld [smem:$0x3FFE];
	[sflag:s23] =	ssyncadd.s32 $0xFFFFFFFF  }
0xab: {  	s26 =	simm.s32 $execute0_lowered;
	[smem:$0x3FD2] =	sst s25  }
0xac: {  	s5 =	sshll.u32 s26, $0x1;
	_ =	strace $0x8000004C;
	[dreg:$0x1] =	wrdreg $0xFFFFFFFF  }
0xad: {  	s28 =	simm.s32 $_size_execute0_lowered;
	s3 =	sadd.s32 s3, s5;
	[dreg:$0x0] =	wrdreg $0x0  }
0xae: {  	s5 =	sshll.u32 s28, $0x1;
	[dreg:$0x2] =	wrdreg s3  }
0xaf: {  	[dreg:$0x3] =	wrdreg s5  }
0xb0: {  	[dreg:$0x4] =	wrdreg $0xC0  }
0xb1: {  	_ =	task [dreg:s7], $0x5FFFF  }
0xb2: {  	[dreg:$0x1] =	wrdreg $0xFFFFFFFF  }
0xb3: {  	[dreg:$0x0] =	wrdreg $0x60  }
0xb4: {  	[dreg:$0x2] =	wrdreg s24  }
0xb5: {  	[dreg:$0x3] =	wrdreg s16  }
0xb6: {  	[dreg:$0x4] =	wrdreg $0xA8000  }
0xb7: {  	[dreg:$0x5] =	wrdreg $0x9  }
0xb8: {  	_ =	task.clear_ibuf [dreg:s7], $0x6FFFF;
	_ =	strace $0x9000004C  }
0xb9: {  	s29 =	simm.s32 $0x9;
	_ =	strace $0x8000004E  }
0xba: {  	_ =	swait.ge [sflag:s29], $0x1  }
0xbb: {  	[sflag:s29] =	ssyncadd.s32 $0xFFFFFFFF  }
0xbc: {  	_ =	strace $0x9000004E  }
0xbd: {  	_ =	sfence  }
0xbe: {  	s30 =	sld [smem:$0x0];
	_ =	sdelay $0x2  }
0xbf: {  	s31 =	sshll.u32 s1, $0xD;
	s1 =	sshrl.u32 s1, $0x2  }
0xc0: {  	s3 =	sand.u32 $0x4000, s31;
	s1 =	sadd.s32 s1, s30  }
0xc1: {  	s0 =	sor.u32 s3, s0;
	s1 =	sshll.u32 s1, $0x11  }
0xc2: {  	s0 =	sor.u32 s1, s0  }
0xc3: {  	s0 =	sadd.s32 $0x8F2B, s0  }
0xc4: {  	[sflag:s0] =	ssyncadd.remote.s32 $0x1  }
0xc5: {  	_ =	sfence.sel $0xFFFF  }
0xc6: {  	[dreg:$0x0] =	wrdreg $0xFFFFFFFF;
	(pc) =	sbr.abs _section_cstart, $3  }
0xc7: {  	[dreg:$0x1] =	wrdreg $0xFFFFFFFF  }
0xc8: {  	_ =	task.clear_ibuf [dreg:s7], $0x2FFFF;
	_ =	strace $0x9FFFFFFF  }
0xc9: {  	(tm) =	ssettm $0x7FFFFFFF  }
tec
execute0_lowered:
.L_overlay_start_1:
0x0: {  	(tag) =	ssettag $0x1  }
0x1: {  	s0 =	rddreg [dreg:$0x0]  }
0x2: {  	s14 =	rddreg [dreg:$0x1]  }
0x3: {  	s1 =	rddreg [dreg:$0x2]  }
0x4: {  	s2 =	srdreg.scid;
	s3 =	simm.s32 $0x0;
	s23 =	stileid.u32  }
0x5: {  	s22 =	simm.s32 $0x1400;
	s11 =	sand.u32 $0x1, s2;
	[smem:$0x7FF] =	sst s3  }
0x6: {  	s15 =	smul.u32 $0x2700, s23;
	s12 =	sadd.s32 $0xCC00, s0;
	s13 =	sadd.s32 $0x2C00, s0  }
0x7: {  	s6 =	smul.u32 $0x4E000, s23;
	s17 =	sadd.s32 $0x124800, s1;
	s4 =	sshll.u32 s11, $0x4  }
0x8: {  	_ =	strace $0x8000004D;
	s5 =	ssub.s32 $0x2, s11;
	s29 =	smul.u32 $0x138800, s11  }
0x9: {  	s21 =	smul.u32 $0x27100, s11;
	s7 =	sor.u32 s23, s4;
	s4 =	sadd.s32 $0x16C00, s0  }
0xa: {  	s8 =	sadd.s32 s15, s0;
	s9 =	sshrl.u32 s5, $0x1;
	s20 =	smul.u32 $0xFFFFFFB0, s7  }
0xb: {  	s24 =	sshrl.u32 s6, $0x2;
	s16 =	ssub.s32 s5, s9;
	s10 =	smul.u32 $0x500, s7  }
0xc: {  	s5 =	sadd.s32 s24, s1;
	s25 =	sadd.s32 $0x3DE00, s8;
	s18 =	smul.u32 $0x2800, s7  }
0xd: {  	s7 =	sadd.s32 $0x62700, s0;
	s30 =	sadd.s32 s15, s21;
	[dreg:$0x4] =	wrdreg s5  }
0xe: {  	[dreg:$0x5] =	wrdreg s25;
	s16 =	smax.u32 s16, $0x1;
	p0 =	slt.s32 s20, $0xFFFFF68C  }
0xf: {  	s9 =	sadd.s32 s12, s10;
	s10 =	sadd.s32 s13, s10;
	s28 =	sshrl.u32 s18, $0x3  }
0x10: {  	s18 =	sshrl.u32 s29, $0x3;
	s20 =	simm.s32 @!p0 $0xFFFFF68C;
	s0 =	sadd.s32 $0x280, s28  }
0x11: {  	s31 =	sadd.s32 s14, s18;
	s14 =	sadd.s32 s14, s30;
	p0 =	seq.s32 s23, $0xF  }
0x12: {  	s18 =	simm.s32 $0x3;
	s23 =	simm.s32 $0x0;
	s26 =	smin.u32 s20, $0xFFFFF664  }
0x13: {  	s19 =	smax.u32 s20, $0xFFFFF664;
	s12 =	sadd.s32 s12, s0;
	s13 =	sadd.s32 s13, s0  }
0x14: {  	s15 =	sadd.s32 $0x24900, s31;
	s17 =	sshrl.u32 @p0 s17, $0x3;
	p1 =	slt.u32 s20, $0xFFFFF665  }
0x15: {  	s8 =	sadd.s32 $0x9C4, s26;
	s11 =	sadd.s32 $0x99C, s19;
	s19 =	simm.s32 $0x80  }
.LBB2_1:
0x16: {  	s0 =	simm.s32 @p0 $0x1FC3  }
0x17: {  	[spmem:s17], [sflag:s0] =	dma.local @p0 [hbm:s7], $0x2800  }
0x18: {  	s0 =	simm.s32 @p0 $0x3  }
0x19: {  	_ =	swait.ge @p0 [sflag:s0], $0x2800  }
0x1a: {  	s2 =	stileid.u32;
	[sflag:s0] =	ssyncset.done @p0 $0x0  }
0x1b: {  	s20 =	sshll.u32 @!p0 s2, $0x6;
	[sflag:s0] =	ssyncadd.s32 @p0 $0xFFFFD800;
	s0 =	rddreg [dreg:$0x4]  }
0x1c: {  	s24 =	sor.u32 @!p0 $0x1C03, s20;
	s25 =	sshrl.u32 @!p0 s0, $0x3;
	s0 =	rddreg [dreg:$0x5]  }
0x1d: {  	[spmem:s25], [sflag:s24] =	dma.local @!p0 [hbm:s0], $0x2700  }
0x1e: {  	s0 =	simm.s32 @!p0 $0x3  }
0x1f: {  	_ =	swait.ge @!p0 [sflag:s0], $0x2700  }
0x20: {  	[sflag:s0] =	ssyncset.done @!p0 $0x0  }
0x21: {  	[sflag:s0] =	ssyncadd.s32 @!p0 $0xFFFFD900  }
0x22: {  	[bflag:$0x0] =	sbarrier.arrive $0xFFFF  }
0x23: {  	[tilespmem:s3], [sflag:$0x3] =	stream.linear.gather [hbm4b:s9+s3], $0x1400, $0x38;
	[tilespmem:$0x1E080] =	vst v63  }
0x24: {  	_ =	swait.ge [sflag:s18], $0x1400  }
0x25: {  	[sflag:s18] =	ssyncset.done $0x0  }
0x26: {  	[sflag:s18] =	ssyncadd.s32 $0xFFFFEC00  }
0x27: {  	[tilespmem:s22], [sflag:$0x3] =	stream.linear.gather [hbm4b:s10+s3], $0x1400, $0x38;
	[tilespmem:$0x1E080] =	vst v63  }
0x28: {  	_ =	swait.ge [sflag:s18], $0x1400  }
0x29: {  	[sflag:s18] =	ssyncset.done $0x0  }
0x2a: {  	s21 =	simm.s32 $0x2800;
	p2 =	sle.u32 s8, $0x0;
	[sflag:s18] =	ssyncadd.s32 $0xFFFFEC00  }
0x2b: {  	[tilespmem:s21], [sflag:$0x1] =	stream.indirect.gather [hbm4b:s4+s19], $0x80, s3, s19, $0xb8;
	[tilespmem:$0x1E080] =	vst v63  }
0x2c: {  	s26 =	simm.s32 $0x6800;
	s0 =	simm.s32 @!p2 $0x1;
	p2 =	por p2, p2  }
0x2d: {  	[tilespmem:s26], [sflag:$0x2] =	stream.indirect.gather [hbm4b:s4+s19], $0x80, s19, s19, $0xb8;
	[tilespmem:$0x1E080] =	vst v63  }
0x2e: {  	_ =	swait.ge @!p2 [sflag:s0], $0x4000  }
0x2f: {  	s20 =	simm.s32 @!p2 $0x80;
	[sflag:s0] =	ssyncset.done @!p2 $0x0  }
0x30: {  	s21 =	simm.s32 @!p2 $0x2800;
	s26 =	simm.s32 @!p2 $0x3;
	[sflag:s0] =	ssyncadd.s32 @!p2 $0xFFFFC000  }
0x31: {  	[spmem:s1] =	stream.indirect.scatter.add.f32 @!p2 [tilespmem:s21], [sflag:$0x3], $0x80, s22, s20, $0xb8;
	[tilespmem:$0x1E080] =	vst v63  }
0x32: {  	p4 =	sle.u32 s8, $0x2;
	p3 =	sle.u32 s8, $0x1;
	_ =	swait.ge @!p2 [sflag:s26], $0x4000  }
0x33: {  	s28 =	simm.s32 @!p3 $0x2;
	s0 =	simm.s32 $0x100;
	[sflag:s26] =	ssyncset.done @!p2 $0x0  }
0x34: {  	s20 =	simm.s32 @!p4 $0x80;
	s21 =	simm.s32 @!p4 $0x2800;
	[sflag:s26] =	ssyncadd.s32 @!p2 $0xFFFFC000  }
0x35: {  	[tilespmem:s21], [sflag:$0x1] =	stream.indirect.gather @!p4 [hbm4b:s4+s20], $0x80, s0, s20, $0xb8;
	[tilespmem:$0x1E080] =	vst v63  }
0x36: {  	s31 =	simm.s32 $0x4;
	s30 =	simm.s32 $0x4;
	_ =	swait.ge @!p3 [sflag:s28], $0x4000  }
0x37: {  	s29 =	simm.s32 @!p3 $0x80;
	s26 =	simm.s32 $0x2;
	[sflag:s28] =	ssyncset.done @!p3 $0x0  }
0x38: {  	s21 =	simm.s32 @!p3 $0x6800;
	[sflag:s28] =	ssyncadd.s32 @!p3 $0xFFFFC000;
	s28 =	simm.s32 @!p3 $0x1480  }
0x39: {  	[spmem:s1] =	stream.indirect.scatter.add.f32 @!p3 [tilespmem:s21], [sflag:$0x3], $0x80, s28, s29, $0xb8;
	[tilespmem:$0x1E080] =	vst v63  }
0x3a: {  	p2 =	sle.u32 s8, $0x2;
	s20 =	simm.s32 @!p3 $0x3;
	s28 =	simm.s32 $0x200  }
0x3b: {  	s21 =	simm.s32 $0x3;
	s29 =	simm.s32 $0x1500;
	_ =	swait.ge @!p3 [sflag:s20], $0x4000  }
.LBB2_2:
0x3c: {  	s2 =	simm.s32 @!p2 $0x1;
	[sflag:s20] =	ssyncset.done @!p3 $0x0;
	p4 =	sge.u32 s21, s8  }
0x3d: {  	s21 =	smov.u32 s26;
	s26 =	smov.u32 s31;
	p5 =	por p2, p2  }
0x3e: {  	s31 =	sadd.s32 $0x2, s31;
	p2 =	sge.u32 s26, s8;
	s5 =	simm.s32 @!p4 $0x6800  }
0x3f: {  	s0 =	sadd.s32 @!p4 $0x80, s0;
	[sflag:s20] =	ssyncadd.s32 @!p3 $0xFFFFC000;
	s20 =	simm.s32 @!p4 $0x80  }
0x40: {  	[tilespmem:s5], [sflag:$0x2] =	stream.indirect.gather @!p4 [hbm4b:s4+s20], $0x80, s0, s20, $0xb8;
	[tilespmem:$0x1E080] =	vst v63  }
0x41: {  	s0 =	simm.s32 @!p5 $0x80;
	s5 =	simm.s32 @!p5 $0x2800;
	_ =	swait.ge @!p5 [sflag:s2], $0x4000  }
0x42: {  	p4 =	sne.s32 s31, $0x28;
	s20 =	sadd.s32 $0x1, s21;
	[sflag:s2] =	ssyncset.done @!p5 $0x0  }
0x43: {  	p6 =	sge.u32 s30, s8;
	[sflag:s2] =	ssyncadd.s32 @!p5 $0xFFFFC000;
	s2 =	simm.s32 @!p5 $0x3  }
0x44: {  	[spmem:s1] =	stream.indirect.scatter.add.f32 @!p5 [tilespmem:s5], [sflag:$0x3], $0x80, s29, s0, $0xb8;
	[tilespmem:$0x1E080] =	vst v63  }
0x45: {  	s6 =	simm.s32 @!p6 $0x2800;
	s5 =	simm.s32 @!p6 $0x80;
	_ =	swait.ge @!p5 [sflag:s2], $0x4000  }
0x46: {  	s30 =	smov.u32 s31;
	p3 =	sge.u32 s20, s8;
	[sflag:s2] =	ssyncset.done @!p5 $0x0  }
0x47: {  	s0 =	smov.u32 s28;
	[sflag:s2] =	ssyncadd.s32 @!p5 $0xFFFFC000;
	s2 =	simm.s32 @!p3 $0x2  }
0x48: {  	[tilespmem:s6], [sflag:$0x1] =	stream.indirect.gather @!p6 [hbm4b:s4+s5], $0x80, s28, s5, $0xb8;
	[tilespmem:$0x1E080] =	vst v63  }
.Ltmp0:
0x49: {  	s28 =	sadd.s32 $0x100, s28;
	_ =	swait.ge @!p3 [sflag:s2], $0x4000;
	(pc) =	sbr.rel @p4 .LBB2_2-.Ltmp0, $4  }
0x4a: {  	s20 =	simm.s32 @!p3 $0x3;
	s5 =	simm.s32 @!p3 $0x6800;
	[sflag:s2] =	ssyncset.done @!p3 $0x0  }
0x4b: {  	s6 =	simm.s32 @!p3 $0x80;
	[sflag:s2] =	ssyncadd.s32 @!p3 $0xFFFFC000;
	s2 =	sadd.s32 @!p3 $0x80, s29  }
0x4c: {  	[spmem:s1] =	stream.indirect.scatter.add.f32 @!p3 [tilespmem:s5], [sflag:$0x3], $0x80, s2, s6, $0xb8;
	[tilespmem:$0x1E080] =	vst v63  }
0x4d: {  	s21 =	sadd.s32 $0x3, s21;
	s29 =	sadd.s32 $0x100, s29;
	_ =	swait.ge @!p3 [sflag:s20], $0x4000  }
0x4e: {  	s2 =	simm.s32 @!p2 $0x1;
	p4 =	sge.u32 s21, s8  }
0x4f: {  	[sflag:s20] =	ssyncset.done @!p3 $0x0;
	p2 =	por p2, p2;
	s5 =	simm.s32 @!p4 $0x6800  }
0x50: {  	[sflag:s20] =	ssyncadd.s32 @!p3 $0xFFFFC000;
	s0 =	sadd.s32 @!p4 $0x80, s0;
	s6 =	simm.s32 @!p4 $0x80  }
0x51: {  	[tilespmem:s5], [sflag:$0x2] =	stream.indirect.gather @!p4 [hbm4b:s4+s6], $0x80, s0, s6, $0xb8;
	[tilespmem:$0x1E080] =	vst v63  }
0x52: {  	_ =	swait.ge @!p2 [sflag:s2], $0x4000  }
0x53: {  	s0 =	simm.s32 @!p2 $0x80;
	[sflag:s2] =	ssyncset.done @!p2 $0x0  }
0x54: {  	s5 =	simm.s32 @!p2 $0x2800;
	[sflag:s2] =	ssyncadd.s32 @!p2 $0xFFFFC000;
	s2 =	simm.s32 @!p2 $0x3  }
0x55: {  	[spmem:s1] =	stream.indirect.scatter.add.f32 @!p2 [tilespmem:s5], [sflag:$0x3], $0x80, s29, s0, $0xb8;
	[tilespmem:$0x1E080] =	vst v63  }
0x56: {  	s21 =	sadd.s32 $0x1, s26;
	p4 =	sge.u32 s30, s8;
	_ =	swait.ge @!p2 [sflag:s2], $0x4000  }
0x57: {  	p3 =	sge.u32 s21, s8;
	s5 =	simm.s32 @!p4 $0x80;
	[sflag:s2] =	ssyncset.done @!p2 $0x0  }
0x58: {  	s0 =	simm.s32 @!p4 $0x2800;
	[sflag:s2] =	ssyncadd.s32 @!p2 $0xFFFFC000;
	s2 =	simm.s32 @!p3 $0x2  }
0x59: {  	[tilespmem:s0], [sflag:$0x1] =	stream.indirect.gather @!p4 [hbm4b:s4+s5], $0x80, s28, s5, $0xb8;
	[tilespmem:$0x1E080] =	vst v63  }
0x5a: {  	_ =	swait.ge @!p3 [sflag:s2], $0x4000  }
0x5b: {  	s0 =	simm.s32 @!p3 $0x6800;
	[sflag:s2] =	ssyncset.done @!p3 $0x0  }
0x5c: {  	s5 =	simm.s32 @!p3 $0x80;
	[sflag:s2] =	ssyncadd.s32 @!p3 $0xFFFFC000;
	s2 =	sadd.s32 @!p3 $0x80, s29  }
0x5d: {  	[spmem:s1] =	stream.indirect.scatter.add.f32 @!p3 [tilespmem:s0], [sflag:$0x3], $0x80, s2, s5, $0xb8;
	[tilespmem:$0x1E080] =	vst v63  }
0x5e: {  	s26 =	sadd.s32 $0x3, s26;
	s0 =	simm.s32 @!p3 $0x3  }
0x5f: {  	p2 =	sge.u32 s26, s8;
	_ =	swait.ge @!p3 [sflag:s0], $0x4000  }
0x60: {  	s2 =	simm.s32 @!p2 $0x6800;
	[sflag:s0] =	ssyncset.done @!p3 $0x0  }
0x61: {  	s5 =	simm.s32 @!p2 $0x80;
	[sflag:s0] =	ssyncadd.s32 @!p3 $0xFFFFC000;
	s0 =	sadd.s32 @!p2 $0x80, s28  }
0x62: {  	[tilespmem:s2], [sflag:$0x2] =	stream.indirect.gather @!p2 [hbm4b:s4+s5], $0x80, s0, s5, $0xb8;
	[tilespmem:$0x1E080] =	vst v63  }
0x63: {  	_ = 	snop  }
0x64: {  	[tilespmem:s3], [sflag:$0x3] =	stream.linear.gather [hbm4b:s12+s3], $0x1400, $0x38;
	[tilespmem:$0x1E080] =	vst v63  }
0x65: {  	_ =	swait.ge [sflag:s18], $0x1400  }
0x66: {  	[sflag:s18] =	ssyncset.done $0x0  }
0x67: {  	[sflag:s18] =	ssyncadd.s32 $0xFFFFEC00  }
0x68: {  	[tilespmem:s22], [sflag:$0x3] =	stream.linear.gather [hbm4b:s13+s3], $0x1400, $0x38;
	[tilespmem:$0x1E080] =	vst v63  }
0x69: {  	_ =	swait.ge [sflag:s18], $0x1400  }
0x6a: {  	s0 =	simm.s32 @!p1 $0x80;
	[sflag:s18] =	ssyncset.done $0x0  }
0x6b: {  	s2 =	simm.s32 @!p1 $0x0;
	s5 =	simm.s32 @!p1 $0x2800;
	[sflag:s18] =	ssyncadd.s32 $0xFFFFEC00  }
0x6c: {  	[tilespmem:s5], [sflag:$0x1] =	stream.indirect.gather @!p1 [hbm4b:s4+s0], $0x80, s2, s0, $0xb8;
	[tilespmem:$0x1E080] =	vst v63  }
0x6d: {  	p2 =	sle.u32 s11, $0x0;
	s2 =	simm.s32 @!p1 $0x6800  }
0x6e: {  	[tilespmem:s2], [sflag:$0x2] =	stream.indirect.gather @!p1 [hbm4b:s4+s0], $0x80, s0, s0, $0xb8;
	[tilespmem:$0x1E080] =	vst v63  }
0x6f: {  	s31 =	simm.s32 $0x4;
	s0 =	simm.s32 @!p2 $0x1;
	p2 =	por p2, p2  }
0x70: {  	s21 =	simm.s32 $0x3;
	s30 =	simm.s32 $0x4;
	_ =	swait.ge @!p2 [sflag:s0], $0x4000  }
0x71: {  	s2 =	simm.s32 $0x1400;
	s5 =	simm.s32 @!p2 $0x80;
	[sflag:s0] =	ssyncset.done @!p2 $0x0  }
0x72: {  	s6 =	simm.s32 @!p2 $0x2800;
	s20 =	simm.s32 @!p2 $0x3;
	[sflag:s0] =	ssyncadd.s32 @!p2 $0xFFFFC000  }
0x73: {  	[spmem:s1] =	stream.indirect.scatter.add.f32 @!p2 [tilespmem:s6], [sflag:$0x3], $0x80, s2, s5, $0xb8;
	[tilespmem:$0x1E080] =	vst v63  }
0x74: {  	p4 =	sle.u32 s11, $0x2;
	p3 =	sle.u32 s11, $0x1;
	_ =	swait.ge @!p2 [sflag:s20], $0x4000  }
0x75: {  	s0 =	simm.s32 $0x100;
	s2 =	simm.s32 @!p4 $0x80;
	[sflag:s20] =	ssyncset.done @!p2 $0x0  }
0x76: {  	s5 =	simm.s32 @!p4 $0x2800;
	s6 =	simm.s32 @!p3 $0x2;
	[sflag:s20] =	ssyncadd.s32 @!p2 $0xFFFFC000  }
0x77: {  	[tilespmem:s5], [sflag:$0x1] =	stream.indirect.gather @!p4 [hbm4b:s4+s2], $0x80, s0, s2, $0xb8;
	[tilespmem:$0x1E080] =	vst v63  }
0x78: {  	s26 =	simm.s32 $0x2;
	s29 =	simm.s32 $0x1500;
	_ =	swait.ge @!p3 [sflag:s6], $0x4000  }
0x79: {  	s20 =	simm.s32 @!p3 $0x3;
	s2 =	simm.s32 @!p3 $0x6800;
	[sflag:s6] =	ssyncset.done @!p3 $0x0  }
0x7a: {  	s5 =	simm.s32 @!p3 $0x1480;
	[sflag:s6] =	ssyncadd.s32 @!p3 $0xFFFFC000;
	s6 =	simm.s32 @!p3 $0x80  }
0x7b: {  	[spmem:s1] =	stream.indirect.scatter.add.f32 @!p3 [tilespmem:s2], [sflag:$0x3], $0x80, s5, s6, $0xb8;
	[tilespmem:$0x1E080] =	vst v63  }
0x7c: {  	s28 =	simm.s32 $0x200;
	p2 =	sle.u32 s11, $0x2;
	_ =	swait.ge @!p3 [sflag:s20], $0x4000  }
.LBB2_4:
0x7d: {  	s2 =	simm.s32 @!p2 $0x1;
	[sflag:s20] =	ssyncset.done @!p3 $0x0;
	p4 =	sge.u32 s21, s11  }
0x7e: {  	s5 =	smov.u32 s26;
	s26 =	smov.u32 s31;
	p5 =	por p2, p2  }
0x7f: {  	s31 =	sadd.s32 $0x2, s31;
	p2 =	sge.u32 s26, s11;
	s6 =	simm.s32 @!p4 $0x6800  }
0x80: {  	s0 =	sadd.s32 @!p4 $0x80, s0;
	[sflag:s20] =	ssyncadd.s32 @!p3 $0xFFFFC000;
	s20 =	simm.s32 @!p4 $0x80  }
0x81: {  	[tilespmem:s6], [sflag:$0x2] =	stream.indirect.gather @!p4 [hbm4b:s4+s20], $0x80, s0, s20, $0xb8;
	[tilespmem:$0x1E080] =	vst v63  }
0x82: {  	s0 =	simm.s32 @!p5 $0x80;
	s6 =	simm.s32 @!p5 $0x2800;
	_ =	swait.ge @!p5 [sflag:s2], $0x4000  }
0x83: {  	p4 =	sne.s32 s31, $0x28;
	s20 =	sadd.s32 $0x1, s5;
	[sflag:s2] =	ssyncset.done @!p5 $0x0  }
0x84: {  	p6 =	sge.u32 s30, s11;
	[sflag:s2] =	ssyncadd.s32 @!p5 $0xFFFFC000;
	s2 =	simm.s32 @!p5 $0x3  }
0x85: {  	[spmem:s1] =	stream.indirect.scatter.add.f32 @!p5 [tilespmem:s6], [sflag:$0x3], $0x80, s29, s0, $0xb8;
	[tilespmem:$0x1E080] =	vst v63  }
0x86: {  	s21 =	simm.s32 @!p6 $0x2800;
	s6 =	simm.s32 @!p6 $0x80;
	_ =	swait.ge @!p5 [sflag:s2], $0x4000  }
0x87: {  	s30 =	smov.u32 s31;
	p3 =	sge.u32 s20, s11;
	[sflag:s2] =	ssyncset.done @!p5 $0x0  }
0x88: {  	s0 =	smov.u32 s28;
	[sflag:s2] =	ssyncadd.s32 @!p5 $0xFFFFC000;
	s2 =	simm.s32 @!p3 $0x2  }
0x89: {  	[tilespmem:s21], [sflag:$0x1] =	stream.indirect.gather @!p6 [hbm4b:s4+s6], $0x80, s28, s6, $0xb8;
	[tilespmem:$0x1E080] =	vst v63  }
.Ltmp1:
0x8a: {  	s28 =	sadd.s32 $0x100, s28;
	_ =	swait.ge @!p3 [sflag:s2], $0x4000;
	(pc) =	sbr.rel @p4 .LBB2_4-.Ltmp1, $4  }
0x8b: {  	s20 =	simm.s32 @!p3 $0x3;
	s6 =	simm.s32 @!p3 $0x6800;
	[sflag:s2] =	ssyncset.done @!p3 $0x0  }
0x8c: {  	s21 =	simm.s32 @!p3 $0x80;
	[sflag:s2] =	ssyncadd.s32 @!p3 $0xFFFFC000;
	s2 =	sadd.s32 @!p3 $0x80, s29  }
0x8d: {  	[spmem:s1] =	stream.indirect.scatter.add.f32 @!p3 [tilespmem:s6], [sflag:$0x3], $0x80, s2, s21, $0xb8;
	[tilespmem:$0x1E080] =	vst v63  }
0x8e: {  	s29 =	sadd.s32 $0x100, s29;
	s21 =	sadd.s32 $0x3, s5;
	_ =	swait.ge @!p3 [sflag:s20], $0x4000  }
0x8f: {  	s2 =	simm.s32 @!p2 $0x1;
	p4 =	sge.u32 s21, s11  }
0x90: {  	[sflag:s20] =	ssyncset.done @!p3 $0x0;
	p2 =	por p2, p2;
	s5 =	simm.s32 @!p4 $0x6800  }
0x91: {  	[sflag:s20] =	ssyncadd.s32 @!p3 $0xFFFFC000;
	s0 =	sadd.s32 @!p4 $0x80, s0;
	s6 =	simm.s32 @!p4 $0x80  }
0x92: {  	[tilespmem:s5], [sflag:$0x2] =	stream.indirect.gather @!p4 [hbm4b:s4+s6], $0x80, s0, s6, $0xb8;
	[tilespmem:$0x1E080] =	vst v63  }
0x93: {  	_ =	swait.ge @!p2 [sflag:s2], $0x4000  }
0x94: {  	s0 =	simm.s32 @!p2 $0x80;
	[sflag:s2] =	ssyncset.done @!p2 $0x0  }
0x95: {  	s5 =	simm.s32 @!p2 $0x2800;
	[sflag:s2] =	ssyncadd.s32 @!p2 $0xFFFFC000;
	s2 =	simm.s32 @!p2 $0x3  }
0x96: {  	[spmem:s1] =	stream.indirect.scatter.add.f32 @!p2 [tilespmem:s5], [sflag:$0x3], $0x80, s29, s0, $0xb8;
	[tilespmem:$0x1E080] =	vst v63  }
0x97: {  	s21 =	sadd.s32 $0x1, s26;
	p4 =	sge.u32 s30, s11;
	_ =	swait.ge @!p2 [sflag:s2], $0x4000  }
0x98: {  	p3 =	sge.u32 s21, s11;
	s5 =	simm.s32 @!p4 $0x80;
	[sflag:s2] =	ssyncset.done @!p2 $0x0  }
0x99: {  	s0 =	simm.s32 @!p4 $0x2800;
	[sflag:s2] =	ssyncadd.s32 @!p2 $0xFFFFC000;
	s2 =	simm.s32 @!p3 $0x2  }
0x9a: {  	[tilespmem:s0], [sflag:$0x1] =	stream.indirect.gather @!p4 [hbm4b:s4+s5], $0x80, s28, s5, $0xb8;
	[tilespmem:$0x1E080] =	vst v63  }
0x9b: {  	_ =	swait.ge @!p3 [sflag:s2], $0x4000  }
0x9c: {  	s0 =	simm.s32 @!p3 $0x6800;
	[sflag:s2] =	ssyncset.done @!p3 $0x0  }
0x9d: {  	s5 =	simm.s32 @!p3 $0x80;
	[sflag:s2] =	ssyncadd.s32 @!p3 $0xFFFFC000;
	s2 =	sadd.s32 @!p3 $0x80, s29  }
0x9e: {  	[spmem:s1] =	stream.indirect.scatter.add.f32 @!p3 [tilespmem:s0], [sflag:$0x3], $0x80, s2, s5, $0xb8;
	[tilespmem:$0x1E080] =	vst v63  }
0x9f: {  	s31 =	sadd.s32 $0x3, s26;
	s0 =	simm.s32 @!p3 $0x3  }
0xa0: {  	p2 =	sge.u32 s31, s11;
	_ =	swait.ge @!p3 [sflag:s0], $0x4000  }
0xa1: {  	s2 =	simm.s32 @!p2 $0x6800;
	[sflag:s0] =	ssyncset.done @!p3 $0x0  }
0xa2: {  	s5 =	simm.s32 @!p2 $0x80;
	[sflag:s0] =	ssyncadd.s32 @!p3 $0xFFFFC000;
	s0 =	sadd.s32 @!p2 $0x80, s28  }
0xa3: {  	[tilespmem:s2], [sflag:$0x2] =	stream.indirect.gather @!p2 [hbm4b:s4+s5], $0x80, s0, s5, $0xb8;
	[tilespmem:$0x1E080] =	vst v63  }
0xa4: {  	s0 =	simm.s32 @p0 $0x1FC3;
	[bflag:$0x0] =	sbarrier.arrive $0xFFFF  }
0xa5: {  	[hbm:s15], [sflag:s0] =	dma.local @p0 [spmem:s17], $0x2800  }
0xa6: {  	s0 =	simm.s32 @p0 $0x3  }
0xa7: {  	s23 =	sadd.s32 $0x1, s23;
	_ =	swait.ge @p0 [sflag:s0], $0x2800  }
0xa8: {  	p2 =	sne.s32 s23, s16;
	[sflag:s0] =	ssyncset.done @p0 $0x0  }
.Ltmp2:
0xa9: {  	[sflag:s0] =	ssyncadd.s32 @p0 $0xFFFFD800;
	s0 =	simm.s32 @!p0 $0x3;
	(pc) =	sbr.rel @p2 .LBB2_1-.Ltmp2, $4  }
0xaa: {  	[hbm:s14], [sflag:s24] =	dma.local @!p0 [spmem:s25], $0x2700  }
0xab: {  	_ =	swait.ge @!p0 [sflag:s0], $0x2700  }
0xac: {  	[sflag:s0] =	ssyncset.done @!p0 $0x0  }
0xad: {  	[sflag:s0] =	ssyncadd.s32 @!p0 $0xFFFFD900  }
0xae: {  	_ =	sfence.sel $0x180000  }
0xaf: {  	[bflag:$0x0] =	sbarrier.arrive $0xFFFF  }
0xb0: {  	_ =	strace $0x9000004D  }
0xb1: {  	s0 =	stileid.u32;
	[bflag:$0x2] =	sbarrier.arrive $0xFFFF  }
0xb2: {  	p0 =	sne.s32 s0, $0x0;
	s0 =	rddreg [dreg:$0x3]  }
0xb3: {  	s0 =	sadd.s32 @!p0 $0x100000, s0  }
0xb4: {  	[sflag:s0] =	ssyncadd.tile.s32 @!p0 $0x1;
	_ =	shalt  }
.Lfunc_end2:
_tile_overlayer_lowered:
.L_overlay_start_2:
0xb5: {  	(tag) =	ssettag $0x2  }
0xb6: {  	s0 =	rddreg [dreg:$0x0];
	s2 =	stileid.u32  }
0xb7: {  	s1 =	rddreg [dreg:$0x1];
	p0 =	sne.s32 s2, $0x0  }
0xb8: {  	s3 =	rddreg [dreg:$0x2];
	[bflag:$0x3] =	sbarrier.arrive $0xFFFF;
	s2 =	simm.s32 @!p0 $0x1C03  }
0xb9: {  	[timem:s3], [sflag:s2] =	dma.local @!p0 [hbm:s0], s1  }
0xba: {  	s0 =	simm.s32 @!p0 $0x3  }
0xbb: {  	_ =	swait.ge @!p0 [sflag:s0], s1  }
0xbc: {  	s1 =	ssub.s32 @!p0 $0x0, s1;
	[sflag:s0] =	ssyncset.done @!p0 $0x0  }
0xbd: {  	[sflag:s0] =	ssyncadd.s32 @!p0 s1  }
0xbe: {  	[bflag:$0x3] =	sbarrier.arrive $0xFFFF  }
0xbf: {  	_ =	shalt  }

</sc_bundles>
